<compile_context>
chip_gen: v7x
topology: tpu7x:2x2x1
jax: 0.10.2.dev20260603
libtpu: 0.0.44.dev20260713+nightly
codegen_flags: <defaults>
</compile_context>

<pallas_src>
import jax
import jax.numpy as jnp
from jax import lax
from jax.experimental import pallas as pl
from jax.experimental.pallas import tpu as pltpu
from jax.experimental.pallas import tpu_sc as plsc

_NC = 2
_NS = 16
_K = 128
_L = 16
_W = 4


_P0 = 0.29


def _split(e):
    total_chunks = -(-e // _K)
    total_chunks = -(-total_chunks // (2 * _NS)) * (2 * _NS)
    t2 = total_chunks // _NS
    c0 = max(2, round(_P0 * t2))
    c1 = ((t2 - c0) // (2 * _W)) * (2 * _W)
    c0 = t2 - c1
    return c0, c1


def _make_segsum(n_rows, n_pad, f, c0, c1, with_deg):
    stripe = n_pad // _NS
    nw1 = c1 // _W
    mesh = plsc.VectorSubcoreMesh(core_axis_name="core", subcore_axis_name="subcore")
    out_type = [jax.ShapeDtypeStruct((_NC, n_pad, f), jnp.float32)]
    scratch = [
        pltpu.VMEM_SHARED((n_pad, f), jnp.float32),
        pltpu.VMEM((c0, _K), jnp.int32),
        pltpu.VMEM((c0, _K), jnp.int32),
        pltpu.VMEM((2 * _W, _K), jnp.int32),
        pltpu.VMEM((2 * _W, _K), jnp.int32),
        pltpu.VMEM((_K, f), jnp.float32),
        pltpu.VMEM((_K, f), jnp.float32),
        pltpu.SemaphoreType.DMA,
        pltpu.SemaphoreType.DMA,
        pltpu.SemaphoreType.DMA,
        pltpu.SemaphoreType.DMA,
    ]
    if with_deg:
        out_type.append(jax.ShapeDtypeStruct((_NC, n_pad), jnp.float32))
        scratch += [
            pltpu.VMEM((_K,), jnp.float32),
            pltpu.VMEM((stripe,), jnp.float32),
            pltpu.VMEM_SHARED((n_pad,), jnp.float32),
        ]

    def body(vals, src0, dst0, adj1, out, *rest):
        if with_deg:
            deg_out = rest[0]
            rest = rest[1:]
        acc, idx0s, idx0d, ib0, ib1, r0, r1, g0, g1, i0, i1 = rest[:11]
        if with_deg:
            ones, zdeg, accd = rest[11:]
        idxb = (ib0, ib1)
        rows = (r0, r1)
        gsem = (g0, g1)
        isem = (i0, i1)
        c = lax.axis_index("core")
        s = lax.axis_index("subcore")

        zvec = jnp.zeros((_L,), jnp.float32)

        @pl.loop(0, 64)
        def _(i):
            @pl.loop(0, f, step=_L)
            def _(j):
                r0[i, pl.ds(j, _L)] = zvec

        @pl.loop(0, stripe, step=64)
        def _(r):
            pltpu.sync_copy(r0.at[pl.ds(0, 64)],
                            acc.at[pl.ds(s * stripe + r, 64)])

        if with_deg:
            ovec = jnp.ones((_L,), jnp.float32)

            @pl.loop(0, _K, step=_L)
            def _(j):
                ones[pl.ds(j, _L)] = ovec

            @pl.loop(0, stripe, step=_L)
            def _(j):
                zdeg[pl.ds(j, _L)] = zvec

            pltpu.sync_copy(zdeg, accd.at[pl.ds(s * stripe, stripe)])

        plsc.subcore_barrier()

        @pl.when(c == 0)
        def _():
            pltpu.sync_copy(src0.at[s], idx0s)
            pltpu.sync_copy(dst0.at[s], idx0d)

            @pl.loop(0, c0)
            def _(j):
                pltpu.sync_copy(vals.at[idx0s.at[j]], r0)
                pltpu.sync_copy(r0, acc.at[idx0d.at[j]], add=True)
                if with_deg:
                    pltpu.sync_copy(ones, accd.at[idx0d.at[j]], add=True)

        @pl.when(c == 1)
        def _():
            pltpu.sync_copy(adj1.at[s, 0], idxb[0])
            pltpu.async_copy(adj1.at[s, 1], idxb[1], isem[1])
            pltpu.async_copy(vals.at[idxb[0].at[0]], rows[0], gsem[0])
            pltpu.async_copy(vals.at[idxb[0].at[1]], rows[1], gsem[1])

            def half(w, p):
                ib = idxb[p]
                ibn = idxb[1 - p]
                for k in range(_W):
                    b = k % 2
                    pltpu.make_async_copy(
                        vals.at[ib.at[k]], rows[b], gsem[b]).wait()
                    pltpu.sync_copy(rows[b], acc.at[ib.at[_W + k]], add=True)
                    if with_deg:
                        pltpu.sync_copy(ones, accd.at[ib.at[_W + k]],
                                        add=True)
                    if k + 2 < _W:
                        pltpu.async_copy(vals.at[ib.at[k + 2]], rows[b],
                                         gsem[b])
                    elif k == _W - 2:
                        @pl.when(w + 1 < nw1)
                        def _():
                            pltpu.make_async_copy(adj1.at[s, w + 1], ibn,
                                                  isem[1 - p]).wait()
                            pltpu.async_copy(vals.at[ibn.at[0]], rows[b],
                                             gsem[b])
                    else:
                        @pl.when(w + 1 < nw1)
                        def _():
                            pltpu.async_copy(vals.at[ibn.at[1]], rows[b],
                                             gsem[b])

                @pl.when(w + 2 < nw1)
                def _():
                    pltpu.async_copy(adj1.at[s, w + 2], idxb[p], isem[p])

            @pl.loop(0, nw1, step=2)
            def _(w):
                half(w, 0)
                half(w + 1, 1)

        plsc.subcore_barrier()

        pltpu.sync_copy(acc.at[pl.ds(s * stripe, stripe)],
                        out.at[c, pl.ds(s * stripe, stripe)])
        if with_deg:
            pltpu.sync_copy(accd.at[pl.ds(s * stripe, stripe)],
                            deg_out.at[c, pl.ds(s * stripe, stripe)])

    return pl.kernel(body, out_type=tuple(out_type), mesh=mesh,
                     scratch_types=scratch)


def _tc_layer1(s1, deg3, W1, b1, blk):
    n_pad, f_in = s1.shape[1], s1.shape[2]
    h_dim = W1.shape[1]

    def body(p_ref, d_ref, w1_ref, b1_ref, o_ref):
        ssum = p_ref[0] + p_ref[1]
        dsum = d_ref[0] + d_ref[1]
        norm = 1.0 / jnp.maximum(dsum, 1.0)
        agg = jnp.dot(ssum, w1_ref[...], preferred_element_type=jnp.float32)
        agg = (agg + dsum * b1_ref[...]) * norm
        o_ref[...] = jnp.maximum(agg, 0.0)

    return pl.pallas_call(
        body,
        grid=(n_pad // blk,),
        in_specs=[
            pl.BlockSpec((_NC, blk, f_in), lambda i: (0, i, 0)),
            pl.BlockSpec((_NC, blk, 1), lambda i: (0, i, 0)),
            pl.BlockSpec((f_in, h_dim), lambda i: (0, 0)),
            pl.BlockSpec((1, h_dim), lambda i: (0, 0)),
        ],
        out_specs=pl.BlockSpec((blk, h_dim), lambda i: (i, 0)),
        out_shape=jax.ShapeDtypeStruct((n_pad, h_dim), jnp.float32),
    )(s1, deg3, W1, b1.reshape(1, h_dim))


def _tc_layer2(s2, deg3, W2, b2, blk):
    n_pad, h_dim = s2.shape[1], s2.shape[2]
    c_dim = W2.shape[1]

    def body(p_ref, d_ref, w2_ref, b2_ref, o_ref):
        ssum = p_ref[0] + p_ref[1]
        dsum = d_ref[0] + d_ref[1]
        norm = 1.0 / jnp.maximum(dsum, 1.0)
        agg = jnp.dot(ssum, w2_ref[...], preferred_element_type=jnp.float32)
        v = (agg + dsum * b2_ref[...]) * norm
        m = jnp.max(v, axis=1, keepdims=True)
        e = jnp.exp(v - m)
        lse = jnp.log(jnp.sum(e, axis=1, keepdims=True))
        o_ref[...] = (v - m) - lse

    return pl.pallas_call(
        body,
        grid=(n_pad // blk,),
        in_specs=[
            pl.BlockSpec((_NC, blk, h_dim), lambda i: (0, i, 0)),
            pl.BlockSpec((_NC, blk, 1), lambda i: (0, i, 0)),
            pl.BlockSpec((h_dim, c_dim), lambda i: (0, 0)),
            pl.BlockSpec((1, c_dim), lambda i: (0, 0)),
        ],
        out_specs=pl.BlockSpec((blk, c_dim), lambda i: (i, 0)),
        out_shape=jax.ShapeDtypeStruct((n_pad, c_dim), jnp.float32),
    )(s2, deg3, W2, b2.reshape(1, c_dim))


def kernel(x, adj, W1, b1, W2, b2):
    n, f_in = x.shape
    h_dim = W1.shape[1]
    c_dim = W2.shape[1]
    e = adj.shape[1]

    n_pad = ((n + 1023) // 1024) * 1024
    c0, c1 = _split(e)
    e_pad = _NS * (c0 + c1) * _K

    src = adj[0].astype(jnp.int32)
    dst = adj[1].astype(jnp.int32)
    pad_dst = n + jnp.arange(e_pad - e, dtype=jnp.int32) % (n_pad - n)
    srcf = jnp.concatenate([src, jnp.zeros((e_pad - e,), jnp.int32)])
    dstf = jnp.concatenate([dst, pad_dst])

    e0 = _NS * c0 * _K
    src0 = srcf[:e0].reshape(_NS, c0, _K)
    dst0 = dstf[:e0].reshape(_NS, c0, _K)
    adj1 = jnp.concatenate(
        [srcf[e0:].reshape(_NS, c1 // _W, _W, _K),
         dstf[e0:].reshape(_NS, c1 // _W, _W, _K)],
        axis=2)

    seg1 = _make_segsum(n, n_pad, f_in, c0, c1, with_deg=True)
    s1, deg = seg1(x, src0, dst0, adj1)
    deg3 = deg.reshape(_NC, n_pad, 1)

    h = _tc_layer1(s1, deg3, W1, b1, blk=512)

    seg2 = _make_segsum(n_pad, n_pad, h_dim, c0, c1, with_deg=False)
    (s2,) = seg2(h, src0, dst0, adj1)

    out = _tc_layer2(s2, deg3, W2, b2, blk=512)
    return out[:n]

# --- scband reference (transcript-rebuilt; emitter-appended) ---
"""Pipeline reference for scband-multi-layer-gcn-83038897701402 (READ-ONLY COPY).

The authoritative reference and input builder live on the scoring server;
editing this copy changes nothing except your own understanding.
"""

import jax, jax.numpy as jnp
import numpy as np

N = 10000
E = 320000
F_IN = 128
H = 128
C = 64


def setup_inputs(seed: int = 0) -> dict:
    key = jax.random.key(seed)
    k1, k2, k3, k4, k5, k6 = jax.random.split(key, 6)
    x = jax.random.normal(k1, (N, F_IN), dtype=jnp.float32)
    adj = jax.random.randint(k2, (2, E), 0, N).astype(jnp.int64)
    W1 = jax.random.normal(k3, (F_IN, H), dtype=jnp.float32) * (1.0 / np.sqrt(F_IN))
    b1 = jnp.zeros((H,), dtype=jnp.float32)
    W2 = jax.random.normal(k4, (H, C), dtype=jnp.float32) * (1.0 / np.sqrt(H))
    b2 = jnp.zeros((C,), dtype=jnp.float32)
    return {"x": x, "adj": adj, "W1": W1, "b1": b1, "W2": W2, "b2": b2}


def reference(x, adj, W1, b1, W2, b2):
    n = x.shape[0]
    src = adj[0]
    dst = adj[1]
    # degree normalization of sparse adjacency (row-normalized A)
    deg = jnp.zeros((n,), dtype=jnp.float32).at[dst].add(1.0)
    norm = 1.0 / jnp.clip(deg, 1.0)
    # GCN layer 1: A_hat @ (x W1 + b1)
    h = x @ W1 + b1
    agg = jax.ops.segment_sum(h[src], dst, num_segments=n) * norm[:, None]
    h = jax.nn.relu(agg)
    # dropout is identity in eval / deterministic reference
    # GCN layer 2: A_hat @ (h W2 + b2)
    h = h @ W2 + b2
    agg = jax.ops.segment_sum(h[src], dst, num_segments=n) * norm[:, None]
    return jax.nn.log_softmax(agg, axis=1)

if __name__ == "__main__":
    import jax
    _d = setup_inputs()
    print(jax.jit(kernel)(*tuple(_d.values())))

</pallas_src>

<mosaic_0001>
#map = affine_map<(d0, d1) -> (0, 0)>
#map1 = affine_map<(d0, d1) -> (0, 0, 0)>
#map2 = affine_map<(d0, d1) -> (0, 0, 0, 0)>
module attributes {stable_mosaic.version = 14 : i64} {
  func.func @body(%arg0: i32, %arg1: i32, %arg2: memref<10240x128xf32, #tpu.memory_space<hbm>>, %arg3: memref<16x46x128xi32, #tpu.memory_space<hbm>>, %arg4: memref<16x46x128xi32, #tpu.memory_space<hbm>>, %arg5: memref<16x28x8x128xi32, #tpu.memory_space<hbm>>, %arg6: memref<2x10240x128xf32, #tpu.memory_space<hbm>>, %arg7: memref<10240x128xf32, #tpu.memory_space<vmem_shared>>, %arg8: memref<46x128xi32, #tpu.memory_space<vmem>>, %arg9: memref<46x128xi32, #tpu.memory_space<vmem>>, %arg10: memref<8x128xi32, #tpu.memory_space<vmem>>, %arg11: memref<8x128xi32, #tpu.memory_space<vmem>>, %arg12: memref<128x128xf32, #tpu.memory_space<vmem>>, %arg13: memref<128x128xf32, #tpu.memory_space<vmem>>, %arg14: memref<!tpu.dma_semaphore, #tpu.memory_space<semaphore_mem>>, %arg15: memref<!tpu.dma_semaphore, #tpu.memory_space<semaphore_mem>>, %arg16: memref<!tpu.dma_semaphore, #tpu.memory_space<semaphore_mem>>, %arg17: memref<!tpu.dma_semaphore, #tpu.memory_space<semaphore_mem>>) attributes {dimension_semantics = [#tpu.dimension_semantics<core_parallel>, #tpu.dimension_semantics<subcore_parallel>], iteration_bounds = array<i64: 2, 16>, scalar_prefetch = 0 : i64, scratch_operands = 11 : i64, tpu.core_type = #tpu.core_type<sc_vector_subcore>, window_params = [{transform_indices = #map}, {transform_indices = #map1}, {transform_indices = #map1}, {transform_indices = #map2}, {transform_indices = #map1}]} {
    %broadcast_in_dim3A = arith.constant 0.000000e+00 : f32
    %broadcast_in_dim3A_0 = vector.broadcast %broadcast_in_dim3A : f32 to vector<16xf32>
    %scan3A = arith.constant 0 : i32
    %scan3A_1 = arith.constant 64 : i32
    %scan3A_2 = arith.addi %scan3A, %scan3A_1 : i32
    %scan3A_3 = arith.constant 1 : i32
    scf.for %scan3A_21 = %scan3A to %scan3A_2 step %scan3A_3  : i32 {
      %mul3A_22 = arith.constant 1 : i32
      %mul3A_23 = arith.muli %scan3A_21, %mul3A_22 : i32
      %add3A = arith.constant 0 : i32
      %add3A_24 = arith.addi %add3A, %mul3A_23 : i32
      %scan3A_25 = arith.constant 0 : i32
      %scan3A_26 = arith.constant 8 : i32
      %scan3A_27 = arith.addi %scan3A_25, %scan3A_26 : i32
      %scan3A_28 = arith.constant 1 : i32
      scf.for %scan3A_30 = %scan3A_25 to %scan3A_27 step %scan3A_28  : i32 {
        %mul3A_31 = arith.constant 16 : i32
        %mul3A_32 = arith.muli %scan3A_30, %mul3A_31 : i32
        %add3A_33 = arith.constant 0 : i32
        %add3A_34 = arith.addi %add3A_33, %mul3A_32 : i32
        %swap3A = arith.index_cast %add3A_24 : i32 to index
        %swap3A_35 = arith.index_cast %add3A_34 : i32 to index
        %swap3A_36 = tpu.vector_load %arg12[%swap3A, %swap3A_35] {strides = array<i32>} : memref<128x128xf32, #tpu.memory_space<vmem>>, vector<1x16xf32>,
        %swap3A_37 = vector.shape_cast %swap3A_36 : vector<1x16xf32> to vector<16xf32>
        %swap3A_38 = vector.shape_cast %broadcast_in_dim3A_0 : vector<16xf32> to vector<1x16xf32>
        tpu.vector_store %arg12[%swap3A, %swap3A_35], %swap3A_38 {strides = array<i32>} : memref<128x128xf32, #tpu.memory_space<vmem>>, vector<1x16xf32>,
      }
      %scan3A_29 = arith.constant 8 : i32
    }
    %scan3A_4 = arith.constant 64 : i32
    %scan3A_5 = arith.constant 0 : i32
    %scan3A_6 = arith.constant 10 : i32
    %scan3A_7 = arith.addi %scan3A_5, %scan3A_6 : i32
    %scan3A_8 = arith.constant 1 : i32
    scf.for %scan3A_21 = %scan3A_5 to %scan3A_7 step %scan3A_8  : i32 {
      %mul3A_22 = arith.constant 64 : i32
      %mul3A_23 = arith.muli %scan3A_21, %mul3A_22 : i32
      %add3A = arith.constant 0 : i32
      %add3A_24 = arith.addi %add3A, %mul3A_23 : i32
      %mul3A_25 = arith.constant 640 : i32
      %mul3A_26 = arith.muli %arg1, %mul3A_25 : i32
      %add3A_27 = arith.addi %mul3A_26, %add3A_24 : i32
      "tpu.region"() ({
        %run_scoped3A = tpu.sem_alloc : memref<!tpu.dma_semaphore, #tpu.memory_space<semaphore_mem>>
        %dma_start3A = arith.constant 0 : i32
        %dma_start3A_28 = arith.constant 0 : i32
        %dma_start3A_29 = tpu.memref_slice %arg12[%dma_start3A, %dma_start3A_28] : memref<128x128xf32, #tpu.memory_space<vmem>> -> memref<64x128xf32, #tpu.memory_space<vmem>>
        %dma_start3A_30 = arith.constant 0 : i32
        %dma_start3A_31 = tpu.memref_slice %arg7[%add3A_27, %dma_start3A_30] : memref<10240x128xf32, #tpu.memory_space<vmem_shared>> -> memref<64x128xf32, #tpu.memory_space<vmem_shared>>
        %dma_start3A_32 = arith.constant 0 : i32
        %dma_start3A_33 = tpu.memref_slice %arg7[%add3A_27, %dma_start3A_32] : memref<10240x128xf32, #tpu.memory_space<vmem_shared>> -> memref<64x128xf32, #tpu.memory_space<vmem_shared>>
        %dma_start3A_34 = arith.constant 0 : i32
        %dma_start3A_35 = arith.constant 0 : i32
        %dma_start3A_36 = tpu.memref_slice %arg12[%dma_start3A_34, %dma_start3A_35] : memref<128x128xf32, #tpu.memory_space<vmem>> -> memref<64x128xf32, #tpu.memory_space<vmem>>
        tpu.enqueue_dma source(%dma_start3A_36 : memref<64x128xf32, #tpu.memory_space<vmem>>) target(%dma_start3A_33 : memref<64x128xf32, #tpu.memory_space<vmem_shared>>) target_semaphore(%run_scoped3A : memref<!tpu.dma_semaphore, #tpu.memory_space<semaphore_mem>>)
        %dma_wait3A = arith.constant 0 : i32
        %dma_wait3A_37 = arith.constant 0 : i32
        %dma_wait3A_38 = tpu.memref_slice %arg12[%dma_wait3A, %dma_wait3A_37] : memref<128x128xf32, #tpu.memory_space<vmem>> -> memref<64x128xf32, #tpu.memory_space<vmem>>
        %dma_wait3A_39 = arith.constant 0 : i32
        %dma_wait3A_40 = tpu.memref_slice %arg7[%add3A_27, %dma_wait3A_39] : memref<10240x128xf32, #tpu.memory_space<vmem_shared>> -> memref<64x128xf32, #tpu.memory_space<vmem_shared>>
        %dma_wait3A_41 = arith.constant 0 : i32
        %dma_wait3A_42 = tpu.memref_slice %arg7[%add3A_27, %dma_wait3A_41] : memref<10240x128xf32, #tpu.memory_space<vmem_shared>> -> memref<64x128xf32, #tpu.memory_space<vmem_shared>>
        %dma_wait3A_43 = arith.constant 0 : i32
        %dma_wait3A_44 = arith.constant 0 : i32
        %dma_wait3A_45 = tpu.memref_slice %arg12[%dma_wait3A_43, %dma_wait3A_44] : memref<128x128xf32, #tpu.memory_space<vmem>> -> memref<64x128xf32, #tpu.memory_space<vmem>>
        tpu.wait_dma2 semaphore(%run_scoped3A : memref<!tpu.dma_semaphore, #tpu.memory_space<semaphore_mem>>) src(%dma_wait3A_45 : memref<64x128xf32, #tpu.memory_space<vmem>>) dst(%dma_wait3A_42 : memref<64x128xf32, #tpu.memory_space<vmem_shared>>)
        tpu.yield
      }) : () -> ()
    }
    %scan3A_9 = arith.constant 10 : i32
    %barrier3A = arith.constant 0 : index
    tpu.barrier barrier_id(%barrier3A)
    %eq3A = arith.constant 0 : i32
    %eq3A_10 = arith.cmpi eq, %arg0, %eq3A : i32
    %convert_element_type3A = arith.extui %eq3A_10 : i1 to i32
    %cond3A = arith.constant 0 : i32
    %cond3A_11 = arith.cmpi ne, %convert_element_type3A, %cond3A : i32
    scf.if %cond3A_11 {
      "tpu.region"() ({
        %run_scoped3A = tpu.sem_alloc : memref<!tpu.dma_semaphore, #tpu.memory_space<semaphore_mem>>
        %dma_start3A = arith.constant 0 : i32
        %dma_start3A_26 = arith.constant 0 : i32
        %dma_start3A_27 = tpu.memref_slice %arg3[%arg1, %dma_start3A, %dma_start3A_26] : memref<16x46x128xi32, #tpu.memory_space<hbm>> -> memref<1x46x128xi32, #tpu.memory_space<hbm>>
        %dma_start3A_28 = tpu.memref_squeeze %dma_start3A_27 : memref<1x46x128xi32, #tpu.memory_space<hbm>> -> memref<46x128xi32, #tpu.memory_space<hbm>>
        %dma_start3A_29 = arith.constant 0 : i32
        %dma_start3A_30 = arith.constant 0 : i32
        %dma_start3A_31 = tpu.memref_slice %arg3[%arg1, %dma_start3A_29, %dma_start3A_30] : memref<16x46x128xi32, #tpu.memory_space<hbm>> -> memref<1x46x128xi32, #tpu.memory_space<hbm>>
        %dma_start3A_32 = tpu.memref_squeeze %dma_start3A_31 : memref<1x46x128xi32, #tpu.memory_space<hbm>> -> memref<46x128xi32, #tpu.memory_space<hbm>>
        tpu.enqueue_dma source(%dma_start3A_32 : memref<46x128xi32, #tpu.memory_space<hbm>>) target(%arg8 : memref<46x128xi32, #tpu.memory_space<vmem>>) target_semaphore(%run_scoped3A : memref<!tpu.dma_semaphore, #tpu.memory_space<semaphore_mem>>)
        %dma_wait3A = arith.constant 0 : i32
        %dma_wait3A_33 = arith.constant 0 : i32
        %dma_wait3A_34 = tpu.memref_slice %arg3[%arg1, %dma_wait3A, %dma_wait3A_33] : memref<16x46x128xi32, #tpu.memory_space<hbm>> -> memref<1x46x128xi32, #tpu.memory_space<hbm>>
        %dma_wait3A_35 = tpu.memref_squeeze %dma_wait3A_34 : memref<1x46x128xi32, #tpu.memory_space<hbm>> -> memref<46x128xi32, #tpu.memory_space<hbm>>
        %dma_wait3A_36 = arith.constant 0 : i32
        %dma_wait3A_37 = arith.constant 0 : i32
        %dma_wait3A_38 = tpu.memref_slice %arg3[%arg1, %dma_wait3A_36, %dma_wait3A_37] : memref<16x46x128xi32, #tpu.memory_space<hbm>> -> memref<1x46x128xi32, #tpu.memory_space<hbm>>
        %dma_wait3A_39 = tpu.memref_squeeze %dma_wait3A_38 : memref<1x46x128xi32, #tpu.memory_space<hbm>> -> memref<46x128xi32, #tpu.memory_space<hbm>>
        tpu.wait_dma2 semaphore(%run_scoped3A : memref<!tpu.dma_semaphore, #tpu.memory_space<semaphore_mem>>) src(%dma_wait3A_39 : memref<46x128xi32, #tpu.memory_space<hbm>>) dst(%arg8 : memref<46x128xi32, #tpu.memory_space<vmem>>)
        tpu.yield
      }) : () -> ()
      "tpu.region"() ({
        %run_scoped3A = tpu.sem_alloc : memref<!tpu.dma_semaphore, #tpu.memory_space<semaphore_mem>>
        %dma_start3A = arith.constant 0 : i32
        %dma_start3A_26 = arith.constant 0 : i32
        %dma_start3A_27 = tpu.memref_slice %arg4[%arg1, %dma_start3A, %dma_start3A_26] : memref<16x46x128xi32, #tpu.memory_space<hbm>> -> memref<1x46x128xi32, #tpu.memory_space<hbm>>
        %dma_start3A_28 = tpu.memref_squeeze %dma_start3A_27 : memref<1x46x128xi32, #tpu.memory_space<hbm>> -> memref<46x128xi32, #tpu.memory_space<hbm>>
        %dma_start3A_29 = arith.constant 0 : i32
        %dma_start3A_30 = arith.constant 0 : i32
        %dma_start3A_31 = tpu.memref_slice %arg4[%arg1, %dma_start3A_29, %dma_start3A_30] : memref<16x46x128xi32, #tpu.memory_space<hbm>> -> memref<1x46x128xi32, #tpu.memory_space<hbm>>
        %dma_start3A_32 = tpu.memref_squeeze %dma_start3A_31 : memref<1x46x128xi32, #tpu.memory_space<hbm>> -> memref<46x128xi32, #tpu.memory_space<hbm>>
        tpu.enqueue_dma source(%dma_start3A_32 : memref<46x128xi32, #tpu.memory_space<hbm>>) target(%arg9 : memref<46x128xi32, #tpu.memory_space<vmem>>) target_semaphore(%run_scoped3A : memref<!tpu.dma_semaphore, #tpu.memory_space<semaphore_mem>>)
        %dma_wait3A = arith.constant 0 : i32
        %dma_wait3A_33 = arith.constant 0 : i32
        %dma_wait3A_34 = tpu.memref_slice %arg4[%arg1, %dma_wait3A, %dma_wait3A_33] : memref<16x46x128xi32, #tpu.memory_space<hbm>> -> memref<1x46x128xi32, #tpu.memory_space<hbm>>
        %dma_wait3A_35 = tpu.memref_squeeze %dma_wait3A_34 : memref<1x46x128xi32, #tpu.memory_space<hbm>> -> memref<46x128xi32, #tpu.memory_space<hbm>>
        %dma_wait3A_36 = arith.constant 0 : i32
        %dma_wait3A_37 = arith.constant 0 : i32
        %dma_wait3A_38 = tpu.memref_slice %arg4[%arg1, %dma_wait3A_36, %dma_wait3A_37] : memref<16x46x128xi32, #tpu.memory_space<hbm>> -> memref<1x46x128xi32, #tpu.memory_space<hbm>>
        %dma_wait3A_39 = tpu.memref_squeeze %dma_wait3A_38 : memref<1x46x128xi32, #tpu.memory_space<hbm>> -> memref<46x128xi32, #tpu.memory_space<hbm>>
        tpu.wait_dma2 semaphore(%run_scoped3A : memref<!tpu.dma_semaphore, #tpu.memory_space<semaphore_mem>>) src(%dma_wait3A_39 : memref<46x128xi32, #tpu.memory_space<hbm>>) dst(%arg9 : memref<46x128xi32, #tpu.memory_space<vmem>>)
        tpu.yield
      }) : () -> ()
      %scan3A_21 = arith.constant 0 : i32
      %scan3A_22 = arith.constant 46 : i32
      %scan3A_23 = arith.addi %scan3A_21, %scan3A_22 : i32
      %scan3A_24 = arith.constant 1 : i32
      scf.for %scan3A_26 = %scan3A_21 to %scan3A_23 step %scan3A_24  : i32 {
        %mul3A_27 = arith.constant 1 : i32
        %mul3A_28 = arith.muli %scan3A_26, %mul3A_27 : i32
        %add3A = arith.constant 0 : i32
        %add3A_29 = arith.addi %add3A, %mul3A_28 : i32
        "tpu.region"() ({
          %run_scoped3A = tpu.sem_alloc : memref<!tpu.dma_semaphore, #tpu.memory_space<semaphore_mem>>
          %dma_start3A = arith.constant 0 : i32
          %dma_start3A_30 = tpu.memref_slice %arg8[%add3A_29, %dma_start3A] : memref<46x128xi32, #tpu.memory_space<vmem>> -> memref<1x128xi32, #tpu.memory_space<vmem>>
          %dma_start3A_31 = tpu.memref_squeeze %dma_start3A_30 : memref<1x128xi32, #tpu.memory_space<vmem>> -> memref<128xi32, #tpu.memory_space<vmem>>
          %dma_start3A_32 = arith.constant 0 : i32
          %dma_start3A_33 = arith.constant 0 : i32
          %dma_start3A_34 = tpu.memref_slice %arg2[%dma_start3A_32, %dma_start3A_33] : memref<10240x128xf32, #tpu.memory_space<hbm>> -> memref<10240x128xf32, #tpu.memory_space<hbm>>
          tpu.enqueue_indirect_dma source(%dma_start3A_34 : memref<10240x128xf32, #tpu.memory_space<hbm>>) target(%arg12 : memref<128x128xf32, #tpu.memory_space<vmem>>) offsets(%dma_start3A_31 : memref<128xi32, #tpu.memory_space<vmem>>) semaphore(%run_scoped3A : memref<!tpu.dma_semaphore, #tpu.memory_space<semaphore_mem>>)
          %dma_wait3A = arith.constant 0 : i32
          %dma_wait3A_35 = tpu.memref_slice %arg8[%add3A_29, %dma_wait3A] : memref<46x128xi32, #tpu.memory_space<vmem>> -> memref<1x128xi32, #tpu.memory_space<vmem>>
          %dma_wait3A_36 = tpu.memref_squeeze %dma_wait3A_35 : memref<1x128xi32, #tpu.memory_space<vmem>> -> memref<128xi32, #tpu.memory_space<vmem>>
          %dma_wait3A_37 = arith.constant 0 : i32
          %dma_wait3A_38 = arith.constant 0 : i32
          %dma_wait3A_39 = tpu.memref_slice %arg2[%dma_wait3A_37, %dma_wait3A_38] : memref<10240x128xf32, #tpu.memory_space<hbm>> -> memref<10240x128xf32, #tpu.memory_space<hbm>>
          tpu.wait_indirect_dma semaphore(%run_scoped3A : memref<!tpu.dma_semaphore, #tpu.memory_space<semaphore_mem>>) src(%dma_wait3A_39 : memref<10240x128xf32, #tpu.memory_space<hbm>>) dst(%arg12 : memref<128x128xf32, #tpu.memory_space<vmem>>)
          tpu.yield
        }) : () -> ()
        "tpu.region"() ({
          %run_scoped3A = tpu.sem_alloc : memref<!tpu.dma_semaphore, #tpu.memory_space<semaphore_mem>>
          %dma_start3A = arith.constant 0 : i32
          %dma_start3A_30 = tpu.memref_slice %arg9[%add3A_29, %dma_start3A] : memref<46x128xi32, #tpu.memory_space<vmem>> -> memref<1x128xi32, #tpu.memory_space<vmem>>
          %dma_start3A_31 = tpu.memref_squeeze %dma_start3A_30 : memref<1x128xi32, #tpu.memory_space<vmem>> -> memref<128xi32, #tpu.memory_space<vmem>>
          %dma_start3A_32 = arith.constant 0 : i32
          %dma_start3A_33 = arith.constant 0 : i32
          %dma_start3A_34 = tpu.memref_slice %arg7[%dma_start3A_32, %dma_start3A_33] : memref<10240x128xf32, #tpu.memory_space<vmem_shared>> -> memref<10240x128xf32, #tpu.memory_space<vmem_shared>>
          tpu.enqueue_indirect_dma source(%arg12 : memref<128x128xf32, #tpu.memory_space<vmem>>) target(%dma_start3A_34 : memref<10240x128xf32, #tpu.memory_space<vmem_shared>>) offsets(%dma_start3A_31 : memref<128xi32, #tpu.memory_space<vmem>>) semaphore(%run_scoped3A : memref<!tpu.dma_semaphore, #tpu.memory_space<semaphore_mem>>) {add = true}
          %dma_wait3A = arith.constant 0 : i32
          %dma_wait3A_35 = tpu.memref_slice %arg9[%add3A_29, %dma_wait3A] : memref<46x128xi32, #tpu.memory_space<vmem>> -> memref<1x128xi32, #tpu.memory_space<vmem>>
          %dma_wait3A_36 = tpu.memref_squeeze %dma_wait3A_35 : memref<1x128xi32, #tpu.memory_space<vmem>> -> memref<128xi32, #tpu.memory_space<vmem>>
          %dma_wait3A_37 = arith.constant 0 : i32
          %dma_wait3A_38 = arith.constant 0 : i32
          %dma_wait3A_39 = tpu.memref_slice %arg7[%dma_wait3A_37, %dma_wait3A_38] : memref<10240x128xf32, #tpu.memory_space<vmem_shared>> -> memref<10240x128xf32, #tpu.memory_space<vmem_shared>>
          tpu.wait_indirect_dma semaphore(%run_scoped3A : memref<!tpu.dma_semaphore, #tpu.memory_space<semaphore_mem>>) src(%arg12 : memref<128x128xf32, #tpu.memory_space<vmem>>) dst(%dma_wait3A_39 : memref<10240x128xf32, #tpu.memory_space<vmem_shared>>)
          tpu.yield
        }) : () -> ()
      }
      %scan3A_25 = arith.constant 46 : i32
    } else {
    }
    %eq3A_12 = arith.constant 1 : i32
    %eq3A_13 = arith.cmpi eq, %arg0, %eq3A_12 : i32
    %convert_element_type3A_14 = arith.extui %eq3A_13 : i1 to i32
    %cond3A_15 = arith.constant 0 : i32
    %cond3A_16 = arith.cmpi ne, %convert_element_type3A_14, %cond3A_15 : i32
    scf.if %cond3A_16 {
      %run_scoped3A = arith.constant 0 : i32
      "tpu.region"() ({
        %run_scoped3A_48 = tpu.sem_alloc : memref<!tpu.dma_semaphore, #tpu.memory_space<semaphore_mem>>
        %dma_start3A_49 = arith.constant 0 : i32
        %dma_start3A_50 = arith.constant 0 : i32
        %dma_start3A_51 = tpu.memref_slice %arg5[%arg1, %run_scoped3A, %dma_start3A_49, %dma_start3A_50] : memref<16x28x8x128xi32, #tpu.memory_space<hbm>> -> memref<1x1x8x128xi32, #tpu.memory_space<hbm>>
        %dma_start3A_52 = tpu.memref_squeeze %dma_start3A_51 : memref<1x1x8x128xi32, #tpu.memory_space<hbm>> -> memref<8x128xi32, #tpu.memory_space<hbm>>
        %dma_start3A_53 = arith.constant 0 : i32
        %dma_start3A_54 = arith.constant 0 : i32
        %dma_start3A_55 = tpu.memref_slice %arg5[%arg1, %run_scoped3A, %dma_start3A_53, %dma_start3A_54] : memref<16x28x8x128xi32, #tpu.memory_space<hbm>> -> memref<1x1x8x128xi32, #tpu.memory_space<hbm>>
        %dma_start3A_56 = tpu.memref_squeeze %dma_start3A_55 : memref<1x1x8x128xi32, #tpu.memory_space<hbm>> -> memref<8x128xi32, #tpu.memory_space<hbm>>
        tpu.enqueue_dma source(%dma_start3A_56 : memref<8x128xi32, #tpu.memory_space<hbm>>) target(%arg10 : memref<8x128xi32, #tpu.memory_space<vmem>>) target_semaphore(%run_scoped3A_48 : memref<!tpu.dma_semaphore, #tpu.memory_space<semaphore_mem>>)
        %dma_wait3A = arith.constant 0 : i32
        %dma_wait3A_57 = arith.constant 0 : i32
        %dma_wait3A_58 = tpu.memref_slice %arg5[%arg1, %run_scoped3A, %dma_wait3A, %dma_wait3A_57] : memref<16x28x8x128xi32, #tpu.memory_space<hbm>> -> memref<1x1x8x128xi32, #tpu.memory_space<hbm>>
        %dma_wait3A_59 = tpu.memref_squeeze %dma_wait3A_58 : memref<1x1x8x128xi32, #tpu.memory_space<hbm>> -> memref<8x128xi32, #tpu.memory_space<hbm>>
        %dma_wait3A_60 = arith.constant 0 : i32
        %dma_wait3A_61 = arith.constant 0 : i32
        %dma_wait3A_62 = tpu.memref_slice %arg5[%arg1, %run_scoped3A, %dma_wait3A_60, %dma_wait3A_61] : memref<16x28x8x128xi32, #tpu.memory_space<hbm>> -> memref<1x1x8x128xi32, #tpu.memory_space<hbm>>
        %dma_wait3A_63 = tpu.memref_squeeze %dma_wait3A_62 : memref<1x1x8x128xi32, #tpu.memory_space<hbm>> -> memref<8x128xi32, #tpu.memory_space<hbm>>
        tpu.wait_dma2 semaphore(%run_scoped3A_48 : memref<!tpu.dma_semaphore, #tpu.memory_space<semaphore_mem>>) src(%dma_wait3A_63 : memref<8x128xi32, #tpu.memory_space<hbm>>) dst(%arg10 : memref<8x128xi32, #tpu.memory_space<vmem>>)
        tpu.yield
      }) : () -> ()
      %dma_start3A = arith.constant 1 : i32
      %dma_start3A_21 = arith.constant 0 : i32
      %dma_start3A_22 = arith.constant 0 : i32
      %dma_start3A_23 = tpu.memref_slice %arg5[%arg1, %dma_start3A, %dma_start3A_21, %dma_start3A_22] : memref<16x28x8x128xi32, #tpu.memory_space<hbm>> -> memref<1x1x8x128xi32, #tpu.memory_space<hbm>>
      %dma_start3A_24 = tpu.memref_squeeze %dma_start3A_23 : memref<1x1x8x128xi32, #tpu.memory_space<hbm>> -> memref<8x128xi32, #tpu.memory_space<hbm>>
      %dma_start3A_25 = arith.constant 0 : i32
      %dma_start3A_26 = arith.constant 0 : i32
      %dma_start3A_27 = tpu.memref_slice %arg5[%arg1, %dma_start3A, %dma_start3A_25, %dma_start3A_26] : memref<16x28x8x128xi32, #tpu.memory_space<hbm>> -> memref<1x1x8x128xi32, #tpu.memory_space<hbm>>
      %dma_start3A_28 = tpu.memref_squeeze %dma_start3A_27 : memref<1x1x8x128xi32, #tpu.memory_space<hbm>> -> memref<8x128xi32, #tpu.memory_space<hbm>>
      tpu.enqueue_dma source(%dma_start3A_28 : memref<8x128xi32, #tpu.memory_space<hbm>>) target(%arg11 : memref<8x128xi32, #tpu.memory_space<vmem>>) target_semaphore(%arg17 : memref<!tpu.dma_semaphore, #tpu.memory_space<semaphore_mem>>)
      %dma_start3A_29 = arith.constant 0 : i32
      %dma_start3A_30 = arith.constant 0 : i32
      %dma_start3A_31 = tpu.memref_slice %arg10[%dma_start3A_29, %dma_start3A_30] : memref<8x128xi32, #tpu.memory_space<vmem>> -> memref<1x128xi32, #tpu.memory_space<vmem>>
      %dma_start3A_32 = tpu.memref_squeeze %dma_start3A_31 : memref<1x128xi32, #tpu.memory_space<vmem>> -> memref<128xi32, #tpu.memory_space<vmem>>
      %dma_start3A_33 = arith.constant 0 : i32
      %dma_start3A_34 = arith.constant 0 : i32
      %dma_start3A_35 = tpu.memref_slice %arg2[%dma_start3A_33, %dma_start3A_34] : memref<10240x128xf32, #tpu.memory_space<hbm>> -> memref<10240x128xf32, #tpu.memory_space<hbm>>
      tpu.enqueue_indirect_dma source(%dma_start3A_35 : memref<10240x128xf32, #tpu.memory_space<hbm>>) target(%arg12 : memref<128x128xf32, #tpu.memory_space<vmem>>) offsets(%dma_start3A_32 : memref<128xi32, #tpu.memory_space<vmem>>) semaphore(%arg14 : memref<!tpu.dma_semaphore, #tpu.memory_space<semaphore_mem>>)
      %dma_start3A_36 = arith.constant 1 : i32
      %dma_start3A_37 = arith.constant 0 : i32
      %dma_start3A_38 = tpu.memref_slice %arg10[%dma_start3A_36, %dma_start3A_37] : memref<8x128xi32, #tpu.memory_space<vmem>> -> memref<1x128xi32, #tpu.memory_space<vmem>>
      %dma_start3A_39 = tpu.memref_squeeze %dma_start3A_38 : memref<1x128xi32, #tpu.memory_space<vmem>> -> memref<128xi32, #tpu.memory_space<vmem>>
      %dma_start3A_40 = arith.constant 0 : i32
      %dma_start3A_41 = arith.constant 0 : i32
      %dma_start3A_42 = tpu.memref_slice %arg2[%dma_start3A_40, %dma_start3A_41] : memref<10240x128xf32, #tpu.memory_space<hbm>> -> memref<10240x128xf32, #tpu.memory_space<hbm>>
      tpu.enqueue_indirect_dma source(%dma_start3A_42 : memref<10240x128xf32, #tpu.memory_space<hbm>>) target(%arg13 : memref<128x128xf32, #tpu.memory_space<vmem>>) offsets(%dma_start3A_39 : memref<128xi32, #tpu.memory_space<vmem>>) semaphore(%arg15 : memref<!tpu.dma_semaphore, #tpu.memory_space<semaphore_mem>>)
      %scan3A_43 = arith.constant 0 : i32
      %scan3A_44 = arith.constant 14 : i32
      %scan3A_45 = arith.addi %scan3A_43, %scan3A_44 : i32
      %scan3A_46 = arith.constant 1 : i32
      scf.for %scan3A_48 = %scan3A_43 to %scan3A_45 step %scan3A_46  : i32 {
        %mul3A_49 = arith.constant 2 : i32
        %mul3A_50 = arith.muli %scan3A_48, %mul3A_49 : i32
        %add3A = arith.constant 0 : i32
        %add3A_51 = arith.addi %add3A, %mul3A_50 : i32
        %dma_wait3A = arith.constant 0 : i32
        %dma_wait3A_52 = arith.constant 0 : i32
        %dma_wait3A_53 = tpu.memref_slice %arg10[%dma_wait3A, %dma_wait3A_52] : memref<8x128xi32, #tpu.memory_space<vmem>> -> memref<1x128xi32, #tpu.memory_space<vmem>>
        %dma_wait3A_54 = tpu.memref_squeeze %dma_wait3A_53 : memref<1x128xi32, #tpu.memory_space<vmem>> -> memref<128xi32, #tpu.memory_space<vmem>>
        %dma_wait3A_55 = arith.constant 0 : i32
        %dma_wait3A_56 = arith.constant 0 : i32
        %dma_wait3A_57 = tpu.memref_slice %arg2[%dma_wait3A_55, %dma_wait3A_56] : memref<10240x128xf32, #tpu.memory_space<hbm>> -> memref<10240x128xf32, #tpu.memory_space<hbm>>
        tpu.wait_indirect_dma semaphore(%arg14 : memref<!tpu.dma_semaphore, #tpu.memory_space<semaphore_mem>>) src(%dma_wait3A_57 : memref<10240x128xf32, #tpu.memory_space<hbm>>) dst(%arg12 : memref<128x128xf32, #tpu.memory_space<vmem>>)
        %run_scoped3A_58 = arith.constant 4 : i32
        "tpu.region"() ({
          %run_scoped3A_186 = tpu.sem_alloc : memref<!tpu.dma_semaphore, #tpu.memory_space<semaphore_mem>>
          %dma_start3A_187 = arith.constant 0 : i32
          %dma_start3A_188 = tpu.memref_slice %arg10[%run_scoped3A_58, %dma_start3A_187] : memref<8x128xi32, #tpu.memory_space<vmem>> -> memref<1x128xi32, #tpu.memory_space<vmem>>
          %dma_start3A_189 = tpu.memref_squeeze %dma_start3A_188 : memref<1x128xi32, #tpu.memory_space<vmem>> -> memref<128xi32, #tpu.memory_space<vmem>>
          %dma_start3A_190 = arith.constant 0 : i32
          %dma_start3A_191 = arith.constant 0 : i32
          %dma_start3A_192 = tpu.memref_slice %arg7[%dma_start3A_190, %dma_start3A_191] : memref<10240x128xf32, #tpu.memory_space<vmem_shared>> -> memref<10240x128xf32, #tpu.memory_space<vmem_shared>>
          tpu.enqueue_indirect_dma source(%arg12 : memref<128x128xf32, #tpu.memory_space<vmem>>) target(%dma_start3A_192 : memref<10240x128xf32, #tpu.memory_space<vmem_shared>>) offsets(%dma_start3A_189 : memref<128xi32, #tpu.memory_space<vmem>>) semaphore(%run_scoped3A_186 : memref<!tpu.dma_semaphore, #tpu.memory_space<semaphore_mem>>) {add = true}
          %dma_wait3A_193 = arith.constant 0 : i32
          %dma_wait3A_194 = tpu.memref_slice %arg10[%run_scoped3A_58, %dma_wait3A_193] : memref<8x128xi32, #tpu.memory_space<vmem>> -> memref<1x128xi32, #tpu.memory_space<vmem>>
          %dma_wait3A_195 = tpu.memref_squeeze %dma_wait3A_194 : memref<1x128xi32, #tpu.memory_space<vmem>> -> memref<128xi32, #tpu.memory_space<vmem>>
          %dma_wait3A_196 = arith.constant 0 : i32
          %dma_wait3A_197 = arith.constant 0 : i32
          %dma_wait3A_198 = tpu.memref_slice %arg7[%dma_wait3A_196, %dma_wait3A_197] : memref<10240x128xf32, #tpu.memory_space<vmem_shared>> -> memref<10240x128xf32, #tpu.memory_space<vmem_shared>>
          tpu.wait_indirect_dma semaphore(%run_scoped3A_186 : memref<!tpu.dma_semaphore, #tpu.memory_space<semaphore_mem>>) src(%arg12 : memref<128x128xf32, #tpu.memory_space<vmem>>) dst(%dma_wait3A_198 : memref<10240x128xf32, #tpu.memory_space<vmem_shared>>)
          tpu.yield
        }) : () -> ()
        %dma_start3A_59 = arith.constant 2 : i32
        %dma_start3A_60 = arith.constant 0 : i32
        %dma_start3A_61 = tpu.memref_slice %arg10[%dma_start3A_59, %dma_start3A_60] : memref<8x128xi32, #tpu.memory_space<vmem>> -> memref<1x128xi32, #tpu.memory_space<vmem>>
        %dma_start3A_62 = tpu.memref_squeeze %dma_start3A_61 : memref<1x128xi32, #tpu.memory_space<vmem>> -> memref<128xi32, #tpu.memory_space<vmem>>
        %dma_start3A_63 = arith.constant 0 : i32
        %dma_start3A_64 = arith.constant 0 : i32
        %dma_start3A_65 = tpu.memref_slice %arg2[%dma_start3A_63, %dma_start3A_64] : memref<10240x128xf32, #tpu.memory_space<hbm>> -> memref<10240x128xf32, #tpu.memory_space<hbm>>
        tpu.enqueue_indirect_dma source(%dma_start3A_65 : memref<10240x128xf32, #tpu.memory_space<hbm>>) target(%arg12 : memref<128x128xf32, #tpu.memory_space<vmem>>) offsets(%dma_start3A_62 : memref<128xi32, #tpu.memory_space<vmem>>) semaphore(%arg14 : memref<!tpu.dma_semaphore, #tpu.memory_space<semaphore_mem>>)
        %dma_wait3A_66 = arith.constant 1 : i32
        %dma_wait3A_67 = arith.constant 0 : i32
        %dma_wait3A_68 = tpu.memref_slice %arg10[%dma_wait3A_66, %dma_wait3A_67] : memref<8x128xi32, #tpu.memory_space<vmem>> -> memref<1x128xi32, #tpu.memory_space<vmem>>
        %dma_wait3A_69 = tpu.memref_squeeze %dma_wait3A_68 : memref<1x128xi32, #tpu.memory_space<vmem>> -> memref<128xi32, #tpu.memory_space<vmem>>
        %dma_wait3A_70 = arith.constant 0 : i32
        %dma_wait3A_71 = arith.constant 0 : i32
        %dma_wait3A_72 = tpu.memref_slice %arg2[%dma_wait3A_70, %dma_wait3A_71] : memref<10240x128xf32, #tpu.memory_space<hbm>> -> memref<10240x128xf32, #tpu.memory_space<hbm>>
        tpu.wait_indirect_dma semaphore(%arg15 : memref<!tpu.dma_semaphore, #tpu.memory_space<semaphore_mem>>) src(%dma_wait3A_72 : memref<10240x128xf32, #tpu.memory_space<hbm>>) dst(%arg13 : memref<128x128xf32, #tpu.memory_space<vmem>>)
        %run_scoped3A_73 = arith.constant 5 : i32
        "tpu.region"() ({
          %run_scoped3A_186 = tpu.sem_alloc : memref<!tpu.dma_semaphore, #tpu.memory_space<semaphore_mem>>
          %dma_start3A_187 = arith.constant 0 : i32
          %dma_start3A_188 = tpu.memref_slice %arg10[%run_scoped3A_73, %dma_start3A_187] : memref<8x128xi32, #tpu.memory_space<vmem>> -> memref<1x128xi32, #tpu.memory_space<vmem>>
          %dma_start3A_189 = tpu.memref_squeeze %dma_start3A_188 : memref<1x128xi32, #tpu.memory_space<vmem>> -> memref<128xi32, #tpu.memory_space<vmem>>
          %dma_start3A_190 = arith.constant 0 : i32
          %dma_start3A_191 = arith.constant 0 : i32
          %dma_start3A_192 = tpu.memref_slice %arg7[%dma_start3A_190, %dma_start3A_191] : memref<10240x128xf32, #tpu.memory_space<vmem_shared>> -> memref<10240x128xf32, #tpu.memory_space<vmem_shared>>
          tpu.enqueue_indirect_dma source(%arg13 : memref<128x128xf32, #tpu.memory_space<vmem>>) target(%dma_start3A_192 : memref<10240x128xf32, #tpu.memory_space<vmem_shared>>) offsets(%dma_start3A_189 : memref<128xi32, #tpu.memory_space<vmem>>) semaphore(%run_scoped3A_186 : memref<!tpu.dma_semaphore, #tpu.memory_space<semaphore_mem>>) {add = true}
          %dma_wait3A_193 = arith.constant 0 : i32
          %dma_wait3A_194 = tpu.memref_slice %arg10[%run_scoped3A_73, %dma_wait3A_193] : memref<8x128xi32, #tpu.memory_space<vmem>> -> memref<1x128xi32, #tpu.memory_space<vmem>>
          %dma_wait3A_195 = tpu.memref_squeeze %dma_wait3A_194 : memref<1x128xi32, #tpu.memory_space<vmem>> -> memref<128xi32, #tpu.memory_space<vmem>>
          %dma_wait3A_196 = arith.constant 0 : i32
          %dma_wait3A_197 = arith.constant 0 : i32
          %dma_wait3A_198 = tpu.memref_slice %arg7[%dma_wait3A_196, %dma_wait3A_197] : memref<10240x128xf32, #tpu.memory_space<vmem_shared>> -> memref<10240x128xf32, #tpu.memory_space<vmem_shared>>
          tpu.wait_indirect_dma semaphore(%run_scoped3A_186 : memref<!tpu.dma_semaphore, #tpu.memory_space<semaphore_mem>>) src(%arg13 : memref<128x128xf32, #tpu.memory_space<vmem>>) dst(%dma_wait3A_198 : memref<10240x128xf32, #tpu.memory_space<vmem_shared>>)
          tpu.yield
        }) : () -> ()
        %dma_start3A_74 = arith.constant 3 : i32
        %dma_start3A_75 = arith.constant 0 : i32
        %dma_start3A_76 = tpu.memref_slice %arg10[%dma_start3A_74, %dma_start3A_75] : memref<8x128xi32, #tpu.memory_space<vmem>> -> memref<1x128xi32, #tpu.memory_space<vmem>>
        %dma_start3A_77 = tpu.memref_squeeze %dma_start3A_76 : memref<1x128xi32, #tpu.memory_space<vmem>> -> memref<128xi32, #tpu.memory_space<vmem>>
        %dma_start3A_78 = arith.constant 0 : i32
        %dma_start3A_79 = arith.constant 0 : i32
        %dma_start3A_80 = tpu.memref_slice %arg2[%dma_start3A_78, %dma_start3A_79] : memref<10240x128xf32, #tpu.memory_space<hbm>> -> memref<10240x128xf32, #tpu.memory_space<hbm>>
        tpu.enqueue_indirect_dma source(%dma_start3A_80 : memref<10240x128xf32, #tpu.memory_space<hbm>>) target(%arg13 : memref<128x128xf32, #tpu.memory_space<vmem>>) offsets(%dma_start3A_77 : memref<128xi32, #tpu.memory_space<vmem>>) semaphore(%arg15 : memref<!tpu.dma_semaphore, #tpu.memory_space<semaphore_mem>>)
        %dma_wait3A_81 = arith.constant 2 : i32
        %dma_wait3A_82 = arith.constant 0 : i32
        %dma_wait3A_83 = tpu.memref_slice %arg10[%dma_wait3A_81, %dma_wait3A_82] : memref<8x128xi32, #tpu.memory_space<vmem>> -> memref<1x128xi32, #tpu.memory_space<vmem>>
        %dma_wait3A_84 = tpu.memref_squeeze %dma_wait3A_83 : memref<1x128xi32, #tpu.memory_space<vmem>> -> memref<128xi32, #tpu.memory_space<vmem>>
        %dma_wait3A_85 = arith.constant 0 : i32
        %dma_wait3A_86 = arith.constant 0 : i32
        %dma_wait3A_87 = tpu.memref_slice %arg2[%dma_wait3A_85, %dma_wait3A_86] : memref<10240x128xf32, #tpu.memory_space<hbm>> -> memref<10240x128xf32, #tpu.memory_space<hbm>>
        tpu.wait_indirect_dma semaphore(%arg14 : memref<!tpu.dma_semaphore, #tpu.memory_space<semaphore_mem>>) src(%dma_wait3A_87 : memref<10240x128xf32, #tpu.memory_space<hbm>>) dst(%arg12 : memref<128x128xf32, #tpu.memory_space<vmem>>)
        %run_scoped3A_88 = arith.constant 6 : i32
        "tpu.region"() ({
          %run_scoped3A_186 = tpu.sem_alloc : memref<!tpu.dma_semaphore, #tpu.memory_space<semaphore_mem>>
          %dma_start3A_187 = arith.constant 0 : i32
          %dma_start3A_188 = tpu.memref_slice %arg10[%run_scoped3A_88, %dma_start3A_187] : memref<8x128xi32, #tpu.memory_space<vmem>> -> memref<1x128xi32, #tpu.memory_space<vmem>>
          %dma_start3A_189 = tpu.memref_squeeze %dma_start3A_188 : memref<1x128xi32, #tpu.memory_space<vmem>> -> memref<128xi32, #tpu.memory_space<vmem>>
          %dma_start3A_190 = arith.constant 0 : i32
          %dma_start3A_191 = arith.constant 0 : i32
          %dma_start3A_192 = tpu.memref_slice %arg7[%dma_start3A_190, %dma_start3A_191] : memref<10240x128xf32, #tpu.memory_space<vmem_shared>> -> memref<10240x128xf32, #tpu.memory_space<vmem_shared>>
          tpu.enqueue_indirect_dma source(%arg12 : memref<128x128xf32, #tpu.memory_space<vmem>>) target(%dma_start3A_192 : memref<10240x128xf32, #tpu.memory_space<vmem_shared>>) offsets(%dma_start3A_189 : memref<128xi32, #tpu.memory_space<vmem>>) semaphore(%run_scoped3A_186 : memref<!tpu.dma_semaphore, #tpu.memory_space<semaphore_mem>>) {add = true}
          %dma_wait3A_193 = arith.constant 0 : i32
          %dma_wait3A_194 = tpu.memref_slice %arg10[%run_scoped3A_88, %dma_wait3A_193] : memref<8x128xi32, #tpu.memory_space<vmem>> -> memref<1x128xi32, #tpu.memory_space<vmem>>
          %dma_wait3A_195 = tpu.memref_squeeze %dma_wait3A_194 : memref<1x128xi32, #tpu.memory_space<vmem>> -> memref<128xi32, #tpu.memory_space<vmem>>
          %dma_wait3A_196 = arith.constant 0 : i32
          %dma_wait3A_197 = arith.constant 0 : i32
          %dma_wait3A_198 = tpu.memref_slice %arg7[%dma_wait3A_196, %dma_wait3A_197] : memref<10240x128xf32, #tpu.memory_space<vmem_shared>> -> memref<10240x128xf32, #tpu.memory_space<vmem_shared>>
          tpu.wait_indirect_dma semaphore(%run_scoped3A_186 : memref<!tpu.dma_semaphore, #tpu.memory_space<semaphore_mem>>) src(%arg12 : memref<128x128xf32, #tpu.memory_space<vmem>>) dst(%dma_wait3A_198 : memref<10240x128xf32, #tpu.memory_space<vmem_shared>>)
          tpu.yield
        }) : () -> ()
        %add3A_89 = arith.constant 1 : i32
        %add3A_90 = arith.addi %add3A_51, %add3A_89 : i32
        %lt3A = arith.constant 28 : i32
        %lt3A_91 = arith.cmpi slt, %add3A_90, %lt3A : i32
        %convert_element_type3A_92 = arith.extui %lt3A_91 : i1 to i32
        %cond3A_93 = arith.constant 0 : i32
        %cond3A_94 = arith.cmpi ne, %convert_element_type3A_92, %cond3A_93 : i32
        scf.if %cond3A_94 {
          %add3A_186 = arith.constant 1 : i32
          %add3A_187 = arith.addi %add3A_51, %add3A_186 : i32
          %dma_wait3A_188 = arith.constant 0 : i32
          %dma_wait3A_189 = arith.constant 0 : i32
          %dma_wait3A_190 = tpu.memref_slice %arg5[%arg1, %add3A_187, %dma_wait3A_188, %dma_wait3A_189] : memref<16x28x8x128xi32, #tpu.memory_space<hbm>> -> memref<1x1x8x128xi32, #tpu.memory_space<hbm>>
          %dma_wait3A_191 = tpu.memref_squeeze %dma_wait3A_190 : memref<1x1x8x128xi32, #tpu.memory_space<hbm>> -> memref<8x128xi32, #tpu.memory_space<hbm>>
          %dma_wait3A_192 = arith.constant 0 : i32
          %dma_wait3A_193 = arith.constant 0 : i32
          %dma_wait3A_194 = tpu.memref_slice %arg5[%arg1, %add3A_187, %dma_wait3A_192, %dma_wait3A_193] : memref<16x28x8x128xi32, #tpu.memory_space<hbm>> -> memref<1x1x8x128xi32, #tpu.memory_space<hbm>>
          %dma_wait3A_195 = tpu.memref_squeeze %dma_wait3A_194 : memref<1x1x8x128xi32, #tpu.memory_space<hbm>> -> memref<8x128xi32, #tpu.memory_space<hbm>>
          tpu.wait_dma2 semaphore(%arg17 : memref<!tpu.dma_semaphore, #tpu.memory_space<semaphore_mem>>) src(%dma_wait3A_195 : memref<8x128xi32, #tpu.memory_space<hbm>>) dst(%arg11 : memref<8x128xi32, #tpu.memory_space<vmem>>)
          %dma_start3A_196 = arith.constant 0 : i32
          %dma_start3A_197 = arith.constant 0 : i32
          %dma_start3A_198 = tpu.memref_slice %arg11[%dma_start3A_196, %dma_start3A_197] : memref<8x128xi32, #tpu.memory_space<vmem>> -> memref<1x128xi32, #tpu.memory_space<vmem>>
          %dma_start3A_199 = tpu.memref_squeeze %dma_start3A_198 : memref<1x128xi32, #tpu.memory_space<vmem>> -> memref<128xi32, #tpu.memory_space<vmem>>
          %dma_start3A_200 = arith.constant 0 : i32
          %dma_start3A_201 = arith.constant 0 : i32
          %dma_start3A_202 = tpu.memref_slice %arg2[%dma_start3A_200, %dma_start3A_201] : memref<10240x128xf32, #tpu.memory_space<hbm>> -> memref<10240x128xf32, #tpu.memory_space<hbm>>
          tpu.enqueue_indirect_dma source(%dma_start3A_202 : memref<10240x128xf32, #tpu.memory_space<hbm>>) target(%arg12 : memref<128x128xf32, #tpu.memory_space<vmem>>) offsets(%dma_start3A_199 : memref<128xi32, #tpu.memory_space<vmem>>) semaphore(%arg14 : memref<!tpu.dma_semaphore, #tpu.memory_space<semaphore_mem>>)
        } else {
        }
        %dma_wait3A_95 = arith.constant 3 : i32
        %dma_wait3A_96 = arith.constant 0 : i32
        %dma_wait3A_97 = tpu.memref_slice %arg10[%dma_wait3A_95, %dma_wait3A_96] : memref<8x128xi32, #tpu.memory_space<vmem>> -> memref<1x128xi32, #tpu.memory_space<vmem>>
        %dma_wait3A_98 = tpu.memref_squeeze %dma_wait3A_97 : memref<1x128xi32, #tpu.memory_space<vmem>> -> memref<128xi32, #tpu.memory_space<vmem>>
        %dma_wait3A_99 = arith.constant 0 : i32
        %dma_wait3A_100 = arith.constant 0 : i32
        %dma_wait3A_101 = tpu.memref_slice %arg2[%dma_wait3A_99, %dma_wait3A_100] : memref<10240x128xf32, #tpu.memory_space<hbm>> -> memref<10240x128xf32, #tpu.memory_space<hbm>>
        tpu.wait_indirect_dma semaphore(%arg15 : memref<!tpu.dma_semaphore, #tpu.memory_space<semaphore_mem>>) src(%dma_wait3A_101 : memref<10240x128xf32, #tpu.memory_space<hbm>>) dst(%arg13 : memref<128x128xf32, #tpu.memory_space<vmem>>)
        %run_scoped3A_102 = arith.constant 7 : i32
        "tpu.region"() ({
          %run_scoped3A_186 = tpu.sem_alloc : memref<!tpu.dma_semaphore, #tpu.memory_space<semaphore_mem>>
          %dma_start3A_187 = arith.constant 0 : i32
          %dma_start3A_188 = tpu.memref_slice %arg10[%run_scoped3A_102, %dma_start3A_187] : memref<8x128xi32, #tpu.memory_space<vmem>> -> memref<1x128xi32, #tpu.memory_space<vmem>>
          %dma_start3A_189 = tpu.memref_squeeze %dma_start3A_188 : memref<1x128xi32, #tpu.memory_space<vmem>> -> memref<128xi32, #tpu.memory_space<vmem>>
          %dma_start3A_190 = arith.constant 0 : i32
          %dma_start3A_191 = arith.constant 0 : i32
          %dma_start3A_192 = tpu.memref_slice %arg7[%dma_start3A_190, %dma_start3A_191] : memref<10240x128xf32, #tpu.memory_space<vmem_shared>> -> memref<10240x128xf32, #tpu.memory_space<vmem_shared>>
          tpu.enqueue_indirect_dma source(%arg13 : memref<128x128xf32, #tpu.memory_space<vmem>>) target(%dma_start3A_192 : memref<10240x128xf32, #tpu.memory_space<vmem_shared>>) offsets(%dma_start3A_189 : memref<128xi32, #tpu.memory_space<vmem>>) semaphore(%run_scoped3A_186 : memref<!tpu.dma_semaphore, #tpu.memory_space<semaphore_mem>>) {add = true}
          %dma_wait3A_193 = arith.constant 0 : i32
          %dma_wait3A_194 = tpu.memref_slice %arg10[%run_scoped3A_102, %dma_wait3A_193] : memref<8x128xi32, #tpu.memory_space<vmem>> -> memref<1x128xi32, #tpu.memory_space<vmem>>
          %dma_wait3A_195 = tpu.memref_squeeze %dma_wait3A_194 : memref<1x128xi32, #tpu.memory_space<vmem>> -> memref<128xi32, #tpu.memory_space<vmem>>
          %dma_wait3A_196 = arith.constant 0 : i32
          %dma_wait3A_197 = arith.constant 0 : i32
          %dma_wait3A_198 = tpu.memref_slice %arg7[%dma_wait3A_196, %dma_wait3A_197] : memref<10240x128xf32, #tpu.memory_space<vmem_shared>> -> memref<10240x128xf32, #tpu.memory_space<vmem_shared>>
          tpu.wait_indirect_dma semaphore(%run_scoped3A_186 : memref<!tpu.dma_semaphore, #tpu.memory_space<semaphore_mem>>) src(%arg13 : memref<128x128xf32, #tpu.memory_space<vmem>>) dst(%dma_wait3A_198 : memref<10240x128xf32, #tpu.memory_space<vmem_shared>>)
          tpu.yield
        }) : () -> ()
        %add3A_103 = arith.constant 1 : i32
        %add3A_104 = arith.addi %add3A_51, %add3A_103 : i32
        %lt3A_105 = arith.constant 28 : i32
        %lt3A_106 = arith.cmpi slt, %add3A_104, %lt3A_105 : i32
        %convert_element_type3A_107 = arith.extui %lt3A_106 : i1 to i32
        %cond3A_108 = arith.constant 0 : i32
        %cond3A_109 = arith.cmpi ne, %convert_element_type3A_107, %cond3A_108 : i32
        scf.if %cond3A_109 {
          %dma_start3A_186 = arith.constant 1 : i32
          %dma_start3A_187 = arith.constant 0 : i32
          %dma_start3A_188 = tpu.memref_slice %arg11[%dma_start3A_186, %dma_start3A_187] : memref<8x128xi32, #tpu.memory_space<vmem>> -> memref<1x128xi32, #tpu.memory_space<vmem>>
          %dma_start3A_189 = tpu.memref_squeeze %dma_start3A_188 : memref<1x128xi32, #tpu.memory_space<vmem>> -> memref<128xi32, #tpu.memory_space<vmem>>
          %dma_start3A_190 = arith.constant 0 : i32
          %dma_start3A_191 = arith.constant 0 : i32
          %dma_start3A_192 = tpu.memref_slice %arg2[%dma_start3A_190, %dma_start3A_191] : memref<10240x128xf32, #tpu.memory_space<hbm>> -> memref<10240x128xf32, #tpu.memory_space<hbm>>
          tpu.enqueue_indirect_dma source(%dma_start3A_192 : memref<10240x128xf32, #tpu.memory_space<hbm>>) target(%arg13 : memref<128x128xf32, #tpu.memory_space<vmem>>) offsets(%dma_start3A_189 : memref<128xi32, #tpu.memory_space<vmem>>) semaphore(%arg15 : memref<!tpu.dma_semaphore, #tpu.memory_space<semaphore_mem>>)
        } else {
        }
        %add3A_110 = arith.constant 2 : i32
        %add3A_111 = arith.addi %add3A_51, %add3A_110 : i32
        %lt3A_112 = arith.constant 28 : i32
        %lt3A_113 = arith.cmpi slt, %add3A_111, %lt3A_112 : i32
        %convert_element_type3A_114 = arith.extui %lt3A_113 : i1 to i32
        %cond3A_115 = arith.constant 0 : i32
        %cond3A_116 = arith.cmpi ne, %convert_element_type3A_114, %cond3A_115 : i32
        scf.if %cond3A_116 {
          %add3A_186 = arith.constant 2 : i32
          %add3A_187 = arith.addi %add3A_51, %add3A_186 : i32
          %dma_start3A_188 = arith.constant 0 : i32
          %dma_start3A_189 = arith.constant 0 : i32
          %dma_start3A_190 = tpu.memref_slice %arg5[%arg1, %add3A_187, %dma_start3A_188, %dma_start3A_189] : memref<16x28x8x128xi32, #tpu.memory_space<hbm>> -> memref<1x1x8x128xi32, #tpu.memory_space<hbm>>
          %dma_start3A_191 = tpu.memref_squeeze %dma_start3A_190 : memref<1x1x8x128xi32, #tpu.memory_space<hbm>> -> memref<8x128xi32, #tpu.memory_space<hbm>>
          %dma_start3A_192 = arith.constant 0 : i32
          %dma_start3A_193 = arith.constant 0 : i32
          %dma_start3A_194 = tpu.memref_slice %arg5[%arg1, %add3A_187, %dma_start3A_192, %dma_start3A_193] : memref<16x28x8x128xi32, #tpu.memory_space<hbm>> -> memref<1x1x8x128xi32, #tpu.memory_space<hbm>>
          %dma_start3A_195 = tpu.memref_squeeze %dma_start3A_194 : memref<1x1x8x128xi32, #tpu.memory_space<hbm>> -> memref<8x128xi32, #tpu.memory_space<hbm>>
          tpu.enqueue_dma source(%dma_start3A_195 : memref<8x128xi32, #tpu.memory_space<hbm>>) target(%arg10 : memref<8x128xi32, #tpu.memory_space<vmem>>) target_semaphore(%arg16 : memref<!tpu.dma_semaphore, #tpu.memory_space<semaphore_mem>>)
        } else {
        }
        %add3A_117 = arith.constant 1 : i32
        %add3A_118 = arith.addi %add3A_51, %add3A_117 : i32
        %dma_wait3A_119 = arith.constant 0 : i32
        %dma_wait3A_120 = arith.constant 0 : i32
        %dma_wait3A_121 = tpu.memref_slice %arg11[%dma_wait3A_119, %dma_wait3A_120] : memref<8x128xi32, #tpu.memory_space<vmem>> -> memref<1x128xi32, #tpu.memory_space<vmem>>
        %dma_wait3A_122 = tpu.memref_squeeze %dma_wait3A_121 : memref<1x128xi32, #tpu.memory_space<vmem>> -> memref<128xi32, #tpu.memory_space<vmem>>
        %dma_wait3A_123 = arith.constant 0 : i32
        %dma_wait3A_124 = arith.constant 0 : i32
        %dma_wait3A_125 = tpu.memref_slice %arg2[%dma_wait3A_123, %dma_wait3A_124] : memref<10240x128xf32, #tpu.memory_space<hbm>> -> memref<10240x128xf32, #tpu.memory_space<hbm>>
        tpu.wait_indirect_dma semaphore(%arg14 : memref<!tpu.dma_semaphore, #tpu.memory_space<semaphore_mem>>) src(%dma_wait3A_125 : memref<10240x128xf32, #tpu.memory_space<hbm>>) dst(%arg12 : memref<128x128xf32, #tpu.memory_space<vmem>>)
        %run_scoped3A_126 = arith.constant 4 : i32
        "tpu.region"() ({
          %run_scoped3A_186 = tpu.sem_alloc : memref<!tpu.dma_semaphore, #tpu.memory_space<semaphore_mem>>
          %dma_start3A_187 = arith.constant 0 : i32
          %dma_start3A_188 = tpu.memref_slice %arg11[%run_scoped3A_126, %dma_start3A_187] : memref<8x128xi32, #tpu.memory_space<vmem>> -> memref<1x128xi32, #tpu.memory_space<vmem>>
          %dma_start3A_189 = tpu.memref_squeeze %dma_start3A_188 : memref<1x128xi32, #tpu.memory_space<vmem>> -> memref<128xi32, #tpu.memory_space<vmem>>
          %dma_start3A_190 = arith.constant 0 : i32
          %dma_start3A_191 = arith.constant 0 : i32
          %dma_start3A_192 = tpu.memref_slice %arg7[%dma_start3A_190, %dma_start3A_191] : memref<10240x128xf32, #tpu.memory_space<vmem_shared>> -> memref<10240x128xf32, #tpu.memory_space<vmem_shared>>
          tpu.enqueue_indirect_dma source(%arg12 : memref<128x128xf32, #tpu.memory_space<vmem>>) target(%dma_start3A_192 : memref<10240x128xf32, #tpu.memory_space<vmem_shared>>) offsets(%dma_start3A_189 : memref<128xi32, #tpu.memory_space<vmem>>) semaphore(%run_scoped3A_186 : memref<!tpu.dma_semaphore, #tpu.memory_space<semaphore_mem>>) {add = true}
          %dma_wait3A_193 = arith.constant 0 : i32
          %dma_wait3A_194 = tpu.memref_slice %arg11[%run_scoped3A_126, %dma_wait3A_193] : memref<8x128xi32, #tpu.memory_space<vmem>> -> memref<1x128xi32, #tpu.memory_space<vmem>>
          %dma_wait3A_195 = tpu.memref_squeeze %dma_wait3A_194 : memref<1x128xi32, #tpu.memory_space<vmem>> -> memref<128xi32, #tpu.memory_space<vmem>>
          %dma_wait3A_196 = arith.constant 0 : i32
          %dma_wait3A_197 = arith.constant 0 : i32
          %dma_wait3A_198 = tpu.memref_slice %arg7[%dma_wait3A_196, %dma_wait3A_197] : memref<10240x128xf32, #tpu.memory_space<vmem_shared>> -> memref<10240x128xf32, #tpu.memory_space<vmem_shared>>
          tpu.wait_indirect_dma semaphore(%run_scoped3A_186 : memref<!tpu.dma_semaphore, #tpu.memory_space<semaphore_mem>>) src(%arg12 : memref<128x128xf32, #tpu.memory_space<vmem>>) dst(%dma_wait3A_198 : memref<10240x128xf32, #tpu.memory_space<vmem_shared>>)
          tpu.yield
        }) : () -> ()
        %dma_start3A_127 = arith.constant 2 : i32
        %dma_start3A_128 = arith.constant 0 : i32
        %dma_start3A_129 = tpu.memref_slice %arg11[%dma_start3A_127, %dma_start3A_128] : memref<8x128xi32, #tpu.memory_space<vmem>> -> memref<1x128xi32, #tpu.memory_space<vmem>>
        %dma_start3A_130 = tpu.memref_squeeze %dma_start3A_129 : memref<1x128xi32, #tpu.memory_space<vmem>> -> memref<128xi32, #tpu.memory_space<vmem>>
        %dma_start3A_131 = arith.constant 0 : i32
        %dma_start3A_132 = arith.constant 0 : i32
        %dma_start3A_133 = tpu.memref_slice %arg2[%dma_start3A_131, %dma_start3A_132] : memref<10240x128xf32, #tpu.memory_space<hbm>> -> memref<10240x128xf32, #tpu.memory_space<hbm>>
        tpu.enqueue_indirect_dma source(%dma_start3A_133 : memref<10240x128xf32, #tpu.memory_space<hbm>>) target(%arg12 : memref<128x128xf32, #tpu.memory_space<vmem>>) offsets(%dma_start3A_130 : memref<128xi32, #tpu.memory_space<vmem>>) semaphore(%arg14 : memref<!tpu.dma_semaphore, #tpu.memory_space<semaphore_mem>>)
        %dma_wait3A_134 = arith.constant 1 : i32
        %dma_wait3A_135 = arith.constant 0 : i32
        %dma_wait3A_136 = tpu.memref_slice %arg11[%dma_wait3A_134, %dma_wait3A_135] : memref<8x128xi32, #tpu.memory_space<vmem>> -> memref<1x128xi32, #tpu.memory_space<vmem>>
        %dma_wait3A_137 = tpu.memref_squeeze %dma_wait3A_136 : memref<1x128xi32, #tpu.memory_space<vmem>> -> memref<128xi32, #tpu.memory_space<vmem>>
        %dma_wait3A_138 = arith.constant 0 : i32
        %dma_wait3A_139 = arith.constant 0 : i32
        %dma_wait3A_140 = tpu.memref_slice %arg2[%dma_wait3A_138, %dma_wait3A_139] : memref<10240x128xf32, #tpu.memory_space<hbm>> -> memref<10240x128xf32, #tpu.memory_space<hbm>>
        tpu.wait_indirect_dma semaphore(%arg15 : memref<!tpu.dma_semaphore, #tpu.memory_space<semaphore_mem>>) src(%dma_wait3A_140 : memref<10240x128xf32, #tpu.memory_space<hbm>>) dst(%arg13 : memref<128x128xf32, #tpu.memory_space<vmem>>)
        %run_scoped3A_141 = arith.constant 5 : i32
        "tpu.region"() ({
          %run_scoped3A_186 = tpu.sem_alloc : memref<!tpu.dma_semaphore, #tpu.memory_space<semaphore_mem>>
          %dma_start3A_187 = arith.constant 0 : i32
          %dma_start3A_188 = tpu.memref_slice %arg11[%run_scoped3A_141, %dma_start3A_187] : memref<8x128xi32, #tpu.memory_space<vmem>> -> memref<1x128xi32, #tpu.memory_space<vmem>>
          %dma_start3A_189 = tpu.memref_squeeze %dma_start3A_188 : memref<1x128xi32, #tpu.memory_space<vmem>> -> memref<128xi32, #tpu.memory_space<vmem>>
          %dma_start3A_190 = arith.constant 0 : i32
          %dma_start3A_191 = arith.constant 0 : i32
          %dma_start3A_192 = tpu.memref_slice %arg7[%dma_start3A_190, %dma_start3A_191] : memref<10240x128xf32, #tpu.memory_space<vmem_shared>> -> memref<10240x128xf32, #tpu.memory_space<vmem_shared>>
          tpu.enqueue_indirect_dma source(%arg13 : memref<128x128xf32, #tpu.memory_space<vmem>>) target(%dma_start3A_192 : memref<10240x128xf32, #tpu.memory_space<vmem_shared>>) offsets(%dma_start3A_189 : memref<128xi32, #tpu.memory_space<vmem>>) semaphore(%run_scoped3A_186 : memref<!tpu.dma_semaphore, #tpu.memory_space<semaphore_mem>>) {add = true}
          %dma_wait3A_193 = arith.constant 0 : i32
          %dma_wait3A_194 = tpu.memref_slice %arg11[%run_scoped3A_141, %dma_wait3A_193] : memref<8x128xi32, #tpu.memory_space<vmem>> -> memref<1x128xi32, #tpu.memory_space<vmem>>
          %dma_wait3A_195 = tpu.memref_squeeze %dma_wait3A_194 : memref<1x128xi32, #tpu.memory_space<vmem>> -> memref<128xi32, #tpu.memory_space<vmem>>
          %dma_wait3A_196 = arith.constant 0 : i32
          %dma_wait3A_197 = arith.constant 0 : i32
          %dma_wait3A_198 = tpu.memref_slice %arg7[%dma_wait3A_196, %dma_wait3A_197] : memref<10240x128xf32, #tpu.memory_space<vmem_shared>> -> memref<10240x128xf32, #tpu.memory_space<vmem_shared>>
          tpu.wait_indirect_dma semaphore(%run_scoped3A_186 : memref<!tpu.dma_semaphore, #tpu.memory_space<semaphore_mem>>) src(%arg13 : memref<128x128xf32, #tpu.memory_space<vmem>>) dst(%dma_wait3A_198 : memref<10240x128xf32, #tpu.memory_space<vmem_shared>>)
          tpu.yield
        }) : () -> ()
        %dma_start3A_142 = arith.constant 3 : i32
        %dma_start3A_143 = arith.constant 0 : i32
        %dma_start3A_144 = tpu.memref_slice %arg11[%dma_start3A_142, %dma_start3A_143] : memref<8x128xi32, #tpu.memory_space<vmem>> -> memref<1x128xi32, #tpu.memory_space<vmem>>
        %dma_start3A_145 = tpu.memref_squeeze %dma_start3A_144 : memref<1x128xi32, #tpu.memory_space<vmem>> -> memref<128xi32, #tpu.memory_space<vmem>>
        %dma_start3A_146 = arith.constant 0 : i32
        %dma_start3A_147 = arith.constant 0 : i32
        %dma_start3A_148 = tpu.memref_slice %arg2[%dma_start3A_146, %dma_start3A_147] : memref<10240x128xf32, #tpu.memory_space<hbm>> -> memref<10240x128xf32, #tpu.memory_space<hbm>>
        tpu.enqueue_indirect_dma source(%dma_start3A_148 : memref<10240x128xf32, #tpu.memory_space<hbm>>) target(%arg13 : memref<128x128xf32, #tpu.memory_space<vmem>>) offsets(%dma_start3A_145 : memref<128xi32, #tpu.memory_space<vmem>>) semaphore(%arg15 : memref<!tpu.dma_semaphore, #tpu.memory_space<semaphore_mem>>)
        %dma_wait3A_149 = arith.constant 2 : i32
        %dma_wait3A_150 = arith.constant 0 : i32
        %dma_wait3A_151 = tpu.memref_slice %arg11[%dma_wait3A_149, %dma_wait3A_150] : memref<8x128xi32, #tpu.memory_space<vmem>> -> memref<1x128xi32, #tpu.memory_space<vmem>>
        %dma_wait3A_152 = tpu.memref_squeeze %dma_wait3A_151 : memref<1x128xi32, #tpu.memory_space<vmem>> -> memref<128xi32, #tpu.memory_space<vmem>>
        %dma_wait3A_153 = arith.constant 0 : i32
        %dma_wait3A_154 = arith.constant 0 : i32
        %dma_wait3A_155 = tpu.memref_slice %arg2[%dma_wait3A_153, %dma_wait3A_154] : memref<10240x128xf32, #tpu.memory_space<hbm>> -> memref<10240x128xf32, #tpu.memory_space<hbm>>
        tpu.wait_indirect_dma semaphore(%arg14 : memref<!tpu.dma_semaphore, #tpu.memory_space<semaphore_mem>>) src(%dma_wait3A_155 : memref<10240x128xf32, #tpu.memory_space<hbm>>) dst(%arg12 : memref<128x128xf32, #tpu.memory_space<vmem>>)
        %run_scoped3A_156 = arith.constant 6 : i32
        "tpu.region"() ({
          %run_scoped3A_186 = tpu.sem_alloc : memref<!tpu.dma_semaphore, #tpu.memory_space<semaphore_mem>>
          %dma_start3A_187 = arith.constant 0 : i32
          %dma_start3A_188 = tpu.memref_slice %arg11[%run_scoped3A_156, %dma_start3A_187] : memref<8x128xi32, #tpu.memory_space<vmem>> -> memref<1x128xi32, #tpu.memory_space<vmem>>
          %dma_start3A_189 = tpu.memref_squeeze %dma_start3A_188 : memref<1x128xi32, #tpu.memory_space<vmem>> -> memref<128xi32, #tpu.memory_space<vmem>>
          %dma_start3A_190 = arith.constant 0 : i32
          %dma_start3A_191 = arith.constant 0 : i32
          %dma_start3A_192 = tpu.memref_slice %arg7[%dma_start3A_190, %dma_start3A_191] : memref<10240x128xf32, #tpu.memory_space<vmem_shared>> -> memref<10240x128xf32, #tpu.memory_space<vmem_shared>>
          tpu.enqueue_indirect_dma source(%arg12 : memref<128x128xf32, #tpu.memory_space<vmem>>) target(%dma_start3A_192 : memref<10240x128xf32, #tpu.memory_space<vmem_shared>>) offsets(%dma_start3A_189 : memref<128xi32, #tpu.memory_space<vmem>>) semaphore(%run_scoped3A_186 : memref<!tpu.dma_semaphore, #tpu.memory_space<semaphore_mem>>) {add = true}
          %dma_wait3A_193 = arith.constant 0 : i32
          %dma_wait3A_194 = tpu.memref_slice %arg11[%run_scoped3A_156, %dma_wait3A_193] : memref<8x128xi32, #tpu.memory_space<vmem>> -> memref<1x128xi32, #tpu.memory_space<vmem>>
          %dma_wait3A_195 = tpu.memref_squeeze %dma_wait3A_194 : memref<1x128xi32, #tpu.memory_space<vmem>> -> memref<128xi32, #tpu.memory_space<vmem>>
          %dma_wait3A_196 = arith.constant 0 : i32
          %dma_wait3A_197 = arith.constant 0 : i32
          %dma_wait3A_198 = tpu.memref_slice %arg7[%dma_wait3A_196, %dma_wait3A_197] : memref<10240x128xf32, #tpu.memory_space<vmem_shared>> -> memref<10240x128xf32, #tpu.memory_space<vmem_shared>>
          tpu.wait_indirect_dma semaphore(%run_scoped3A_186 : memref<!tpu.dma_semaphore, #tpu.memory_space<semaphore_mem>>) src(%arg12 : memref<128x128xf32, #tpu.memory_space<vmem>>) dst(%dma_wait3A_198 : memref<10240x128xf32, #tpu.memory_space<vmem_shared>>)
          tpu.yield
        }) : () -> ()
        %add3A_157 = arith.constant 1 : i32
        %add3A_158 = arith.addi %add3A_118, %add3A_157 : i32
        %lt3A_159 = arith.constant 28 : i32
        %lt3A_160 = arith.cmpi slt, %add3A_158, %lt3A_159 : i32
        %convert_element_type3A_161 = arith.extui %lt3A_160 : i1 to i32
        %cond3A_162 = arith.constant 0 : i32
        %cond3A_163 = arith.cmpi ne, %convert_element_type3A_161, %cond3A_162 : i32
        scf.if %cond3A_163 {
          %add3A_186 = arith.constant 1 : i32
          %add3A_187 = arith.addi %add3A_118, %add3A_186 : i32
          %dma_wait3A_188 = arith.constant 0 : i32
          %dma_wait3A_189 = arith.constant 0 : i32
          %dma_wait3A_190 = tpu.memref_slice %arg5[%arg1, %add3A_187, %dma_wait3A_188, %dma_wait3A_189] : memref<16x28x8x128xi32, #tpu.memory_space<hbm>> -> memref<1x1x8x128xi32, #tpu.memory_space<hbm>>
          %dma_wait3A_191 = tpu.memref_squeeze %dma_wait3A_190 : memref<1x1x8x128xi32, #tpu.memory_space<hbm>> -> memref<8x128xi32, #tpu.memory_space<hbm>>
          %dma_wait3A_192 = arith.constant 0 : i32
          %dma_wait3A_193 = arith.constant 0 : i32
          %dma_wait3A_194 = tpu.memref_slice %arg5[%arg1, %add3A_187, %dma_wait3A_192, %dma_wait3A_193] : memref<16x28x8x128xi32, #tpu.memory_space<hbm>> -> memref<1x1x8x128xi32, #tpu.memory_space<hbm>>
          %dma_wait3A_195 = tpu.memref_squeeze %dma_wait3A_194 : memref<1x1x8x128xi32, #tpu.memory_space<hbm>> -> memref<8x128xi32, #tpu.memory_space<hbm>>
          tpu.wait_dma2 semaphore(%arg16 : memref<!tpu.dma_semaphore, #tpu.memory_space<semaphore_mem>>) src(%dma_wait3A_195 : memref<8x128xi32, #tpu.memory_space<hbm>>) dst(%arg10 : memref<8x128xi32, #tpu.memory_space<vmem>>)
          %dma_start3A_196 = arith.constant 0 : i32
          %dma_start3A_197 = arith.constant 0 : i32
          %dma_start3A_198 = tpu.memref_slice %arg10[%dma_start3A_196, %dma_start3A_197] : memref<8x128xi32, #tpu.memory_space<vmem>> -> memref<1x128xi32, #tpu.memory_space<vmem>>
          %dma_start3A_199 = tpu.memref_squeeze %dma_start3A_198 : memref<1x128xi32, #tpu.memory_space<vmem>> -> memref<128xi32, #tpu.memory_space<vmem>>
          %dma_start3A_200 = arith.constant 0 : i32
          %dma_start3A_201 = arith.constant 0 : i32
          %dma_start3A_202 = tpu.memref_slice %arg2[%dma_start3A_200, %dma_start3A_201] : memref<10240x128xf32, #tpu.memory_space<hbm>> -> memref<10240x128xf32, #tpu.memory_space<hbm>>
          tpu.enqueue_indirect_dma source(%dma_start3A_202 : memref<10240x128xf32, #tpu.memory_space<hbm>>) target(%arg12 : memref<128x128xf32, #tpu.memory_space<vmem>>) offsets(%dma_start3A_199 : memref<128xi32, #tpu.memory_space<vmem>>) semaphore(%arg14 : memref<!tpu.dma_semaphore, #tpu.memory_space<semaphore_mem>>)
        } else {
        }
        %dma_wait3A_164 = arith.constant 3 : i32
        %dma_wait3A_165 = arith.constant 0 : i32
        %dma_wait3A_166 = tpu.memref_slice %arg11[%dma_wait3A_164, %dma_wait3A_165] : memref<8x128xi32, #tpu.memory_space<vmem>> -> memref<1x128xi32, #tpu.memory_space<vmem>>
        %dma_wait3A_167 = tpu.memref_squeeze %dma_wait3A_166 : memref<1x128xi32, #tpu.memory_space<vmem>> -> memref<128xi32, #tpu.memory_space<vmem>>
        %dma_wait3A_168 = arith.constant 0 : i32
        %dma_wait3A_169 = arith.constant 0 : i32
        %dma_wait3A_170 = tpu.memref_slice %arg2[%dma_wait3A_168, %dma_wait3A_169] : memref<10240x128xf32, #tpu.memory_space<hbm>> -> memref<10240x128xf32, #tpu.memory_space<hbm>>
        tpu.wait_indirect_dma semaphore(%arg15 : memref<!tpu.dma_semaphore, #tpu.memory_space<semaphore_mem>>) src(%dma_wait3A_170 : memref<10240x128xf32, #tpu.memory_space<hbm>>) dst(%arg13 : memref<128x128xf32, #tpu.memory_space<vmem>>)
        %run_scoped3A_171 = arith.constant 7 : i32
        "tpu.region"() ({
          %run_scoped3A_186 = tpu.sem_alloc : memref<!tpu.dma_semaphore, #tpu.memory_space<semaphore_mem>>
          %dma_start3A_187 = arith.constant 0 : i32
          %dma_start3A_188 = tpu.memref_slice %arg11[%run_scoped3A_171, %dma_start3A_187] : memref<8x128xi32, #tpu.memory_space<vmem>> -> memref<1x128xi32, #tpu.memory_space<vmem>>
          %dma_start3A_189 = tpu.memref_squeeze %dma_start3A_188 : memref<1x128xi32, #tpu.memory_space<vmem>> -> memref<128xi32, #tpu.memory_space<vmem>>
          %dma_start3A_190 = arith.constant 0 : i32
          %dma_start3A_191 = arith.constant 0 : i32
          %dma_start3A_192 = tpu.memref_slice %arg7[%dma_start3A_190, %dma_start3A_191] : memref<10240x128xf32, #tpu.memory_space<vmem_shared>> -> memref<10240x128xf32, #tpu.memory_space<vmem_shared>>
          tpu.enqueue_indirect_dma source(%arg13 : memref<128x128xf32, #tpu.memory_space<vmem>>) target(%dma_start3A_192 : memref<10240x128xf32, #tpu.memory_space<vmem_shared>>) offsets(%dma_start3A_189 : memref<128xi32, #tpu.memory_space<vmem>>) semaphore(%run_scoped3A_186 : memref<!tpu.dma_semaphore, #tpu.memory_space<semaphore_mem>>) {add = true}
          %dma_wait3A_193 = arith.constant 0 : i32
          %dma_wait3A_194 = tpu.memref_slice %arg11[%run_scoped3A_171, %dma_wait3A_193] : memref<8x128xi32, #tpu.memory_space<vmem>> -> memref<1x128xi32, #tpu.memory_space<vmem>>
          %dma_wait3A_195 = tpu.memref_squeeze %dma_wait3A_194 : memref<1x128xi32, #tpu.memory_space<vmem>> -> memref<128xi32, #tpu.memory_space<vmem>>
          %dma_wait3A_196 = arith.constant 0 : i32
          %dma_wait3A_197 = arith.constant 0 : i32
          %dma_wait3A_198 = tpu.memref_slice %arg7[%dma_wait3A_196, %dma_wait3A_197] : memref<10240x128xf32, #tpu.memory_space<vmem_shared>> -> memref<10240x128xf32, #tpu.memory_space<vmem_shared>>
          tpu.wait_indirect_dma semaphore(%run_scoped3A_186 : memref<!tpu.dma_semaphore, #tpu.memory_space<semaphore_mem>>) src(%arg13 : memref<128x128xf32, #tpu.memory_space<vmem>>) dst(%dma_wait3A_198 : memref<10240x128xf32, #tpu.memory_space<vmem_shared>>)
          tpu.yield
        }) : () -> ()
        %add3A_172 = arith.constant 1 : i32
        %add3A_173 = arith.addi %add3A_118, %add3A_172 : i32
        %lt3A_174 = arith.constant 28 : i32
        %lt3A_175 = arith.cmpi slt, %add3A_173, %lt3A_174 : i32
        %convert_element_type3A_176 = arith.extui %lt3A_175 : i1 to i32
        %cond3A_177 = arith.constant 0 : i32
        %cond3A_178 = arith.cmpi ne, %convert_element_type3A_176, %cond3A_177 : i32
        scf.if %cond3A_178 {
          %dma_start3A_186 = arith.constant 1 : i32
          %dma_start3A_187 = arith.constant 0 : i32
          %dma_start3A_188 = tpu.memref_slice %arg10[%dma_start3A_186, %dma_start3A_187] : memref<8x128xi32, #tpu.memory_space<vmem>> -> memref<1x128xi32, #tpu.memory_space<vmem>>
          %dma_start3A_189 = tpu.memref_squeeze %dma_start3A_188 : memref<1x128xi32, #tpu.memory_space<vmem>> -> memref<128xi32, #tpu.memory_space<vmem>>
          %dma_start3A_190 = arith.constant 0 : i32
          %dma_start3A_191 = arith.constant 0 : i32
          %dma_start3A_192 = tpu.memref_slice %arg2[%dma_start3A_190, %dma_start3A_191] : memref<10240x128xf32, #tpu.memory_space<hbm>> -> memref<10240x128xf32, #tpu.memory_space<hbm>>
          tpu.enqueue_indirect_dma source(%dma_start3A_192 : memref<10240x128xf32, #tpu.memory_space<hbm>>) target(%arg13 : memref<128x128xf32, #tpu.memory_space<vmem>>) offsets(%dma_start3A_189 : memref<128xi32, #tpu.memory_space<vmem>>) semaphore(%arg15 : memref<!tpu.dma_semaphore, #tpu.memory_space<semaphore_mem>>)
        } else {
        }
        %add3A_179 = arith.constant 2 : i32
        %add3A_180 = arith.addi %add3A_118, %add3A_179 : i32
        %lt3A_181 = arith.constant 28 : i32
        %lt3A_182 = arith.cmpi slt, %add3A_180, %lt3A_181 : i32
        %convert_element_type3A_183 = arith.extui %lt3A_182 : i1 to i32
        %cond3A_184 = arith.constant 0 : i32
        %cond3A_185 = arith.cmpi ne, %convert_element_type3A_183, %cond3A_184 : i32
        scf.if %cond3A_185 {
          %add3A_186 = arith.constant 2 : i32
          %add3A_187 = arith.addi %add3A_118, %add3A_186 : i32
          %dma_start3A_188 = arith.constant 0 : i32
          %dma_start3A_189 = arith.constant 0 : i32
          %dma_start3A_190 = tpu.memref_slice %arg5[%arg1, %add3A_187, %dma_start3A_188, %dma_start3A_189] : memref<16x28x8x128xi32, #tpu.memory_space<hbm>> -> memref<1x1x8x128xi32, #tpu.memory_space<hbm>>
          %dma_start3A_191 = tpu.memref_squeeze %dma_start3A_190 : memref<1x1x8x128xi32, #tpu.memory_space<hbm>> -> memref<8x128xi32, #tpu.memory_space<hbm>>
          %dma_start3A_192 = arith.constant 0 : i32
          %dma_start3A_193 = arith.constant 0 : i32
          %dma_start3A_194 = tpu.memref_slice %arg5[%arg1, %add3A_187, %dma_start3A_192, %dma_start3A_193] : memref<16x28x8x128xi32, #tpu.memory_space<hbm>> -> memref<1x1x8x128xi32, #tpu.memory_space<hbm>>
          %dma_start3A_195 = tpu.memref_squeeze %dma_start3A_194 : memref<1x1x8x128xi32, #tpu.memory_space<hbm>> -> memref<8x128xi32, #tpu.memory_space<hbm>>
          tpu.enqueue_dma source(%dma_start3A_195 : memref<8x128xi32, #tpu.memory_space<hbm>>) target(%arg11 : memref<8x128xi32, #tpu.memory_space<vmem>>) target_semaphore(%arg17 : memref<!tpu.dma_semaphore, #tpu.memory_space<semaphore_mem>>)
        } else {
        }
      }
      %scan3A_47 = arith.constant 14 : i32
    } else {
    }
    %barrier3A_17 = arith.constant 0 : index
    tpu.barrier barrier_id(%barrier3A_17)
    %mul3A = arith.constant 640 : i32
    %mul3A_18 = arith.muli %arg1, %mul3A : i32
    %mul3A_19 = arith.constant 640 : i32
    %mul3A_20 = arith.muli %arg1, %mul3A_19 : i32
    "tpu.region"() ({
      %run_scoped3A = tpu.sem_alloc : memref<!tpu.dma_semaphore, #tpu.memory_space<semaphore_mem>>
      %dma_start3A = arith.constant 0 : i32
      %dma_start3A_21 = tpu.memref_slice %arg6[%arg0, %mul3A_20, %dma_start3A] : memref<2x10240x128xf32, #tpu.memory_space<hbm>> -> memref<1x640x128xf32, #tpu.memory_space<hbm>>
      %dma_start3A_22 = tpu.memref_squeeze %dma_start3A_21 : memref<1x640x128xf32, #tpu.memory_space<hbm>> -> memref<640x128xf32, #tpu.memory_space<hbm>>
      %dma_start3A_23 = arith.constant 0 : i32
      %dma_start3A_24 = tpu.memref_slice %arg7[%mul3A_18, %dma_start3A_23] : memref<10240x128xf32, #tpu.memory_space<vmem_shared>> -> memref<640x128xf32, #tpu.memory_space<vmem_shared>>
      tpu.enqueue_dma source(%dma_start3A_24 : memref<640x128xf32, #tpu.memory_space<vmem_shared>>) target(%dma_start3A_22 : memref<640x128xf32, #tpu.memory_space<hbm>>) target_semaphore(%run_scoped3A : memref<!tpu.dma_semaphore, #tpu.memory_space<semaphore_mem>>)
      %dma_wait3A = arith.constant 0 : i32
      %dma_wait3A_25 = tpu.memref_slice %arg6[%arg0, %mul3A_20, %dma_wait3A] : memref<2x10240x128xf32, #tpu.memory_space<hbm>> -> memref<1x640x128xf32, #tpu.memory_space<hbm>>
      %dma_wait3A_26 = tpu.memref_squeeze %dma_wait3A_25 : memref<1x640x128xf32, #tpu.memory_space<hbm>> -> memref<640x128xf32, #tpu.memory_space<hbm>>
      %dma_wait3A_27 = arith.constant 0 : i32
      %dma_wait3A_28 = tpu.memref_slice %arg7[%mul3A_18, %dma_wait3A_27] : memref<10240x128xf32, #tpu.memory_space<vmem_shared>> -> memref<640x128xf32, #tpu.memory_space<vmem_shared>>
      tpu.wait_dma2 semaphore(%run_scoped3A : memref<!tpu.dma_semaphore, #tpu.memory_space<semaphore_mem>>) src(%dma_wait3A_28 : memref<640x128xf32, #tpu.memory_space<vmem_shared>>) dst(%dma_wait3A_26 : memref<640x128xf32, #tpu.memory_space<hbm>>)
      tpu.yield
    }) : () -> ()
    return
  }
}

#map = affine_map<(d0, d1) -> (0, 0)>
#map1 = affine_map<(d0, d1) -> (0, 0, 0)>
#map2 = affine_map<(d0, d1) -> (0, 0, 0, 0)>
module attributes {stable_mosaic.version = 14 : i64} {
  func.func @body(%arg0: i32, %arg1: i32, %arg2: memref<10000x128xf32, #tpu.memory_space<hbm>>, %arg3: memref<16x46x128xi32, #tpu.memory_space<hbm>>, %arg4: memref<16x46x128xi32, #tpu.memory_space<hbm>>, %arg5: memref<16x28x8x128xi32, #tpu.memory_space<hbm>>, %arg6: memref<2x10240x128xf32, #tpu.memory_space<hbm>>, %arg7: memref<2x10240xf32, #tpu.memory_space<hbm>>, %arg8: memref<10240x128xf32, #tpu.memory_space<vmem_shared>>, %arg9: memref<46x128xi32, #tpu.memory_space<vmem>>, %arg10: memref<46x128xi32, #tpu.memory_space<vmem>>, %arg11: memref<8x128xi32, #tpu.memory_space<vmem>>, %arg12: memref<8x128xi32, #tpu.memory_space<vmem>>, %arg13: memref<128x128xf32, #tpu.memory_space<vmem>>, %arg14: memref<128x128xf32, #tpu.memory_space<vmem>>, %arg15: memref<!tpu.dma_semaphore, #tpu.memory_space<semaphore_mem>>, %arg16: memref<!tpu.dma_semaphore, #tpu.memory_space<semaphore_mem>>, %arg17: memref<!tpu.dma_semaphore, #tpu.memory_space<semaphore_mem>>, %arg18: memref<!tpu.dma_semaphore, #tpu.memory_space<semaphore_mem>>, %arg19: memref<128xf32, #tpu.memory_space<vmem>>, %arg20: memref<640xf32, #tpu.memory_space<vmem>>, %arg21: memref<10240xf32, #tpu.memory_space<vmem_shared>>) attributes {dimension_semantics = [#tpu.dimension_semantics<core_parallel>, #tpu.dimension_semantics<subcore_parallel>], iteration_bounds = array<i64: 2, 16>, scalar_prefetch = 0 : i64, scratch_operands = 14 : i64, tpu.core_type = #tpu.core_type<sc_vector_subcore>, window_params = [{transform_indices = #map}, {transform_indices = #map1}, {transform_indices = #map1}, {transform_indices = #map2}, {transform_indices = #map1}, {transform_indices = #map}]} {
    %broadcast_in_dim3A = arith.constant 0.000000e+00 : f32
    %broadcast_in_dim3A_0 = vector.broadcast %broadcast_in_dim3A : f32 to vector<16xf32>
    %scan3A = arith.constant 0 : i32
    %scan3A_1 = arith.constant 64 : i32
    %scan3A_2 = arith.addi %scan3A, %scan3A_1 : i32
    %scan3A_3 = arith.constant 1 : i32
    scf.for %scan3A_39 = %scan3A to %scan3A_2 step %scan3A_3  : i32 {
      %mul3A_40 = arith.constant 1 : i32
      %mul3A_41 = arith.muli %scan3A_39, %mul3A_40 : i32
      %add3A = arith.constant 0 : i32
      %add3A_42 = arith.addi %add3A, %mul3A_41 : i32
      %scan3A_43 = arith.constant 0 : i32
      %scan3A_44 = arith.constant 8 : i32
      %scan3A_45 = arith.addi %scan3A_43, %scan3A_44 : i32
      %scan3A_46 = arith.constant 1 : i32
      scf.for %scan3A_48 = %scan3A_43 to %scan3A_45 step %scan3A_46  : i32 {
        %mul3A_49 = arith.constant 16 : i32
        %mul3A_50 = arith.muli %scan3A_48, %mul3A_49 : i32
        %add3A_51 = arith.constant 0 : i32
        %add3A_52 = arith.addi %add3A_51, %mul3A_50 : i32
        %swap3A = arith.index_cast %add3A_42 : i32 to index
        %swap3A_53 = arith.index_cast %add3A_52 : i32 to index
        %swap3A_54 = tpu.vector_load %arg13[%swap3A, %swap3A_53] {strides = array<i32>} : memref<128x128xf32, #tpu.memory_space<vmem>>, vector<1x16xf32>,
        %swap3A_55 = vector.shape_cast %swap3A_54 : vector<1x16xf32> to vector<16xf32>
        %swap3A_56 = vector.shape_cast %broadcast_in_dim3A_0 : vector<16xf32> to vector<1x16xf32>
        tpu.vector_store %arg13[%swap3A, %swap3A_53], %swap3A_56 {strides = array<i32>} : memref<128x128xf32, #tpu.memory_space<vmem>>, vector<1x16xf32>,
      }
      %scan3A_47 = arith.constant 8 : i32
    }
    %scan3A_4 = arith.constant 64 : i32
    %scan3A_5 = arith.constant 0 : i32
    %scan3A_6 = arith.constant 10 : i32
    %scan3A_7 = arith.addi %scan3A_5, %scan3A_6 : i32
    %scan3A_8 = arith.constant 1 : i32
    scf.for %scan3A_39 = %scan3A_5 to %scan3A_7 step %scan3A_8  : i32 {
      %mul3A_40 = arith.constant 64 : i32
      %mul3A_41 = arith.muli %scan3A_39, %mul3A_40 : i32
      %add3A = arith.constant 0 : i32
      %add3A_42 = arith.addi %add3A, %mul3A_41 : i32
      %mul3A_43 = arith.constant 640 : i32
      %mul3A_44 = arith.muli %arg1, %mul3A_43 : i32
      %add3A_45 = arith.addi %mul3A_44, %add3A_42 : i32
      "tpu.region"() ({
        %run_scoped3A = tpu.sem_alloc : memref<!tpu.dma_semaphore, #tpu.memory_space<semaphore_mem>>
        %dma_start3A = arith.constant 0 : i32
        %dma_start3A_46 = arith.constant 0 : i32
        %dma_start3A_47 = tpu.memref_slice %arg13[%dma_start3A, %dma_start3A_46] : memref<128x128xf32, #tpu.memory_space<vmem>> -> memref<64x128xf32, #tpu.memory_space<vmem>>
        %dma_start3A_48 = arith.constant 0 : i32
        %dma_start3A_49 = tpu.memref_slice %arg8[%add3A_45, %dma_start3A_48] : memref<10240x128xf32, #tpu.memory_space<vmem_shared>> -> memref<64x128xf32, #tpu.memory_space<vmem_shared>>
        %dma_start3A_50 = arith.constant 0 : i32
        %dma_start3A_51 = tpu.memref_slice %arg8[%add3A_45, %dma_start3A_50] : memref<10240x128xf32, #tpu.memory_space<vmem_shared>> -> memref<64x128xf32, #tpu.memory_space<vmem_shared>>
        %dma_start3A_52 = arith.constant 0 : i32
        %dma_start3A_53 = arith.constant 0 : i32
        %dma_start3A_54 = tpu.memref_slice %arg13[%dma_start3A_52, %dma_start3A_53] : memref<128x128xf32, #tpu.memory_space<vmem>> -> memref<64x128xf32, #tpu.memory_space<vmem>>
        tpu.enqueue_dma source(%dma_start3A_54 : memref<64x128xf32, #tpu.memory_space<vmem>>) target(%dma_start3A_51 : memref<64x128xf32, #tpu.memory_space<vmem_shared>>) target_semaphore(%run_scoped3A : memref<!tpu.dma_semaphore, #tpu.memory_space<semaphore_mem>>)
        %dma_wait3A = arith.constant 0 : i32
        %dma_wait3A_55 = arith.constant 0 : i32
        %dma_wait3A_56 = tpu.memref_slice %arg13[%dma_wait3A, %dma_wait3A_55] : memref<128x128xf32, #tpu.memory_space<vmem>> -> memref<64x128xf32, #tpu.memory_space<vmem>>
        %dma_wait3A_57 = arith.constant 0 : i32
        %dma_wait3A_58 = tpu.memref_slice %arg8[%add3A_45, %dma_wait3A_57] : memref<10240x128xf32, #tpu.memory_space<vmem_shared>> -> memref<64x128xf32, #tpu.memory_space<vmem_shared>>
        %dma_wait3A_59 = arith.constant 0 : i32
        %dma_wait3A_60 = tpu.memref_slice %arg8[%add3A_45, %dma_wait3A_59] : memref<10240x128xf32, #tpu.memory_space<vmem_shared>> -> memref<64x128xf32, #tpu.memory_space<vmem_shared>>
        %dma_wait3A_61 = arith.constant 0 : i32
        %dma_wait3A_62 = arith.constant 0 : i32
        %dma_wait3A_63 = tpu.memref_slice %arg13[%dma_wait3A_61, %dma_wait3A_62] : memref<128x128xf32, #tpu.memory_space<vmem>> -> memref<64x128xf32, #tpu.memory_space<vmem>>
        tpu.wait_dma2 semaphore(%run_scoped3A : memref<!tpu.dma_semaphore, #tpu.memory_space<semaphore_mem>>) src(%dma_wait3A_63 : memref<64x128xf32, #tpu.memory_space<vmem>>) dst(%dma_wait3A_60 : memref<64x128xf32, #tpu.memory_space<vmem_shared>>)
        tpu.yield
      }) : () -> ()
    }
    %scan3A_9 = arith.constant 10 : i32
    %broadcast_in_dim3A_10 = arith.constant 1.000000e+00 : f32
    %broadcast_in_dim3A_11 = vector.broadcast %broadcast_in_dim3A_10 : f32 to vector<16xf32>
    %scan3A_12 = arith.constant 0 : i32
    %scan3A_13 = arith.constant 8 : i32
    %scan3A_14 = arith.addi %scan3A_12, %scan3A_13 : i32
    %scan3A_15 = arith.constant 1 : i32
    scf.for %scan3A_39 = %scan3A_12 to %scan3A_14 step %scan3A_15  : i32 {
      %mul3A_40 = arith.constant 16 : i32
      %mul3A_41 = arith.muli %scan3A_39, %mul3A_40 : i32
      %add3A = arith.constant 0 : i32
      %add3A_42 = arith.addi %add3A, %mul3A_41 : i32
      %swap3A = arith.index_cast %add3A_42 : i32 to index
      %swap3A_43 = tpu.vector_load %arg19[%swap3A] {strides = array<i32>} : memref<128xf32, #tpu.memory_space<vmem>>, vector<16xf32>,
      %swap3A_44 = vector.shape_cast %swap3A_43 : vector<16xf32> to vector<16xf32>
      %swap3A_45 = vector.shape_cast %broadcast_in_dim3A_11 : vector<16xf32> to vector<16xf32>
      tpu.vector_store %arg19[%swap3A], %swap3A_45 {strides = array<i32>} : memref<128xf32, #tpu.memory_space<vmem>>, vector<16xf32>,
    }
    %scan3A_16 = arith.constant 8 : i32
    %scan3A_17 = arith.constant 0 : i32
    %scan3A_18 = arith.constant 40 : i32
    %scan3A_19 = arith.addi %scan3A_17, %scan3A_18 : i32
    %scan3A_20 = arith.constant 1 : i32
    scf.for %scan3A_39 = %scan3A_17 to %scan3A_19 step %scan3A_20  : i32 {
      %mul3A_40 = arith.constant 16 : i32
      %mul3A_41 = arith.muli %scan3A_39, %mul3A_40 : i32
      %add3A = arith.constant 0 : i32
      %add3A_42 = arith.addi %add3A, %mul3A_41 : i32
      %swap3A = arith.index_cast %add3A_42 : i32 to index
      %swap3A_43 = tpu.vector_load %arg20[%swap3A] {strides = array<i32>} : memref<640xf32, #tpu.memory_space<vmem>>, vector<16xf32>,
      %swap3A_44 = vector.shape_cast %swap3A_43 : vector<16xf32> to vector<16xf32>
      %swap3A_45 = vector.shape_cast %broadcast_in_dim3A_0 : vector<16xf32> to vector<16xf32>
      tpu.vector_store %arg20[%swap3A], %swap3A_45 {strides = array<i32>} : memref<640xf32, #tpu.memory_space<vmem>>, vector<16xf32>,
    }
    %scan3A_21 = arith.constant 40 : i32
    %mul3A = arith.constant 640 : i32
    %mul3A_22 = arith.muli %arg1, %mul3A : i32
    "tpu.region"() ({
      %run_scoped3A = tpu.sem_alloc : memref<!tpu.dma_semaphore, #tpu.memory_space<semaphore_mem>>
      %dma_start3A = tpu.memref_slice %arg21[%mul3A_22] : memref<10240xf32, #tpu.memory_space<vmem_shared>> -> memref<640xf32, #tpu.memory_space<vmem_shared>>
      %dma_start3A_39 = tpu.memref_slice %arg21[%mul3A_22] : memref<10240xf32, #tpu.memory_space<vmem_shared>> -> memref<640xf32, #tpu.memory_space<vmem_shared>>
      tpu.enqueue_dma source(%arg20 : memref<640xf32, #tpu.memory_space<vmem>>) target(%dma_start3A_39 : memref<640xf32, #tpu.memory_space<vmem_shared>>) target_semaphore(%run_scoped3A : memref<!tpu.dma_semaphore, #tpu.memory_space<semaphore_mem>>)
      %dma_wait3A = tpu.memref_slice %arg21[%mul3A_22] : memref<10240xf32, #tpu.memory_space<vmem_shared>> -> memref<640xf32, #tpu.memory_space<vmem_shared>>
      %dma_wait3A_40 = tpu.memref_slice %arg21[%mul3A_22] : memref<10240xf32, #tpu.memory_space<vmem_shared>> -> memref<640xf32, #tpu.memory_space<vmem_shared>>
      tpu.wait_dma2 semaphore(%run_scoped3A : memref<!tpu.dma_semaphore, #tpu.memory_space<semaphore_mem>>) src(%arg20 : memref<640xf32, #tpu.memory_space<vmem>>) dst(%dma_wait3A_40 : memref<640xf32, #tpu.memory_space<vmem_shared>>)
      tpu.yield
    }) : () -> ()
    %barrier3A = arith.constant 0 : index
    tpu.barrier barrier_id(%barrier3A)
    %eq3A = arith.constant 0 : i32
    %eq3A_23 = arith.cmpi eq, %arg0, %eq3A : i32
    %convert_element_type3A = arith.extui %eq3A_23 : i1 to i32
    %cond3A = arith.constant 0 : i32
    %cond3A_24 = arith.cmpi ne, %convert_element_type3A, %cond3A : i32
    scf.if %cond3A_24 {
      "tpu.region"() ({
        %run_scoped3A = tpu.sem_alloc : memref<!tpu.dma_semaphore, #tpu.memory_space<semaphore_mem>>
        %dma_start3A = arith.constant 0 : i32
        %dma_start3A_44 = arith.constant 0 : i32
        %dma_start3A_45 = tpu.memref_slice %arg3[%arg1, %dma_start3A, %dma_start3A_44] : memref<16x46x128xi32, #tpu.memory_space<hbm>> -> memref<1x46x128xi32, #tpu.memory_space<hbm>>
        %dma_start3A_46 = tpu.memref_squeeze %dma_start3A_45 : memref<1x46x128xi32, #tpu.memory_space<hbm>> -> memref<46x128xi32, #tpu.memory_space<hbm>>
        %dma_start3A_47 = arith.constant 0 : i32
        %dma_start3A_48 = arith.constant 0 : i32
        %dma_start3A_49 = tpu.memref_slice %arg3[%arg1, %dma_start3A_47, %dma_start3A_48] : memref<16x46x128xi32, #tpu.memory_space<hbm>> -> memref<1x46x128xi32, #tpu.memory_space<hbm>>
        %dma_start3A_50 = tpu.memref_squeeze %dma_start3A_49 : memref<1x46x128xi32, #tpu.memory_space<hbm>> -> memref<46x128xi32, #tpu.memory_space<hbm>>
        tpu.enqueue_dma source(%dma_start3A_50 : memref<46x128xi32, #tpu.memory_space<hbm>>) target(%arg9 : memref<46x128xi32, #tpu.memory_space<vmem>>) target_semaphore(%run_scoped3A : memref<!tpu.dma_semaphore, #tpu.memory_space<semaphore_mem>>)
        %dma_wait3A = arith.constant 0 : i32
        %dma_wait3A_51 = arith.constant 0 : i32
        %dma_wait3A_52 = tpu.memref_slice %arg3[%arg1, %dma_wait3A, %dma_wait3A_51] : memref<16x46x128xi32, #tpu.memory_space<hbm>> -> memref<1x46x128xi32, #tpu.memory_space<hbm>>
        %dma_wait3A_53 = tpu.memref_squeeze %dma_wait3A_52 : memref<1x46x128xi32, #tpu.memory_space<hbm>> -> memref<46x128xi32, #tpu.memory_space<hbm>>
        %dma_wait3A_54 = arith.constant 0 : i32
        %dma_wait3A_55 = arith.constant 0 : i32
        %dma_wait3A_56 = tpu.memref_slice %arg3[%arg1, %dma_wait3A_54, %dma_wait3A_55] : memref<16x46x128xi32, #tpu.memory_space<hbm>> -> memref<1x46x128xi32, #tpu.memory_space<hbm>>
        %dma_wait3A_57 = tpu.memref_squeeze %dma_wait3A_56 : memref<1x46x128xi32, #tpu.memory_space<hbm>> -> memref<46x128xi32, #tpu.memory_space<hbm>>
        tpu.wait_dma2 semaphore(%run_scoped3A : memref<!tpu.dma_semaphore, #tpu.memory_space<semaphore_mem>>) src(%dma_wait3A_57 : memref<46x128xi32, #tpu.memory_space<hbm>>) dst(%arg9 : memref<46x128xi32, #tpu.memory_space<vmem>>)
        tpu.yield
      }) : () -> ()
      "tpu.region"() ({
        %run_scoped3A = tpu.sem_alloc : memref<!tpu.dma_semaphore, #tpu.memory_space<semaphore_mem>>
        %dma_start3A = arith.constant 0 : i32
        %dma_start3A_44 = arith.constant 0 : i32
        %dma_start3A_45 = tpu.memref_slice %arg4[%arg1, %dma_start3A, %dma_start3A_44] : memref<16x46x128xi32, #tpu.memory_space<hbm>> -> memref<1x46x128xi32, #tpu.memory_space<hbm>>
        %dma_start3A_46 = tpu.memref_squeeze %dma_start3A_45 : memref<1x46x128xi32, #tpu.memory_space<hbm>> -> memref<46x128xi32, #tpu.memory_space<hbm>>
        %dma_start3A_47 = arith.constant 0 : i32
        %dma_start3A_48 = arith.constant 0 : i32
        %dma_start3A_49 = tpu.memref_slice %arg4[%arg1, %dma_start3A_47, %dma_start3A_48] : memref<16x46x128xi32, #tpu.memory_space<hbm>> -> memref<1x46x128xi32, #tpu.memory_space<hbm>>
        %dma_start3A_50 = tpu.memref_squeeze %dma_start3A_49 : memref<1x46x128xi32, #tpu.memory_space<hbm>> -> memref<46x128xi32, #tpu.memory_space<hbm>>
        tpu.enqueue_dma source(%dma_start3A_50 : memref<46x128xi32, #tpu.memory_space<hbm>>) target(%arg10 : memref<46x128xi32, #tpu.memory_space<vmem>>) target_semaphore(%run_scoped3A : memref<!tpu.dma_semaphore, #tpu.memory_space<semaphore_mem>>)
        %dma_wait3A = arith.constant 0 : i32
        %dma_wait3A_51 = arith.constant 0 : i32
        %dma_wait3A_52 = tpu.memref_slice %arg4[%arg1, %dma_wait3A, %dma_wait3A_51] : memref<16x46x128xi32, #tpu.memory_space<hbm>> -> memref<1x46x128xi32, #tpu.memory_space<hbm>>
        %dma_wait3A_53 = tpu.memref_squeeze %dma_wait3A_52 : memref<1x46x128xi32, #tpu.memory_space<hbm>> -> memref<46x128xi32, #tpu.memory_space<hbm>>
        %dma_wait3A_54 = arith.constant 0 : i32
        %dma_wait3A_55 = arith.constant 0 : i32
        %dma_wait3A_56 = tpu.memref_slice %arg4[%arg1, %dma_wait3A_54, %dma_wait3A_55] : memref<16x46x128xi32, #tpu.memory_space<hbm>> -> memref<1x46x128xi32, #tpu.memory_space<hbm>>
        %dma_wait3A_57 = tpu.memref_squeeze %dma_wait3A_56 : memref<1x46x128xi32, #tpu.memory_space<hbm>> -> memref<46x128xi32, #tpu.memory_space<hbm>>
        tpu.wait_dma2 semaphore(%run_scoped3A : memref<!tpu.dma_semaphore, #tpu.memory_space<semaphore_mem>>) src(%dma_wait3A_57 : memref<46x128xi32, #tpu.memory_space<hbm>>) dst(%arg10 : memref<46x128xi32, #tpu.memory_space<vmem>>)
        tpu.yield
      }) : () -> ()
      %scan3A_39 = arith.constant 0 : i32
      %scan3A_40 = arith.constant 46 : i32
      %scan3A_41 = arith.addi %scan3A_39, %scan3A_40 : i32
      %scan3A_42 = arith.constant 1 : i32
      scf.for %scan3A_44 = %scan3A_39 to %scan3A_41 step %scan3A_42  : i32 {
        %mul3A_45 = arith.constant 1 : i32
        %mul3A_46 = arith.muli %scan3A_44, %mul3A_45 : i32
        %add3A = arith.constant 0 : i32
        %add3A_47 = arith.addi %add3A, %mul3A_46 : i32
        "tpu.region"() ({
          %run_scoped3A = tpu.sem_alloc : memref<!tpu.dma_semaphore, #tpu.memory_space<semaphore_mem>>
          %dma_start3A = arith.constant 0 : i32
          %dma_start3A_48 = tpu.memref_slice %arg9[%add3A_47, %dma_start3A] : memref<46x128xi32, #tpu.memory_space<vmem>> -> memref<1x128xi32, #tpu.memory_space<vmem>>
          %dma_start3A_49 = tpu.memref_squeeze %dma_start3A_48 : memref<1x128xi32, #tpu.memory_space<vmem>> -> memref<128xi32, #tpu.memory_space<vmem>>
          %dma_start3A_50 = arith.constant 0 : i32
          %dma_start3A_51 = arith.constant 0 : i32
          %dma_start3A_52 = tpu.memref_slice %arg2[%dma_start3A_50, %dma_start3A_51] : memref<10000x128xf32, #tpu.memory_space<hbm>> -> memref<10000x128xf32, #tpu.memory_space<hbm>>
          tpu.enqueue_indirect_dma source(%dma_start3A_52 : memref<10000x128xf32, #tpu.memory_space<hbm>>) target(%arg13 : memref<128x128xf32, #tpu.memory_space<vmem>>) offsets(%dma_start3A_49 : memref<128xi32, #tpu.memory_space<vmem>>) semaphore(%run_scoped3A : memref<!tpu.dma_semaphore, #tpu.memory_space<semaphore_mem>>)
          %dma_wait3A = arith.constant 0 : i32
          %dma_wait3A_53 = tpu.memref_slice %arg9[%add3A_47, %dma_wait3A] : memref<46x128xi32, #tpu.memory_space<vmem>> -> memref<1x128xi32, #tpu.memory_space<vmem>>
          %dma_wait3A_54 = tpu.memref_squeeze %dma_wait3A_53 : memref<1x128xi32, #tpu.memory_space<vmem>> -> memref<128xi32, #tpu.memory_space<vmem>>
          %dma_wait3A_55 = arith.constant 0 : i32
          %dma_wait3A_56 = arith.constant 0 : i32
          %dma_wait3A_57 = tpu.memref_slice %arg2[%dma_wait3A_55, %dma_wait3A_56] : memref<10000x128xf32, #tpu.memory_space<hbm>> -> memref<10000x128xf32, #tpu.memory_space<hbm>>
          tpu.wait_indirect_dma semaphore(%run_scoped3A : memref<!tpu.dma_semaphore, #tpu.memory_space<semaphore_mem>>) src(%dma_wait3A_57 : memref<10000x128xf32, #tpu.memory_space<hbm>>) dst(%arg13 : memref<128x128xf32, #tpu.memory_space<vmem>>)
          tpu.yield
        }) : () -> ()
        "tpu.region"() ({
          %run_scoped3A = tpu.sem_alloc : memref<!tpu.dma_semaphore, #tpu.memory_space<semaphore_mem>>
          %dma_start3A = arith.constant 0 : i32
          %dma_start3A_48 = tpu.memref_slice %arg10[%add3A_47, %dma_start3A] : memref<46x128xi32, #tpu.memory_space<vmem>> -> memref<1x128xi32, #tpu.memory_space<vmem>>
          %dma_start3A_49 = tpu.memref_squeeze %dma_start3A_48 : memref<1x128xi32, #tpu.memory_space<vmem>> -> memref<128xi32, #tpu.memory_space<vmem>>
          %dma_start3A_50 = arith.constant 0 : i32
          %dma_start3A_51 = arith.constant 0 : i32
          %dma_start3A_52 = tpu.memref_slice %arg8[%dma_start3A_50, %dma_start3A_51] : memref<10240x128xf32, #tpu.memory_space<vmem_shared>> -> memref<10240x128xf32, #tpu.memory_space<vmem_shared>>
          tpu.enqueue_indirect_dma source(%arg13 : memref<128x128xf32, #tpu.memory_space<vmem>>) target(%dma_start3A_52 : memref<10240x128xf32, #tpu.memory_space<vmem_shared>>) offsets(%dma_start3A_49 : memref<128xi32, #tpu.memory_space<vmem>>) semaphore(%run_scoped3A : memref<!tpu.dma_semaphore, #tpu.memory_space<semaphore_mem>>) {add = true}
          %dma_wait3A = arith.constant 0 : i32
          %dma_wait3A_53 = tpu.memref_slice %arg10[%add3A_47, %dma_wait3A] : memref<46x128xi32, #tpu.memory_space<vmem>> -> memref<1x128xi32, #tpu.memory_space<vmem>>
          %dma_wait3A_54 = tpu.memref_squeeze %dma_wait3A_53 : memref<1x128xi32, #tpu.memory_space<vmem>> -> memref<128xi32, #tpu.memory_space<vmem>>
          %dma_wait3A_55 = arith.constant 0 : i32
          %dma_wait3A_56 = arith.constant 0 : i32
          %dma_wait3A_57 = tpu.memref_slice %arg8[%dma_wait3A_55, %dma_wait3A_56] : memref<10240x128xf32, #tpu.memory_space<vmem_shared>> -> memref<10240x128xf32, #tpu.memory_space<vmem_shared>>
          tpu.wait_indirect_dma semaphore(%run_scoped3A : memref<!tpu.dma_semaphore, #tpu.memory_space<semaphore_mem>>) src(%arg13 : memref<128x128xf32, #tpu.memory_space<vmem>>) dst(%dma_wait3A_57 : memref<10240x128xf32, #tpu.memory_space<vmem_shared>>)
          tpu.yield
        }) : () -> ()
        "tpu.region"() ({
          %run_scoped3A = tpu.sem_alloc : memref<!tpu.dma_semaphore, #tpu.memory_space<semaphore_mem>>
          %dma_start3A = arith.constant 0 : i32
          %dma_start3A_48 = tpu.memref_slice %arg10[%add3A_47, %dma_start3A] : memref<46x128xi32, #tpu.memory_space<vmem>> -> memref<1x128xi32, #tpu.memory_space<vmem>>
          %dma_start3A_49 = tpu.memref_squeeze %dma_start3A_48 : memref<1x128xi32, #tpu.memory_space<vmem>> -> memref<128xi32, #tpu.memory_space<vmem>>
          %dma_start3A_50 = arith.constant 0 : i32
          %dma_start3A_51 = tpu.memref_slice %arg21[%dma_start3A_50] : memref<10240xf32, #tpu.memory_space<vmem_shared>> -> memref<10240xf32, #tpu.memory_space<vmem_shared>>
          tpu.enqueue_indirect_dma source(%arg19 : memref<128xf32, #tpu.memory_space<vmem>>) target(%dma_start3A_51 : memref<10240xf32, #tpu.memory_space<vmem_shared>>) offsets(%dma_start3A_49 : memref<128xi32, #tpu.memory_space<vmem>>) semaphore(%run_scoped3A : memref<!tpu.dma_semaphore, #tpu.memory_space<semaphore_mem>>) {add = true}
          %dma_wait3A = arith.constant 0 : i32
          %dma_wait3A_52 = tpu.memref_slice %arg10[%add3A_47, %dma_wait3A] : memref<46x128xi32, #tpu.memory_space<vmem>> -> memref<1x128xi32, #tpu.memory_space<vmem>>
          %dma_wait3A_53 = tpu.memref_squeeze %dma_wait3A_52 : memref<1x128xi32, #tpu.memory_space<vmem>> -> memref<128xi32, #tpu.memory_space<vmem>>
          %dma_wait3A_54 = arith.constant 0 : i32
          %dma_wait3A_55 = tpu.memref_slice %arg21[%dma_wait3A_54] : memref<10240xf32, #tpu.memory_space<vmem_shared>> -> memref<10240xf32, #tpu.memory_space<vmem_shared>>
          tpu.wait_indirect_dma semaphore(%run_scoped3A : memref<!tpu.dma_semaphore, #tpu.memory_space<semaphore_mem>>) src(%arg19 : memref<128xf32, #tpu.memory_space<vmem>>) dst(%dma_wait3A_55 : memref<10240xf32, #tpu.memory_space<vmem_shared>>)
          tpu.yield
        }) : () -> ()
      }
      %scan3A_43 = arith.constant 46 : i32
    } else {
    }
    %eq3A_25 = arith.constant 1 : i32
    %eq3A_26 = arith.cmpi eq, %arg0, %eq3A_25 : i32
    %convert_element_type3A_27 = arith.extui %eq3A_26 : i1 to i32
    %cond3A_28 = arith.constant 0 : i32
    %cond3A_29 = arith.cmpi ne, %convert_element_type3A_27, %cond3A_28 : i32
    scf.if %cond3A_29 {
      %run_scoped3A = arith.constant 0 : i32
      "tpu.region"() ({
        %run_scoped3A_66 = tpu.sem_alloc : memref<!tpu.dma_semaphore, #tpu.memory_space<semaphore_mem>>
        %dma_start3A_67 = arith.constant 0 : i32
        %dma_start3A_68 = arith.constant 0 : i32
        %dma_start3A_69 = tpu.memref_slice %arg5[%arg1, %run_scoped3A, %dma_start3A_67, %dma_start3A_68] : memref<16x28x8x128xi32, #tpu.memory_space<hbm>> -> memref<1x1x8x128xi32, #tpu.memory_space<hbm>>
        %dma_start3A_70 = tpu.memref_squeeze %dma_start3A_69 : memref<1x1x8x128xi32, #tpu.memory_space<hbm>> -> memref<8x128xi32, #tpu.memory_space<hbm>>
        %dma_start3A_71 = arith.constant 0 : i32
        %dma_start3A_72 = arith.constant 0 : i32
        %dma_start3A_73 = tpu.memref_slice %arg5[%arg1, %run_scoped3A, %dma_start3A_71, %dma_start3A_72] : memref<16x28x8x128xi32, #tpu.memory_space<hbm>> -> memref<1x1x8x128xi32, #tpu.memory_space<hbm>>
        %dma_start3A_74 = tpu.memref_squeeze %dma_start3A_73 : memref<1x1x8x128xi32, #tpu.memory_space<hbm>> -> memref<8x128xi32, #tpu.memory_space<hbm>>
        tpu.enqueue_dma source(%dma_start3A_74 : memref<8x128xi32, #tpu.memory_space<hbm>>) target(%arg11 : memref<8x128xi32, #tpu.memory_space<vmem>>) target_semaphore(%run_scoped3A_66 : memref<!tpu.dma_semaphore, #tpu.memory_space<semaphore_mem>>)
        %dma_wait3A = arith.constant 0 : i32
        %dma_wait3A_75 = arith.constant 0 : i32
        %dma_wait3A_76 = tpu.memref_slice %arg5[%arg1, %run_scoped3A, %dma_wait3A, %dma_wait3A_75] : memref<16x28x8x128xi32, #tpu.memory_space<hbm>> -> memref<1x1x8x128xi32, #tpu.memory_space<hbm>>
        %dma_wait3A_77 = tpu.memref_squeeze %dma_wait3A_76 : memref<1x1x8x128xi32, #tpu.memory_space<hbm>> -> memref<8x128xi32, #tpu.memory_space<hbm>>
        %dma_wait3A_78 = arith.constant 0 : i32
        %dma_wait3A_79 = arith.constant 0 : i32
        %dma_wait3A_80 = tpu.memref_slice %arg5[%arg1, %run_scoped3A, %dma_wait3A_78, %dma_wait3A_79] : memref<16x28x8x128xi32, #tpu.memory_space<hbm>> -> memref<1x1x8x128xi32, #tpu.memory_space<hbm>>
        %dma_wait3A_81 = tpu.memref_squeeze %dma_wait3A_80 : memref<1x1x8x128xi32, #tpu.memory_space<hbm>> -> memref<8x128xi32, #tpu.memory_space<hbm>>
        tpu.wait_dma2 semaphore(%run_scoped3A_66 : memref<!tpu.dma_semaphore, #tpu.memory_space<semaphore_mem>>) src(%dma_wait3A_81 : memref<8x128xi32, #tpu.memory_space<hbm>>) dst(%arg11 : memref<8x128xi32, #tpu.memory_space<vmem>>)
        tpu.yield
      }) : () -> ()
      %dma_start3A = arith.constant 1 : i32
      %dma_start3A_39 = arith.constant 0 : i32
      %dma_start3A_40 = arith.constant 0 : i32
      %dma_start3A_41 = tpu.memref_slice %arg5[%arg1, %dma_start3A, %dma_start3A_39, %dma_start3A_40] : memref<16x28x8x128xi32, #tpu.memory_space<hbm>> -> memref<1x1x8x128xi32, #tpu.memory_space<hbm>>
      %dma_start3A_42 = tpu.memref_squeeze %dma_start3A_41 : memref<1x1x8x128xi32, #tpu.memory_space<hbm>> -> memref<8x128xi32, #tpu.memory_space<hbm>>
      %dma_start3A_43 = arith.constant 0 : i32
      %dma_start3A_44 = arith.constant 0 : i32
      %dma_start3A_45 = tpu.memref_slice %arg5[%arg1, %dma_start3A, %dma_start3A_43, %dma_start3A_44] : memref<16x28x8x128xi32, #tpu.memory_space<hbm>> -> memref<1x1x8x128xi32, #tpu.memory_space<hbm>>
      %dma_start3A_46 = tpu.memref_squeeze %dma_start3A_45 : memref<1x1x8x128xi32, #tpu.memory_space<hbm>> -> memref<8x128xi32, #tpu.memory_space<hbm>>
      tpu.enqueue_dma source(%dma_start3A_46 : memref<8x128xi32, #tpu.memory_space<hbm>>) target(%arg12 : memref<8x128xi32, #tpu.memory_space<vmem>>) target_semaphore(%arg18 : memref<!tpu.dma_semaphore, #tpu.memory_space<semaphore_mem>>)
      %dma_start3A_47 = arith.constant 0 : i32
      %dma_start3A_48 = arith.constant 0 : i32
      %dma_start3A_49 = tpu.memref_slice %arg11[%dma_start3A_47, %dma_start3A_48] : memref<8x128xi32, #tpu.memory_space<vmem>> -> memref<1x128xi32, #tpu.memory_space<vmem>>
      %dma_start3A_50 = tpu.memref_squeeze %dma_start3A_49 : memref<1x128xi32, #tpu.memory_space<vmem>> -> memref<128xi32, #tpu.memory_space<vmem>>
      %dma_start3A_51 = arith.constant 0 : i32
      %dma_start3A_52 = arith.constant 0 : i32
      %dma_start3A_53 = tpu.memref_slice %arg2[%dma_start3A_51, %dma_start3A_52] : memref<10000x128xf32, #tpu.memory_space<hbm>> -> memref<10000x128xf32, #tpu.memory_space<hbm>>
      tpu.enqueue_indirect_dma source(%dma_start3A_53 : memref<10000x128xf32, #tpu.memory_space<hbm>>) target(%arg13 : memref<128x128xf32, #tpu.memory_space<vmem>>) offsets(%dma_start3A_50 : memref<128xi32, #tpu.memory_space<vmem>>) semaphore(%arg15 : memref<!tpu.dma_semaphore, #tpu.memory_space<semaphore_mem>>)
      %dma_start3A_54 = arith.constant 1 : i32
      %dma_start3A_55 = arith.constant 0 : i32
      %dma_start3A_56 = tpu.memref_slice %arg11[%dma_start3A_54, %dma_start3A_55] : memref<8x128xi32, #tpu.memory_space<vmem>> -> memref<1x128xi32, #tpu.memory_space<vmem>>
      %dma_start3A_57 = tpu.memref_squeeze %dma_start3A_56 : memref<1x128xi32, #tpu.memory_space<vmem>> -> memref<128xi32, #tpu.memory_space<vmem>>
      %dma_start3A_58 = arith.constant 0 : i32
      %dma_start3A_59 = arith.constant 0 : i32
      %dma_start3A_60 = tpu.memref_slice %arg2[%dma_start3A_58, %dma_start3A_59] : memref<10000x128xf32, #tpu.memory_space<hbm>> -> memref<10000x128xf32, #tpu.memory_space<hbm>>
      tpu.enqueue_indirect_dma source(%dma_start3A_60 : memref<10000x128xf32, #tpu.memory_space<hbm>>) target(%arg14 : memref<128x128xf32, #tpu.memory_space<vmem>>) offsets(%dma_start3A_57 : memref<128xi32, #tpu.memory_space<vmem>>) semaphore(%arg16 : memref<!tpu.dma_semaphore, #tpu.memory_space<semaphore_mem>>)
      %scan3A_61 = arith.constant 0 : i32
      %scan3A_62 = arith.constant 14 : i32
      %scan3A_63 = arith.addi %scan3A_61, %scan3A_62 : i32
      %scan3A_64 = arith.constant 1 : i32
      scf.for %scan3A_66 = %scan3A_61 to %scan3A_63 step %scan3A_64  : i32 {
        %mul3A_67 = arith.constant 2 : i32
        %mul3A_68 = arith.muli %scan3A_66, %mul3A_67 : i32
        %add3A = arith.constant 0 : i32
        %add3A_69 = arith.addi %add3A, %mul3A_68 : i32
        %dma_wait3A = arith.constant 0 : i32
        %dma_wait3A_70 = arith.constant 0 : i32
        %dma_wait3A_71 = tpu.memref_slice %arg11[%dma_wait3A, %dma_wait3A_70] : memref<8x128xi32, #tpu.memory_space<vmem>> -> memref<1x128xi32, #tpu.memory_space<vmem>>
        %dma_wait3A_72 = tpu.memref_squeeze %dma_wait3A_71 : memref<1x128xi32, #tpu.memory_space<vmem>> -> memref<128xi32, #tpu.memory_space<vmem>>
        %dma_wait3A_73 = arith.constant 0 : i32
        %dma_wait3A_74 = arith.constant 0 : i32
        %dma_wait3A_75 = tpu.memref_slice %arg2[%dma_wait3A_73, %dma_wait3A_74] : memref<10000x128xf32, #tpu.memory_space<hbm>> -> memref<10000x128xf32, #tpu.memory_space<hbm>>
        tpu.wait_indirect_dma semaphore(%arg15 : memref<!tpu.dma_semaphore, #tpu.memory_space<semaphore_mem>>) src(%dma_wait3A_75 : memref<10000x128xf32, #tpu.memory_space<hbm>>) dst(%arg13 : memref<128x128xf32, #tpu.memory_space<vmem>>)
        %run_scoped3A_76 = arith.constant 4 : i32
        "tpu.region"() ({
          %run_scoped3A_212 = tpu.sem_alloc : memref<!tpu.dma_semaphore, #tpu.memory_space<semaphore_mem>>
          %dma_start3A_213 = arith.constant 0 : i32
          %dma_start3A_214 = tpu.memref_slice %arg11[%run_scoped3A_76, %dma_start3A_213] : memref<8x128xi32, #tpu.memory_space<vmem>> -> memref<1x128xi32, #tpu.memory_space<vmem>>
          %dma_start3A_215 = tpu.memref_squeeze %dma_start3A_214 : memref<1x128xi32, #tpu.memory_space<vmem>> -> memref<128xi32, #tpu.memory_space<vmem>>
          %dma_start3A_216 = arith.constant 0 : i32
          %dma_start3A_217 = arith.constant 0 : i32
          %dma_start3A_218 = tpu.memref_slice %arg8[%dma_start3A_216, %dma_start3A_217] : memref<10240x128xf32, #tpu.memory_space<vmem_shared>> -> memref<10240x128xf32, #tpu.memory_space<vmem_shared>>
          tpu.enqueue_indirect_dma source(%arg13 : memref<128x128xf32, #tpu.memory_space<vmem>>) target(%dma_start3A_218 : memref<10240x128xf32, #tpu.memory_space<vmem_shared>>) offsets(%dma_start3A_215 : memref<128xi32, #tpu.memory_space<vmem>>) semaphore(%run_scoped3A_212 : memref<!tpu.dma_semaphore, #tpu.memory_space<semaphore_mem>>) {add = true}
          %dma_wait3A_219 = arith.constant 0 : i32
          %dma_wait3A_220 = tpu.memref_slice %arg11[%run_scoped3A_76, %dma_wait3A_219] : memref<8x128xi32, #tpu.memory_space<vmem>> -> memref<1x128xi32, #tpu.memory_space<vmem>>
          %dma_wait3A_221 = tpu.memref_squeeze %dma_wait3A_220 : memref<1x128xi32, #tpu.memory_space<vmem>> -> memref<128xi32, #tpu.memory_space<vmem>>
          %dma_wait3A_222 = arith.constant 0 : i32
          %dma_wait3A_223 = arith.constant 0 : i32
          %dma_wait3A_224 = tpu.memref_slice %arg8[%dma_wait3A_222, %dma_wait3A_223] : memref<10240x128xf32, #tpu.memory_space<vmem_shared>> -> memref<10240x128xf32, #tpu.memory_space<vmem_shared>>
          tpu.wait_indirect_dma semaphore(%run_scoped3A_212 : memref<!tpu.dma_semaphore, #tpu.memory_space<semaphore_mem>>) src(%arg13 : memref<128x128xf32, #tpu.memory_space<vmem>>) dst(%dma_wait3A_224 : memref<10240x128xf32, #tpu.memory_space<vmem_shared>>)
          tpu.yield
        }) : () -> ()
        %run_scoped3A_77 = arith.constant 4 : i32
        "tpu.region"() ({
          %run_scoped3A_212 = tpu.sem_alloc : memref<!tpu.dma_semaphore, #tpu.memory_space<semaphore_mem>>
          %dma_start3A_213 = arith.constant 0 : i32
          %dma_start3A_214 = tpu.memref_slice %arg11[%run_scoped3A_77, %dma_start3A_213] : memref<8x128xi32, #tpu.memory_space<vmem>> -> memref<1x128xi32, #tpu.memory_space<vmem>>
          %dma_start3A_215 = tpu.memref_squeeze %dma_start3A_214 : memref<1x128xi32, #tpu.memory_space<vmem>> -> memref<128xi32, #tpu.memory_space<vmem>>
          %dma_start3A_216 = arith.constant 0 : i32
          %dma_start3A_217 = tpu.memref_slice %arg21[%dma_start3A_216] : memref<10240xf32, #tpu.memory_space<vmem_shared>> -> memref<10240xf32, #tpu.memory_space<vmem_shared>>
          tpu.enqueue_indirect_dma source(%arg19 : memref<128xf32, #tpu.memory_space<vmem>>) target(%dma_start3A_217 : memref<10240xf32, #tpu.memory_space<vmem_shared>>) offsets(%dma_start3A_215 : memref<128xi32, #tpu.memory_space<vmem>>) semaphore(%run_scoped3A_212 : memref<!tpu.dma_semaphore, #tpu.memory_space<semaphore_mem>>) {add = true}
          %dma_wait3A_218 = arith.constant 0 : i32
          %dma_wait3A_219 = tpu.memref_slice %arg11[%run_scoped3A_77, %dma_wait3A_218] : memref<8x128xi32, #tpu.memory_space<vmem>> -> memref<1x128xi32, #tpu.memory_space<vmem>>
          %dma_wait3A_220 = tpu.memref_squeeze %dma_wait3A_219 : memref<1x128xi32, #tpu.memory_space<vmem>> -> memref<128xi32, #tpu.memory_space<vmem>>
          %dma_wait3A_221 = arith.constant 0 : i32
          %dma_wait3A_222 = tpu.memref_slice %arg21[%dma_wait3A_221] : memref<10240xf32, #tpu.memory_space<vmem_shared>> -> memref<10240xf32, #tpu.memory_space<vmem_shared>>
          tpu.wait_indirect_dma semaphore(%run_scoped3A_212 : memref<!tpu.dma_semaphore, #tpu.memory_space<semaphore_mem>>) src(%arg19 : memref<128xf32, #tpu.memory_space<vmem>>) dst(%dma_wait3A_222 : memref<10240xf32, #tpu.memory_space<vmem_shared>>)
          tpu.yield
        }) : () -> ()
        %dma_start3A_78 = arith.constant 2 : i32
        %dma_start3A_79 = arith.constant 0 : i32
        %dma_start3A_80 = tpu.memref_slice %arg11[%dma_start3A_78, %dma_start3A_79] : memref<8x128xi32, #tpu.memory_space<vmem>> -> memref<1x128xi32, #tpu.memory_space<vmem>>
        %dma_start3A_81 = tpu.memref_squeeze %dma_start3A_80 : memref<1x128xi32, #tpu.memory_space<vmem>> -> memref<128xi32, #tpu.memory_space<vmem>>
        %dma_start3A_82 = arith.constant 0 : i32
        %dma_start3A_83 = arith.constant 0 : i32
        %dma_start3A_84 = tpu.memref_slice %arg2[%dma_start3A_82, %dma_start3A_83] : memref<10000x128xf32, #tpu.memory_space<hbm>> -> memref<10000x128xf32, #tpu.memory_space<hbm>>
        tpu.enqueue_indirect_dma source(%dma_start3A_84 : memref<10000x128xf32, #tpu.memory_space<hbm>>) target(%arg13 : memref<128x128xf32, #tpu.memory_space<vmem>>) offsets(%dma_start3A_81 : memref<128xi32, #tpu.memory_space<vmem>>) semaphore(%arg15 : memref<!tpu.dma_semaphore, #tpu.memory_space<semaphore_mem>>)
        %dma_wait3A_85 = arith.constant 1 : i32
        %dma_wait3A_86 = arith.constant 0 : i32
        %dma_wait3A_87 = tpu.memref_slice %arg11[%dma_wait3A_85, %dma_wait3A_86] : memref<8x128xi32, #tpu.memory_space<vmem>> -> memref<1x128xi32, #tpu.memory_space<vmem>>
        %dma_wait3A_88 = tpu.memref_squeeze %dma_wait3A_87 : memref<1x128xi32, #tpu.memory_space<vmem>> -> memref<128xi32, #tpu.memory_space<vmem>>
        %dma_wait3A_89 = arith.constant 0 : i32
        %dma_wait3A_90 = arith.constant 0 : i32
        %dma_wait3A_91 = tpu.memref_slice %arg2[%dma_wait3A_89, %dma_wait3A_90] : memref<10000x128xf32, #tpu.memory_space<hbm>> -> memref<10000x128xf32, #tpu.memory_space<hbm>>
        tpu.wait_indirect_dma semaphore(%arg16 : memref<!tpu.dma_semaphore, #tpu.memory_space<semaphore_mem>>) src(%dma_wait3A_91 : memref<10000x128xf32, #tpu.memory_space<hbm>>) dst(%arg14 : memref<128x128xf32, #tpu.memory_space<vmem>>)
        %run_scoped3A_92 = arith.constant 5 : i32
        "tpu.region"() ({
          %run_scoped3A_212 = tpu.sem_alloc : memref<!tpu.dma_semaphore, #tpu.memory_space<semaphore_mem>>
          %dma_start3A_213 = arith.constant 0 : i32
          %dma_start3A_214 = tpu.memref_slice %arg11[%run_scoped3A_92, %dma_start3A_213] : memref<8x128xi32, #tpu.memory_space<vmem>> -> memref<1x128xi32, #tpu.memory_space<vmem>>
          %dma_start3A_215 = tpu.memref_squeeze %dma_start3A_214 : memref<1x128xi32, #tpu.memory_space<vmem>> -> memref<128xi32, #tpu.memory_space<vmem>>
          %dma_start3A_216 = arith.constant 0 : i32
          %dma_start3A_217 = arith.constant 0 : i32
          %dma_start3A_218 = tpu.memref_slice %arg8[%dma_start3A_216, %dma_start3A_217] : memref<10240x128xf32, #tpu.memory_space<vmem_shared>> -> memref<10240x128xf32, #tpu.memory_space<vmem_shared>>
          tpu.enqueue_indirect_dma source(%arg14 : memref<128x128xf32, #tpu.memory_space<vmem>>) target(%dma_start3A_218 : memref<10240x128xf32, #tpu.memory_space<vmem_shared>>) offsets(%dma_start3A_215 : memref<128xi32, #tpu.memory_space<vmem>>) semaphore(%run_scoped3A_212 : memref<!tpu.dma_semaphore, #tpu.memory_space<semaphore_mem>>) {add = true}
          %dma_wait3A_219 = arith.constant 0 : i32
          %dma_wait3A_220 = tpu.memref_slice %arg11[%run_scoped3A_92, %dma_wait3A_219] : memref<8x128xi32, #tpu.memory_space<vmem>> -> memref<1x128xi32, #tpu.memory_space<vmem>>
          %dma_wait3A_221 = tpu.memref_squeeze %dma_wait3A_220 : memref<1x128xi32, #tpu.memory_space<vmem>> -> memref<128xi32, #tpu.memory_space<vmem>>
          %dma_wait3A_222 = arith.constant 0 : i32
          %dma_wait3A_223 = arith.constant 0 : i32
          %dma_wait3A_224 = tpu.memref_slice %arg8[%dma_wait3A_222, %dma_wait3A_223] : memref<10240x128xf32, #tpu.memory_space<vmem_shared>> -> memref<10240x128xf32, #tpu.memory_space<vmem_shared>>
          tpu.wait_indirect_dma semaphore(%run_scoped3A_212 : memref<!tpu.dma_semaphore, #tpu.memory_space<semaphore_mem>>) src(%arg14 : memref<128x128xf32, #tpu.memory_space<vmem>>) dst(%dma_wait3A_224 : memref<10240x128xf32, #tpu.memory_space<vmem_shared>>)
          tpu.yield
        }) : () -> ()
        %run_scoped3A_93 = arith.constant 5 : i32
        "tpu.region"() ({
          %run_scoped3A_212 = tpu.sem_alloc : memref<!tpu.dma_semaphore, #tpu.memory_space<semaphore_mem>>
          %dma_start3A_213 = arith.constant 0 : i32
          %dma_start3A_214 = tpu.memref_slice %arg11[%run_scoped3A_93, %dma_start3A_213] : memref<8x128xi32, #tpu.memory_space<vmem>> -> memref<1x128xi32, #tpu.memory_space<vmem>>
          %dma_start3A_215 = tpu.memref_squeeze %dma_start3A_214 : memref<1x128xi32, #tpu.memory_space<vmem>> -> memref<128xi32, #tpu.memory_space<vmem>>
          %dma_start3A_216 = arith.constant 0 : i32
          %dma_start3A_217 = tpu.memref_slice %arg21[%dma_start3A_216] : memref<10240xf32, #tpu.memory_space<vmem_shared>> -> memref<10240xf32, #tpu.memory_space<vmem_shared>>
          tpu.enqueue_indirect_dma source(%arg19 : memref<128xf32, #tpu.memory_space<vmem>>) target(%dma_start3A_217 : memref<10240xf32, #tpu.memory_space<vmem_shared>>) offsets(%dma_start3A_215 : memref<128xi32, #tpu.memory_space<vmem>>) semaphore(%run_scoped3A_212 : memref<!tpu.dma_semaphore, #tpu.memory_space<semaphore_mem>>) {add = true}
          %dma_wait3A_218 = arith.constant 0 : i32
          %dma_wait3A_219 = tpu.memref_slice %arg11[%run_scoped3A_93, %dma_wait3A_218] : memref<8x128xi32, #tpu.memory_space<vmem>> -> memref<1x128xi32, #tpu.memory_space<vmem>>
          %dma_wait3A_220 = tpu.memref_squeeze %dma_wait3A_219 : memref<1x128xi32, #tpu.memory_space<vmem>> -> memref<128xi32, #tpu.memory_space<vmem>>
          %dma_wait3A_221 = arith.constant 0 : i32
          %dma_wait3A_222 = tpu.memref_slice %arg21[%dma_wait3A_221] : memref<10240xf32, #tpu.memory_space<vmem_shared>> -> memref<10240xf32, #tpu.memory_space<vmem_shared>>
          tpu.wait_indirect_dma semaphore(%run_scoped3A_212 : memref<!tpu.dma_semaphore, #tpu.memory_space<semaphore_mem>>) src(%arg19 : memref<128xf32, #tpu.memory_space<vmem>>) dst(%dma_wait3A_222 : memref<10240xf32, #tpu.memory_space<vmem_shared>>)
          tpu.yield
        }) : () -> ()
        %dma_start3A_94 = arith.constant 3 : i32
        %dma_start3A_95 = arith.constant 0 : i32
        %dma_start3A_96 = tpu.memref_slice %arg11[%dma_start3A_94, %dma_start3A_95] : memref<8x128xi32, #tpu.memory_space<vmem>> -> memref<1x128xi32, #tpu.memory_space<vmem>>
        %dma_start3A_97 = tpu.memref_squeeze %dma_start3A_96 : memref<1x128xi32, #tpu.memory_space<vmem>> -> memref<128xi32, #tpu.memory_space<vmem>>
        %dma_start3A_98 = arith.constant 0 : i32
        %dma_start3A_99 = arith.constant 0 : i32
        %dma_start3A_100 = tpu.memref_slice %arg2[%dma_start3A_98, %dma_start3A_99] : memref<10000x128xf32, #tpu.memory_space<hbm>> -> memref<10000x128xf32, #tpu.memory_space<hbm>>
        tpu.enqueue_indirect_dma source(%dma_start3A_100 : memref<10000x128xf32, #tpu.memory_space<hbm>>) target(%arg14 : memref<128x128xf32, #tpu.memory_space<vmem>>) offsets(%dma_start3A_97 : memref<128xi32, #tpu.memory_space<vmem>>) semaphore(%arg16 : memref<!tpu.dma_semaphore, #tpu.memory_space<semaphore_mem>>)
        %dma_wait3A_101 = arith.constant 2 : i32
        %dma_wait3A_102 = arith.constant 0 : i32
        %dma_wait3A_103 = tpu.memref_slice %arg11[%dma_wait3A_101, %dma_wait3A_102] : memref<8x128xi32, #tpu.memory_space<vmem>> -> memref<1x128xi32, #tpu.memory_space<vmem>>
        %dma_wait3A_104 = tpu.memref_squeeze %dma_wait3A_103 : memref<1x128xi32, #tpu.memory_space<vmem>> -> memref<128xi32, #tpu.memory_space<vmem>>
        %dma_wait3A_105 = arith.constant 0 : i32
        %dma_wait3A_106 = arith.constant 0 : i32
        %dma_wait3A_107 = tpu.memref_slice %arg2[%dma_wait3A_105, %dma_wait3A_106] : memref<10000x128xf32, #tpu.memory_space<hbm>> -> memref<10000x128xf32, #tpu.memory_space<hbm>>
        tpu.wait_indirect_dma semaphore(%arg15 : memref<!tpu.dma_semaphore, #tpu.memory_space<semaphore_mem>>) src(%dma_wait3A_107 : memref<10000x128xf32, #tpu.memory_space<hbm>>) dst(%arg13 : memref<128x128xf32, #tpu.memory_space<vmem>>)
        %run_scoped3A_108 = arith.constant 6 : i32
        "tpu.region"() ({
          %run_scoped3A_212 = tpu.sem_alloc : memref<!tpu.dma_semaphore, #tpu.memory_space<semaphore_mem>>
          %dma_start3A_213 = arith.constant 0 : i32
          %dma_start3A_214 = tpu.memref_slice %arg11[%run_scoped3A_108, %dma_start3A_213] : memref<8x128xi32, #tpu.memory_space<vmem>> -> memref<1x128xi32, #tpu.memory_space<vmem>>
          %dma_start3A_215 = tpu.memref_squeeze %dma_start3A_214 : memref<1x128xi32, #tpu.memory_space<vmem>> -> memref<128xi32, #tpu.memory_space<vmem>>
          %dma_start3A_216 = arith.constant 0 : i32
          %dma_start3A_217 = arith.constant 0 : i32
          %dma_start3A_218 = tpu.memref_slice %arg8[%dma_start3A_216, %dma_start3A_217] : memref<10240x128xf32, #tpu.memory_space<vmem_shared>> -> memref<10240x128xf32, #tpu.memory_space<vmem_shared>>
          tpu.enqueue_indirect_dma source(%arg13 : memref<128x128xf32, #tpu.memory_space<vmem>>) target(%dma_start3A_218 : memref<10240x128xf32, #tpu.memory_space<vmem_shared>>) offsets(%dma_start3A_215 : memref<128xi32, #tpu.memory_space<vmem>>) semaphore(%run_scoped3A_212 : memref<!tpu.dma_semaphore, #tpu.memory_space<semaphore_mem>>) {add = true}
          %dma_wait3A_219 = arith.constant 0 : i32
          %dma_wait3A_220 = tpu.memref_slice %arg11[%run_scoped3A_108, %dma_wait3A_219] : memref<8x128xi32, #tpu.memory_space<vmem>> -> memref<1x128xi32, #tpu.memory_space<vmem>>
          %dma_wait3A_221 = tpu.memref_squeeze %dma_wait3A_220 : memref<1x128xi32, #tpu.memory_space<vmem>> -> memref<128xi32, #tpu.memory_space<vmem>>
          %dma_wait3A_222 = arith.constant 0 : i32
          %dma_wait3A_223 = arith.constant 0 : i32
          %dma_wait3A_224 = tpu.memref_slice %arg8[%dma_wait3A_222, %dma_wait3A_223] : memref<10240x128xf32, #tpu.memory_space<vmem_shared>> -> memref<10240x128xf32, #tpu.memory_space<vmem_shared>>
          tpu.wait_indirect_dma semaphore(%run_scoped3A_212 : memref<!tpu.dma_semaphore, #tpu.memory_space<semaphore_mem>>) src(%arg13 : memref<128x128xf32, #tpu.memory_space<vmem>>) dst(%dma_wait3A_224 : memref<10240x128xf32, #tpu.memory_space<vmem_shared>>)
          tpu.yield
        }) : () -> ()
        %run_scoped3A_109 = arith.constant 6 : i32
        "tpu.region"() ({
          %run_scoped3A_212 = tpu.sem_alloc : memref<!tpu.dma_semaphore, #tpu.memory_space<semaphore_mem>>
          %dma_start3A_213 = arith.constant 0 : i32
          %dma_start3A_214 = tpu.memref_slice %arg11[%run_scoped3A_109, %dma_start3A_213] : memref<8x128xi32, #tpu.memory_space<vmem>> -> memref<1x128xi32, #tpu.memory_space<vmem>>
          %dma_start3A_215 = tpu.memref_squeeze %dma_start3A_214 : memref<1x128xi32, #tpu.memory_space<vmem>> -> memref<128xi32, #tpu.memory_space<vmem>>
          %dma_start3A_216 = arith.constant 0 : i32
          %dma_start3A_217 = tpu.memref_slice %arg21[%dma_start3A_216] : memref<10240xf32, #tpu.memory_space<vmem_shared>> -> memref<10240xf32, #tpu.memory_space<vmem_shared>>
          tpu.enqueue_indirect_dma source(%arg19 : memref<128xf32, #tpu.memory_space<vmem>>) target(%dma_start3A_217 : memref<10240xf32, #tpu.memory_space<vmem_shared>>) offsets(%dma_start3A_215 : memref<128xi32, #tpu.memory_space<vmem>>) semaphore(%run_scoped3A_212 : memref<!tpu.dma_semaphore, #tpu.memory_space<semaphore_mem>>) {add = true}
          %dma_wait3A_218 = arith.constant 0 : i32
          %dma_wait3A_219 = tpu.memref_slice %arg11[%run_scoped3A_109, %dma_wait3A_218] : memref<8x128xi32, #tpu.memory_space<vmem>> -> memref<1x128xi32, #tpu.memory_space<vmem>>
          %dma_wait3A_220 = tpu.memref_squeeze %dma_wait3A_219 : memref<1x128xi32, #tpu.memory_space<vmem>> -> memref<128xi32, #tpu.memory_space<vmem>>
          %dma_wait3A_221 = arith.constant 0 : i32
          %dma_wait3A_222 = tpu.memref_slice %arg21[%dma_wait3A_221] : memref<10240xf32, #tpu.memory_space<vmem_shared>> -> memref<10240xf32, #tpu.memory_space<vmem_shared>>
          tpu.wait_indirect_dma semaphore(%run_scoped3A_212 : memref<!tpu.dma_semaphore, #tpu.memory_space<semaphore_mem>>) src(%arg19 : memref<128xf32, #tpu.memory_space<vmem>>) dst(%dma_wait3A_222 : memref<10240xf32, #tpu.memory_space<vmem_shared>>)
          tpu.yield
        }) : () -> ()
        %add3A_110 = arith.constant 1 : i32
        %add3A_111 = arith.addi %add3A_69, %add3A_110 : i32
        %lt3A = arith.constant 28 : i32
        %lt3A_112 = arith.cmpi slt, %add3A_111, %lt3A : i32
        %convert_element_type3A_113 = arith.extui %lt3A_112 : i1 to i32
        %cond3A_114 = arith.constant 0 : i32
        %cond3A_115 = arith.cmpi ne, %convert_element_type3A_113, %cond3A_114 : i32
        scf.if %cond3A_115 {
          %add3A_212 = arith.constant 1 : i32
          %add3A_213 = arith.addi %add3A_69, %add3A_212 : i32
          %dma_wait3A_214 = arith.constant 0 : i32
          %dma_wait3A_215 = arith.constant 0 : i32
          %dma_wait3A_216 = tpu.memref_slice %arg5[%arg1, %add3A_213, %dma_wait3A_214, %dma_wait3A_215] : memref<16x28x8x128xi32, #tpu.memory_space<hbm>> -> memref<1x1x8x128xi32, #tpu.memory_space<hbm>>
          %dma_wait3A_217 = tpu.memref_squeeze %dma_wait3A_216 : memref<1x1x8x128xi32, #tpu.memory_space<hbm>> -> memref<8x128xi32, #tpu.memory_space<hbm>>
          %dma_wait3A_218 = arith.constant 0 : i32
          %dma_wait3A_219 = arith.constant 0 : i32
          %dma_wait3A_220 = tpu.memref_slice %arg5[%arg1, %add3A_213, %dma_wait3A_218, %dma_wait3A_219] : memref<16x28x8x128xi32, #tpu.memory_space<hbm>> -> memref<1x1x8x128xi32, #tpu.memory_space<hbm>>
          %dma_wait3A_221 = tpu.memref_squeeze %dma_wait3A_220 : memref<1x1x8x128xi32, #tpu.memory_space<hbm>> -> memref<8x128xi32, #tpu.memory_space<hbm>>
          tpu.wait_dma2 semaphore(%arg18 : memref<!tpu.dma_semaphore, #tpu.memory_space<semaphore_mem>>) src(%dma_wait3A_221 : memref<8x128xi32, #tpu.memory_space<hbm>>) dst(%arg12 : memref<8x128xi32, #tpu.memory_space<vmem>>)
          %dma_start3A_222 = arith.constant 0 : i32
          %dma_start3A_223 = arith.constant 0 : i32
          %dma_start3A_224 = tpu.memref_slice %arg12[%dma_start3A_222, %dma_start3A_223] : memref<8x128xi32, #tpu.memory_space<vmem>> -> memref<1x128xi32, #tpu.memory_space<vmem>>
          %dma_start3A_225 = tpu.memref_squeeze %dma_start3A_224 : memref<1x128xi32, #tpu.memory_space<vmem>> -> memref<128xi32, #tpu.memory_space<vmem>>
          %dma_start3A_226 = arith.constant 0 : i32
          %dma_start3A_227 = arith.constant 0 : i32
          %dma_start3A_228 = tpu.memref_slice %arg2[%dma_start3A_226, %dma_start3A_227] : memref<10000x128xf32, #tpu.memory_space<hbm>> -> memref<10000x128xf32, #tpu.memory_space<hbm>>
          tpu.enqueue_indirect_dma source(%dma_start3A_228 : memref<10000x128xf32, #tpu.memory_space<hbm>>) target(%arg13 : memref<128x128xf32, #tpu.memory_space<vmem>>) offsets(%dma_start3A_225 : memref<128xi32, #tpu.memory_space<vmem>>) semaphore(%arg15 : memref<!tpu.dma_semaphore, #tpu.memory_space<semaphore_mem>>)
        } else {
        }
        %dma_wait3A_116 = arith.constant 3 : i32
        %dma_wait3A_117 = arith.constant 0 : i32
        %dma_wait3A_118 = tpu.memref_slice %arg11[%dma_wait3A_116, %dma_wait3A_117] : memref<8x128xi32, #tpu.memory_space<vmem>> -> memref<1x128xi32, #tpu.memory_space<vmem>>
        %dma_wait3A_119 = tpu.memref_squeeze %dma_wait3A_118 : memref<1x128xi32, #tpu.memory_space<vmem>> -> memref<128xi32, #tpu.memory_space<vmem>>
        %dma_wait3A_120 = arith.constant 0 : i32
        %dma_wait3A_121 = arith.constant 0 : i32
        %dma_wait3A_122 = tpu.memref_slice %arg2[%dma_wait3A_120, %dma_wait3A_121] : memref<10000x128xf32, #tpu.memory_space<hbm>> -> memref<10000x128xf32, #tpu.memory_space<hbm>>
        tpu.wait_indirect_dma semaphore(%arg16 : memref<!tpu.dma_semaphore, #tpu.memory_space<semaphore_mem>>) src(%dma_wait3A_122 : memref<10000x128xf32, #tpu.memory_space<hbm>>) dst(%arg14 : memref<128x128xf32, #tpu.memory_space<vmem>>)
        %run_scoped3A_123 = arith.constant 7 : i32
        "tpu.region"() ({
          %run_scoped3A_212 = tpu.sem_alloc : memref<!tpu.dma_semaphore, #tpu.memory_space<semaphore_mem>>
          %dma_start3A_213 = arith.constant 0 : i32
          %dma_start3A_214 = tpu.memref_slice %arg11[%run_scoped3A_123, %dma_start3A_213] : memref<8x128xi32, #tpu.memory_space<vmem>> -> memref<1x128xi32, #tpu.memory_space<vmem>>
          %dma_start3A_215 = tpu.memref_squeeze %dma_start3A_214 : memref<1x128xi32, #tpu.memory_space<vmem>> -> memref<128xi32, #tpu.memory_space<vmem>>
          %dma_start3A_216 = arith.constant 0 : i32
          %dma_start3A_217 = arith.constant 0 : i32
          %dma_start3A_218 = tpu.memref_slice %arg8[%dma_start3A_216, %dma_start3A_217] : memref<10240x128xf32, #tpu.memory_space<vmem_shared>> -> memref<10240x128xf32, #tpu.memory_space<vmem_shared>>
          tpu.enqueue_indirect_dma source(%arg14 : memref<128x128xf32, #tpu.memory_space<vmem>>) target(%dma_start3A_218 : memref<10240x128xf32, #tpu.memory_space<vmem_shared>>) offsets(%dma_start3A_215 : memref<128xi32, #tpu.memory_space<vmem>>) semaphore(%run_scoped3A_212 : memref<!tpu.dma_semaphore, #tpu.memory_space<semaphore_mem>>) {add = true}
          %dma_wait3A_219 = arith.constant 0 : i32
          %dma_wait3A_220 = tpu.memref_slice %arg11[%run_scoped3A_123, %dma_wait3A_219] : memref<8x128xi32, #tpu.memory_space<vmem>> -> memref<1x128xi32, #tpu.memory_space<vmem>>
          %dma_wait3A_221 = tpu.memref_squeeze %dma_wait3A_220 : memref<1x128xi32, #tpu.memory_space<vmem>> -> memref<128xi32, #tpu.memory_space<vmem>>
          %dma_wait3A_222 = arith.constant 0 : i32
          %dma_wait3A_223 = arith.constant 0 : i32
          %dma_wait3A_224 = tpu.memref_slice %arg8[%dma_wait3A_222, %dma_wait3A_223] : memref<10240x128xf32, #tpu.memory_space<vmem_shared>> -> memref<10240x128xf32, #tpu.memory_space<vmem_shared>>
          tpu.wait_indirect_dma semaphore(%run_scoped3A_212 : memref<!tpu.dma_semaphore, #tpu.memory_space<semaphore_mem>>) src(%arg14 : memref<128x128xf32, #tpu.memory_space<vmem>>) dst(%dma_wait3A_224 : memref<10240x128xf32, #tpu.memory_space<vmem_shared>>)
          tpu.yield
        }) : () -> ()
        %run_scoped3A_124 = arith.constant 7 : i32
        "tpu.region"() ({
          %run_scoped3A_212 = tpu.sem_alloc : memref<!tpu.dma_semaphore, #tpu.memory_space<semaphore_mem>>
          %dma_start3A_213 = arith.constant 0 : i32
          %dma_start3A_214 = tpu.memref_slice %arg11[%run_scoped3A_124, %dma_start3A_213] : memref<8x128xi32, #tpu.memory_space<vmem>> -> memref<1x128xi32, #tpu.memory_space<vmem>>
          %dma_start3A_215 = tpu.memref_squeeze %dma_start3A_214 : memref<1x128xi32, #tpu.memory_space<vmem>> -> memref<128xi32, #tpu.memory_space<vmem>>
          %dma_start3A_216 = arith.constant 0 : i32
          %dma_start3A_217 = tpu.memref_slice %arg21[%dma_start3A_216] : memref<10240xf32, #tpu.memory_space<vmem_shared>> -> memref<10240xf32, #tpu.memory_space<vmem_shared>>
          tpu.enqueue_indirect_dma source(%arg19 : memref<128xf32, #tpu.memory_space<vmem>>) target(%dma_start3A_217 : memref<10240xf32, #tpu.memory_space<vmem_shared>>) offsets(%dma_start3A_215 : memref<128xi32, #tpu.memory_space<vmem>>) semaphore(%run_scoped3A_212 : memref<!tpu.dma_semaphore, #tpu.memory_space<semaphore_mem>>) {add = true}
          %dma_wait3A_218 = arith.constant 0 : i32
          %dma_wait3A_219 = tpu.memref_slice %arg11[%run_scoped3A_124, %dma_wait3A_218] : memref<8x128xi32, #tpu.memory_space<vmem>> -> memref<1x128xi32, #tpu.memory_space<vmem>>
          %dma_wait3A_220 = tpu.memref_squeeze %dma_wait3A_219 : memref<1x128xi32, #tpu.memory_space<vmem>> -> memref<128xi32, #tpu.memory_space<vmem>>
          %dma_wait3A_221 = arith.constant 0 : i32
          %dma_wait3A_222 = tpu.memref_slice %arg21[%dma_wait3A_221] : memref<10240xf32, #tpu.memory_space<vmem_shared>> -> memref<10240xf32, #tpu.memory_space<vmem_shared>>
          tpu.wait_indirect_dma semaphore(%run_scoped3A_212 : memref<!tpu.dma_semaphore, #tpu.memory_space<semaphore_mem>>) src(%arg19 : memref<128xf32, #tpu.memory_space<vmem>>) dst(%dma_wait3A_222 : memref<10240xf32, #tpu.memory_space<vmem_shared>>)
          tpu.yield
        }) : () -> ()
        %add3A_125 = arith.constant 1 : i32
        %add3A_126 = arith.addi %add3A_69, %add3A_125 : i32
        %lt3A_127 = arith.constant 28 : i32
        %lt3A_128 = arith.cmpi slt, %add3A_126, %lt3A_127 : i32
        %convert_element_type3A_129 = arith.extui %lt3A_128 : i1 to i32
        %cond3A_130 = arith.constant 0 : i32
        %cond3A_131 = arith.cmpi ne, %convert_element_type3A_129, %cond3A_130 : i32
        scf.if %cond3A_131 {
          %dma_start3A_212 = arith.constant 1 : i32
          %dma_start3A_213 = arith.constant 0 : i32
          %dma_start3A_214 = tpu.memref_slice %arg12[%dma_start3A_212, %dma_start3A_213] : memref<8x128xi32, #tpu.memory_space<vmem>> -> memref<1x128xi32, #tpu.memory_space<vmem>>
          %dma_start3A_215 = tpu.memref_squeeze %dma_start3A_214 : memref<1x128xi32, #tpu.memory_space<vmem>> -> memref<128xi32, #tpu.memory_space<vmem>>
          %dma_start3A_216 = arith.constant 0 : i32
          %dma_start3A_217 = arith.constant 0 : i32
          %dma_start3A_218 = tpu.memref_slice %arg2[%dma_start3A_216, %dma_start3A_217] : memref<10000x128xf32, #tpu.memory_space<hbm>> -> memref<10000x128xf32, #tpu.memory_space<hbm>>
          tpu.enqueue_indirect_dma source(%dma_start3A_218 : memref<10000x128xf32, #tpu.memory_space<hbm>>) target(%arg14 : memref<128x128xf32, #tpu.memory_space<vmem>>) offsets(%dma_start3A_215 : memref<128xi32, #tpu.memory_space<vmem>>) semaphore(%arg16 : memref<!tpu.dma_semaphore, #tpu.memory_space<semaphore_mem>>)
        } else {
        }
        %add3A_132 = arith.constant 2 : i32
        %add3A_133 = arith.addi %add3A_69, %add3A_132 : i32
        %lt3A_134 = arith.constant 28 : i32
        %lt3A_135 = arith.cmpi slt, %add3A_133, %lt3A_134 : i32
        %convert_element_type3A_136 = arith.extui %lt3A_135 : i1 to i32
        %cond3A_137 = arith.constant 0 : i32
        %cond3A_138 = arith.cmpi ne, %convert_element_type3A_136, %cond3A_137 : i32
        scf.if %cond3A_138 {
          %add3A_212 = arith.constant 2 : i32
          %add3A_213 = arith.addi %add3A_69, %add3A_212 : i32
          %dma_start3A_214 = arith.constant 0 : i32
          %dma_start3A_215 = arith.constant 0 : i32
          %dma_start3A_216 = tpu.memref_slice %arg5[%arg1, %add3A_213, %dma_start3A_214, %dma_start3A_215] : memref<16x28x8x128xi32, #tpu.memory_space<hbm>> -> memref<1x1x8x128xi32, #tpu.memory_space<hbm>>
          %dma_start3A_217 = tpu.memref_squeeze %dma_start3A_216 : memref<1x1x8x128xi32, #tpu.memory_space<hbm>> -> memref<8x128xi32, #tpu.memory_space<hbm>>
          %dma_start3A_218 = arith.constant 0 : i32
          %dma_start3A_219 = arith.constant 0 : i32
          %dma_start3A_220 = tpu.memref_slice %arg5[%arg1, %add3A_213, %dma_start3A_218, %dma_start3A_219] : memref<16x28x8x128xi32, #tpu.memory_space<hbm>> -> memref<1x1x8x128xi32, #tpu.memory_space<hbm>>
          %dma_start3A_221 = tpu.memref_squeeze %dma_start3A_220 : memref<1x1x8x128xi32, #tpu.memory_space<hbm>> -> memref<8x128xi32, #tpu.memory_space<hbm>>
          tpu.enqueue_dma source(%dma_start3A_221 : memref<8x128xi32, #tpu.memory_space<hbm>>) target(%arg11 : memref<8x128xi32, #tpu.memory_space<vmem>>) target_semaphore(%arg17 : memref<!tpu.dma_semaphore, #tpu.memory_space<semaphore_mem>>)
        } else {
        }
        %add3A_139 = arith.constant 1 : i32
        %add3A_140 = arith.addi %add3A_69, %add3A_139 : i32
        %dma_wait3A_141 = arith.constant 0 : i32
        %dma_wait3A_142 = arith.constant 0 : i32
        %dma_wait3A_143 = tpu.memref_slice %arg12[%dma_wait3A_141, %dma_wait3A_142] : memref<8x128xi32, #tpu.memory_space<vmem>> -> memref<1x128xi32, #tpu.memory_space<vmem>>
        %dma_wait3A_144 = tpu.memref_squeeze %dma_wait3A_143 : memref<1x128xi32, #tpu.memory_space<vmem>> -> memref<128xi32, #tpu.memory_space<vmem>>
        %dma_wait3A_145 = arith.constant 0 : i32
        %dma_wait3A_146 = arith.constant 0 : i32
        %dma_wait3A_147 = tpu.memref_slice %arg2[%dma_wait3A_145, %dma_wait3A_146] : memref<10000x128xf32, #tpu.memory_space<hbm>> -> memref<10000x128xf32, #tpu.memory_space<hbm>>
        tpu.wait_indirect_dma semaphore(%arg15 : memref<!tpu.dma_semaphore, #tpu.memory_space<semaphore_mem>>) src(%dma_wait3A_147 : memref<10000x128xf32, #tpu.memory_space<hbm>>) dst(%arg13 : memref<128x128xf32, #tpu.memory_space<vmem>>)
        %run_scoped3A_148 = arith.constant 4 : i32
        "tpu.region"() ({
          %run_scoped3A_212 = tpu.sem_alloc : memref<!tpu.dma_semaphore, #tpu.memory_space<semaphore_mem>>
          %dma_start3A_213 = arith.constant 0 : i32
          %dma_start3A_214 = tpu.memref_slice %arg12[%run_scoped3A_148, %dma_start3A_213] : memref<8x128xi32, #tpu.memory_space<vmem>> -> memref<1x128xi32, #tpu.memory_space<vmem>>
          %dma_start3A_215 = tpu.memref_squeeze %dma_start3A_214 : memref<1x128xi32, #tpu.memory_space<vmem>> -> memref<128xi32, #tpu.memory_space<vmem>>
          %dma_start3A_216 = arith.constant 0 : i32
          %dma_start3A_217 = arith.constant 0 : i32
          %dma_start3A_218 = tpu.memref_slice %arg8[%dma_start3A_216, %dma_start3A_217] : memref<10240x128xf32, #tpu.memory_space<vmem_shared>> -> memref<10240x128xf32, #tpu.memory_space<vmem_shared>>
          tpu.enqueue_indirect_dma source(%arg13 : memref<128x128xf32, #tpu.memory_space<vmem>>) target(%dma_start3A_218 : memref<10240x128xf32, #tpu.memory_space<vmem_shared>>) offsets(%dma_start3A_215 : memref<128xi32, #tpu.memory_space<vmem>>) semaphore(%run_scoped3A_212 : memref<!tpu.dma_semaphore, #tpu.memory_space<semaphore_mem>>) {add = true}
          %dma_wait3A_219 = arith.constant 0 : i32
          %dma_wait3A_220 = tpu.memref_slice %arg12[%run_scoped3A_148, %dma_wait3A_219] : memref<8x128xi32, #tpu.memory_space<vmem>> -> memref<1x128xi32, #tpu.memory_space<vmem>>
          %dma_wait3A_221 = tpu.memref_squeeze %dma_wait3A_220 : memref<1x128xi32, #tpu.memory_space<vmem>> -> memref<128xi32, #tpu.memory_space<vmem>>
          %dma_wait3A_222 = arith.constant 0 : i32
          %dma_wait3A_223 = arith.constant 0 : i32
          %dma_wait3A_224 = tpu.memref_slice %arg8[%dma_wait3A_222, %dma_wait3A_223] : memref<10240x128xf32, #tpu.memory_space<vmem_shared>> -> memref<10240x128xf32, #tpu.memory_space<vmem_shared>>
          tpu.wait_indirect_dma semaphore(%run_scoped3A_212 : memref<!tpu.dma_semaphore, #tpu.memory_space<semaphore_mem>>) src(%arg13 : memref<128x128xf32, #tpu.memory_space<vmem>>) dst(%dma_wait3A_224 : memref<10240x128xf32, #tpu.memory_space<vmem_shared>>)
          tpu.yield
        }) : () -> ()
        %run_scoped3A_149 = arith.constant 4 : i32
        "tpu.region"() ({
          %run_scoped3A_212 = tpu.sem_alloc : memref<!tpu.dma_semaphore, #tpu.memory_space<semaphore_mem>>
          %dma_start3A_213 = arith.constant 0 : i32
          %dma_start3A_214 = tpu.memref_slice %arg12[%run_scoped3A_149, %dma_start3A_213] : memref<8x128xi32, #tpu.memory_space<vmem>> -> memref<1x128xi32, #tpu.memory_space<vmem>>
          %dma_start3A_215 = tpu.memref_squeeze %dma_start3A_214 : memref<1x128xi32, #tpu.memory_space<vmem>> -> memref<128xi32, #tpu.memory_space<vmem>>
          %dma_start3A_216 = arith.constant 0 : i32
          %dma_start3A_217 = tpu.memref_slice %arg21[%dma_start3A_216] : memref<10240xf32, #tpu.memory_space<vmem_shared>> -> memref<10240xf32, #tpu.memory_space<vmem_shared>>
          tpu.enqueue_indirect_dma source(%arg19 : memref<128xf32, #tpu.memory_space<vmem>>) target(%dma_start3A_217 : memref<10240xf32, #tpu.memory_space<vmem_shared>>) offsets(%dma_start3A_215 : memref<128xi32, #tpu.memory_space<vmem>>) semaphore(%run_scoped3A_212 : memref<!tpu.dma_semaphore, #tpu.memory_space<semaphore_mem>>) {add = true}
          %dma_wait3A_218 = arith.constant 0 : i32
          %dma_wait3A_219 = tpu.memref_slice %arg12[%run_scoped3A_149, %dma_wait3A_218] : memref<8x128xi32, #tpu.memory_space<vmem>> -> memref<1x128xi32, #tpu.memory_space<vmem>>
          %dma_wait3A_220 = tpu.memref_squeeze %dma_wait3A_219 : memref<1x128xi32, #tpu.memory_space<vmem>> -> memref<128xi32, #tpu.memory_space<vmem>>
          %dma_wait3A_221 = arith.constant 0 : i32
          %dma_wait3A_222 = tpu.memref_slice %arg21[%dma_wait3A_221] : memref<10240xf32, #tpu.memory_space<vmem_shared>> -> memref<10240xf32, #tpu.memory_space<vmem_shared>>
          tpu.wait_indirect_dma semaphore(%run_scoped3A_212 : memref<!tpu.dma_semaphore, #tpu.memory_space<semaphore_mem>>) src(%arg19 : memref<128xf32, #tpu.memory_space<vmem>>) dst(%dma_wait3A_222 : memref<10240xf32, #tpu.memory_space<vmem_shared>>)
          tpu.yield
        }) : () -> ()
        %dma_start3A_150 = arith.constant 2 : i32
        %dma_start3A_151 = arith.constant 0 : i32
        %dma_start3A_152 = tpu.memref_slice %arg12[%dma_start3A_150, %dma_start3A_151] : memref<8x128xi32, #tpu.memory_space<vmem>> -> memref<1x128xi32, #tpu.memory_space<vmem>>
        %dma_start3A_153 = tpu.memref_squeeze %dma_start3A_152 : memref<1x128xi32, #tpu.memory_space<vmem>> -> memref<128xi32, #tpu.memory_space<vmem>>
        %dma_start3A_154 = arith.constant 0 : i32
        %dma_start3A_155 = arith.constant 0 : i32
        %dma_start3A_156 = tpu.memref_slice %arg2[%dma_start3A_154, %dma_start3A_155] : memref<10000x128xf32, #tpu.memory_space<hbm>> -> memref<10000x128xf32, #tpu.memory_space<hbm>>
        tpu.enqueue_indirect_dma source(%dma_start3A_156 : memref<10000x128xf32, #tpu.memory_space<hbm>>) target(%arg13 : memref<128x128xf32, #tpu.memory_space<vmem>>) offsets(%dma_start3A_153 : memref<128xi32, #tpu.memory_space<vmem>>) semaphore(%arg15 : memref<!tpu.dma_semaphore, #tpu.memory_space<semaphore_mem>>)
        %dma_wait3A_157 = arith.constant 1 : i32
        %dma_wait3A_158 = arith.constant 0 : i32
        %dma_wait3A_159 = tpu.memref_slice %arg12[%dma_wait3A_157, %dma_wait3A_158] : memref<8x128xi32, #tpu.memory_space<vmem>> -> memref<1x128xi32, #tpu.memory_space<vmem>>
        %dma_wait3A_160 = tpu.memref_squeeze %dma_wait3A_159 : memref<1x128xi32, #tpu.memory_space<vmem>> -> memref<128xi32, #tpu.memory_space<vmem>>
        %dma_wait3A_161 = arith.constant 0 : i32
        %dma_wait3A_162 = arith.constant 0 : i32
        %dma_wait3A_163 = tpu.memref_slice %arg2[%dma_wait3A_161, %dma_wait3A_162] : memref<10000x128xf32, #tpu.memory_space<hbm>> -> memref<10000x128xf32, #tpu.memory_space<hbm>>
        tpu.wait_indirect_dma semaphore(%arg16 : memref<!tpu.dma_semaphore, #tpu.memory_space<semaphore_mem>>) src(%dma_wait3A_163 : memref<10000x128xf32, #tpu.memory_space<hbm>>) dst(%arg14 : memref<128x128xf32, #tpu.memory_space<vmem>>)
        %run_scoped3A_164 = arith.constant 5 : i32
        "tpu.region"() ({
          %run_scoped3A_212 = tpu.sem_alloc : memref<!tpu.dma_semaphore, #tpu.memory_space<semaphore_mem>>
          %dma_start3A_213 = arith.constant 0 : i32
          %dma_start3A_214 = tpu.memref_slice %arg12[%run_scoped3A_164, %dma_start3A_213] : memref<8x128xi32, #tpu.memory_space<vmem>> -> memref<1x128xi32, #tpu.memory_space<vmem>>
          %dma_start3A_215 = tpu.memref_squeeze %dma_start3A_214 : memref<1x128xi32, #tpu.memory_space<vmem>> -> memref<128xi32, #tpu.memory_space<vmem>>
          %dma_start3A_216 = arith.constant 0 : i32
          %dma_start3A_217 = arith.constant 0 : i32
          %dma_start3A_218 = tpu.memref_slice %arg8[%dma_start3A_216, %dma_start3A_217] : memref<10240x128xf32, #tpu.memory_space<vmem_shared>> -> memref<10240x128xf32, #tpu.memory_space<vmem_shared>>
          tpu.enqueue_indirect_dma source(%arg14 : memref<128x128xf32, #tpu.memory_space<vmem>>) target(%dma_start3A_218 : memref<10240x128xf32, #tpu.memory_space<vmem_shared>>) offsets(%dma_start3A_215 : memref<128xi32, #tpu.memory_space<vmem>>) semaphore(%run_scoped3A_212 : memref<!tpu.dma_semaphore, #tpu.memory_space<semaphore_mem>>) {add = true}
          %dma_wait3A_219 = arith.constant 0 : i32
          %dma_wait3A_220 = tpu.memref_slice %arg12[%run_scoped3A_164, %dma_wait3A_219] : memref<8x128xi32, #tpu.memory_space<vmem>> -> memref<1x128xi32, #tpu.memory_space<vmem>>
          %dma_wait3A_221 = tpu.memref_squeeze %dma_wait3A_220 : memref<1x128xi32, #tpu.memory_space<vmem>> -> memref<128xi32, #tpu.memory_space<vmem>>
          %dma_wait3A_222 = arith.constant 0 : i32
          %dma_wait3A_223 = arith.constant 0 : i32
          %dma_wait3A_224 = tpu.memref_slice %arg8[%dma_wait3A_222, %dma_wait3A_223] : memref<10240x128xf32, #tpu.memory_space<vmem_shared>> -> memref<10240x128xf32, #tpu.memory_space<vmem_shared>>
          tpu.wait_indirect_dma semaphore(%run_scoped3A_212 : memref<!tpu.dma_semaphore, #tpu.memory_space<semaphore_mem>>) src(%arg14 : memref<128x128xf32, #tpu.memory_space<vmem>>) dst(%dma_wait3A_224 : memref<10240x128xf32, #tpu.memory_space<vmem_shared>>)
          tpu.yield
        }) : () -> ()
        %run_scoped3A_165 = arith.constant 5 : i32
        "tpu.region"() ({
          %run_scoped3A_212 = tpu.sem_alloc : memref<!tpu.dma_semaphore, #tpu.memory_space<semaphore_mem>>
          %dma_start3A_213 = arith.constant 0 : i32
          %dma_start3A_214 = tpu.memref_slice %arg12[%run_scoped3A_165, %dma_start3A_213] : memref<8x128xi32, #tpu.memory_space<vmem>> -> memref<1x128xi32, #tpu.memory_space<vmem>>
          %dma_start3A_215 = tpu.memref_squeeze %dma_start3A_214 : memref<1x128xi32, #tpu.memory_space<vmem>> -> memref<128xi32, #tpu.memory_space<vmem>>
          %dma_start3A_216 = arith.constant 0 : i32
          %dma_start3A_217 = tpu.memref_slice %arg21[%dma_start3A_216] : memref<10240xf32, #tpu.memory_space<vmem_shared>> -> memref<10240xf32, #tpu.memory_space<vmem_shared>>
          tpu.enqueue_indirect_dma source(%arg19 : memref<128xf32, #tpu.memory_space<vmem>>) target(%dma_start3A_217 : memref<10240xf32, #tpu.memory_space<vmem_shared>>) offsets(%dma_start3A_215 : memref<128xi32, #tpu.memory_space<vmem>>) semaphore(%run_scoped3A_212 : memref<!tpu.dma_semaphore, #tpu.memory_space<semaphore_mem>>) {add = true}
          %dma_wait3A_218 = arith.constant 0 : i32
          %dma_wait3A_219 = tpu.memref_slice %arg12[%run_scoped3A_165, %dma_wait3A_218] : memref<8x128xi32, #tpu.memory_space<vmem>> -> memref<1x128xi32, #tpu.memory_space<vmem>>
          %dma_wait3A_220 = tpu.memref_squeeze %dma_wait3A_219 : memref<1x128xi32, #tpu.memory_space<vmem>> -> memref<128xi32, #tpu.memory_space<vmem>>
          %dma_wait3A_221 = arith.constant 0 : i32
          %dma_wait3A_222 = tpu.memref_slice %arg21[%dma_wait3A_221] : memref<10240xf32, #tpu.memory_space<vmem_shared>> -> memref<10240xf32, #tpu.memory_space<vmem_shared>>
          tpu.wait_indirect_dma semaphore(%run_scoped3A_212 : memref<!tpu.dma_semaphore, #tpu.memory_space<semaphore_mem>>) src(%arg19 : memref<128xf32, #tpu.memory_space<vmem>>) dst(%dma_wait3A_222 : memref<10240xf32, #tpu.memory_space<vmem_shared>>)
          tpu.yield
        }) : () -> ()
        %dma_start3A_166 = arith.constant 3 : i32
        %dma_start3A_167 = arith.constant 0 : i32
        %dma_start3A_168 = tpu.memref_slice %arg12[%dma_start3A_166, %dma_start3A_167] : memref<8x128xi32, #tpu.memory_space<vmem>> -> memref<1x128xi32, #tpu.memory_space<vmem>>
        %dma_start3A_169 = tpu.memref_squeeze %dma_start3A_168 : memref<1x128xi32, #tpu.memory_space<vmem>> -> memref<128xi32, #tpu.memory_space<vmem>>
        %dma_start3A_170 = arith.constant 0 : i32
        %dma_start3A_171 = arith.constant 0 : i32
        %dma_start3A_172 = tpu.memref_slice %arg2[%dma_start3A_170, %dma_start3A_171] : memref<10000x128xf32, #tpu.memory_space<hbm>> -> memref<10000x128xf32, #tpu.memory_space<hbm>>
        tpu.enqueue_indirect_dma source(%dma_start3A_172 : memref<10000x128xf32, #tpu.memory_space<hbm>>) target(%arg14 : memref<128x128xf32, #tpu.memory_space<vmem>>) offsets(%dma_start3A_169 : memref<128xi32, #tpu.memory_space<vmem>>) semaphore(%arg16 : memref<!tpu.dma_semaphore, #tpu.memory_space<semaphore_mem>>)
        %dma_wait3A_173 = arith.constant 2 : i32
        %dma_wait3A_174 = arith.constant 0 : i32
        %dma_wait3A_175 = tpu.memref_slice %arg12[%dma_wait3A_173, %dma_wait3A_174] : memref<8x128xi32, #tpu.memory_space<vmem>> -> memref<1x128xi32, #tpu.memory_space<vmem>>
        %dma_wait3A_176 = tpu.memref_squeeze %dma_wait3A_175 : memref<1x128xi32, #tpu.memory_space<vmem>> -> memref<128xi32, #tpu.memory_space<vmem>>
        %dma_wait3A_177 = arith.constant 0 : i32
        %dma_wait3A_178 = arith.constant 0 : i32
        %dma_wait3A_179 = tpu.memref_slice %arg2[%dma_wait3A_177, %dma_wait3A_178] : memref<10000x128xf32, #tpu.memory_space<hbm>> -> memref<10000x128xf32, #tpu.memory_space<hbm>>
        tpu.wait_indirect_dma semaphore(%arg15 : memref<!tpu.dma_semaphore, #tpu.memory_space<semaphore_mem>>) src(%dma_wait3A_179 : memref<10000x128xf32, #tpu.memory_space<hbm>>) dst(%arg13 : memref<128x128xf32, #tpu.memory_space<vmem>>)
        %run_scoped3A_180 = arith.constant 6 : i32
        "tpu.region"() ({
          %run_scoped3A_212 = tpu.sem_alloc : memref<!tpu.dma_semaphore, #tpu.memory_space<semaphore_mem>>
          %dma_start3A_213 = arith.constant 0 : i32
          %dma_start3A_214 = tpu.memref_slice %arg12[%run_scoped3A_180, %dma_start3A_213] : memref<8x128xi32, #tpu.memory_space<vmem>> -> memref<1x128xi32, #tpu.memory_space<vmem>>
          %dma_start3A_215 = tpu.memref_squeeze %dma_start3A_214 : memref<1x128xi32, #tpu.memory_space<vmem>> -> memref<128xi32, #tpu.memory_space<vmem>>
          %dma_start3A_216 = arith.constant 0 : i32
          %dma_start3A_217 = arith.constant 0 : i32
          %dma_start3A_218 = tpu.memref_slice %arg8[%dma_start3A_216, %dma_start3A_217] : memref<10240x128xf32, #tpu.memory_space<vmem_shared>> -> memref<10240x128xf32, #tpu.memory_space<vmem_shared>>
          tpu.enqueue_indirect_dma source(%arg13 : memref<128x128xf32, #tpu.memory_space<vmem>>) target(%dma_start3A_218 : memref<10240x128xf32, #tpu.memory_space<vmem_shared>>) offsets(%dma_start3A_215 : memref<128xi32, #tpu.memory_space<vmem>>) semaphore(%run_scoped3A_212 : memref<!tpu.dma_semaphore, #tpu.memory_space<semaphore_mem>>) {add = true}
          %dma_wait3A_219 = arith.constant 0 : i32
          %dma_wait3A_220 = tpu.memref_slice %arg12[%run_scoped3A_180, %dma_wait3A_219] : memref<8x128xi32, #tpu.memory_space<vmem>> -> memref<1x128xi32, #tpu.memory_space<vmem>>
          %dma_wait3A_221 = tpu.memref_squeeze %dma_wait3A_220 : memref<1x128xi32, #tpu.memory_space<vmem>> -> memref<128xi32, #tpu.memory_space<vmem>>
          %dma_wait3A_222 = arith.constant 0 : i32
          %dma_wait3A_223 = arith.constant 0 : i32
          %dma_wait3A_224 = tpu.memref_slice %arg8[%dma_wait3A_222, %dma_wait3A_223] : memref<10240x128xf32, #tpu.memory_space<vmem_shared>> -> memref<10240x128xf32, #tpu.memory_space<vmem_shared>>
          tpu.wait_indirect_dma semaphore(%run_scoped3A_212 : memref<!tpu.dma_semaphore, #tpu.memory_space<semaphore_mem>>) src(%arg13 : memref<128x128xf32, #tpu.memory_space<vmem>>) dst(%dma_wait3A_224 : memref<10240x128xf32, #tpu.memory_space<vmem_shared>>)
          tpu.yield
        }) : () -> ()
        %run_scoped3A_181 = arith.constant 6 : i32
        "tpu.region"() ({
          %run_scoped3A_212 = tpu.sem_alloc : memref<!tpu.dma_semaphore, #tpu.memory_space<semaphore_mem>>
          %dma_start3A_213 = arith.constant 0 : i32
          %dma_start3A_214 = tpu.memref_slice %arg12[%run_scoped3A_181, %dma_start3A_213] : memref<8x128xi32, #tpu.memory_space<vmem>> -> memref<1x128xi32, #tpu.memory_space<vmem>>
          %dma_start3A_215 = tpu.memref_squeeze %dma_start3A_214 : memref<1x128xi32, #tpu.memory_space<vmem>> -> memref<128xi32, #tpu.memory_space<vmem>>
          %dma_start3A_216 = arith.constant 0 : i32
          %dma_start3A_217 = tpu.memref_slice %arg21[%dma_start3A_216] : memref<10240xf32, #tpu.memory_space<vmem_shared>> -> memref<10240xf32, #tpu.memory_space<vmem_shared>>
          tpu.enqueue_indirect_dma source(%arg19 : memref<128xf32, #tpu.memory_space<vmem>>) target(%dma_start3A_217 : memref<10240xf32, #tpu.memory_space<vmem_shared>>) offsets(%dma_start3A_215 : memref<128xi32, #tpu.memory_space<vmem>>) semaphore(%run_scoped3A_212 : memref<!tpu.dma_semaphore, #tpu.memory_space<semaphore_mem>>) {add = true}
          %dma_wait3A_218 = arith.constant 0 : i32
          %dma_wait3A_219 = tpu.memref_slice %arg12[%run_scoped3A_181, %dma_wait3A_218] : memref<8x128xi32, #tpu.memory_space<vmem>> -> memref<1x128xi32, #tpu.memory_space<vmem>>
          %dma_wait3A_220 = tpu.memref_squeeze %dma_wait3A_219 : memref<1x128xi32, #tpu.memory_space<vmem>> -> memref<128xi32, #tpu.memory_space<vmem>>
          %dma_wait3A_221 = arith.constant 0 : i32
          %dma_wait3A_222 = tpu.memref_slice %arg21[%dma_wait3A_221] : memref<10240xf32, #tpu.memory_space<vmem_shared>> -> memref<10240xf32, #tpu.memory_space<vmem_shared>>
          tpu.wait_indirect_dma semaphore(%run_scoped3A_212 : memref<!tpu.dma_semaphore, #tpu.memory_space<semaphore_mem>>) src(%arg19 : memref<128xf32, #tpu.memory_space<vmem>>) dst(%dma_wait3A_222 : memref<10240xf32, #tpu.memory_space<vmem_shared>>)
          tpu.yield
        }) : () -> ()
        %add3A_182 = arith.constant 1 : i32
        %add3A_183 = arith.addi %add3A_140, %add3A_182 : i32
        %lt3A_184 = arith.constant 28 : i32
        %lt3A_185 = arith.cmpi slt, %add3A_183, %lt3A_184 : i32
        %convert_element_type3A_186 = arith.extui %lt3A_185 : i1 to i32
        %cond3A_187 = arith.constant 0 : i32
        %cond3A_188 = arith.cmpi ne, %convert_element_type3A_186, %cond3A_187 : i32
        scf.if %cond3A_188 {
          %add3A_212 = arith.constant 1 : i32
          %add3A_213 = arith.addi %add3A_140, %add3A_212 : i32
          %dma_wait3A_214 = arith.constant 0 : i32
          %dma_wait3A_215 = arith.constant 0 : i32
          %dma_wait3A_216 = tpu.memref_slice %arg5[%arg1, %add3A_213, %dma_wait3A_214, %dma_wait3A_215] : memref<16x28x8x128xi32, #tpu.memory_space<hbm>> -> memref<1x1x8x128xi32, #tpu.memory_space<hbm>>
          %dma_wait3A_217 = tpu.memref_squeeze %dma_wait3A_216 : memref<1x1x8x128xi32, #tpu.memory_space<hbm>> -> memref<8x128xi32, #tpu.memory_space<hbm>>
          %dma_wait3A_218 = arith.constant 0 : i32
          %dma_wait3A_219 = arith.constant 0 : i32
          %dma_wait3A_220 = tpu.memref_slice %arg5[%arg1, %add3A_213, %dma_wait3A_218, %dma_wait3A_219] : memref<16x28x8x128xi32, #tpu.memory_space<hbm>> -> memref<1x1x8x128xi32, #tpu.memory_space<hbm>>
          %dma_wait3A_221 = tpu.memref_squeeze %dma_wait3A_220 : memref<1x1x8x128xi32, #tpu.memory_space<hbm>> -> memref<8x128xi32, #tpu.memory_space<hbm>>
          tpu.wait_dma2 semaphore(%arg17 : memref<!tpu.dma_semaphore, #tpu.memory_space<semaphore_mem>>) src(%dma_wait3A_221 : memref<8x128xi32, #tpu.memory_space<hbm>>) dst(%arg11 : memref<8x128xi32, #tpu.memory_space<vmem>>)
          %dma_start3A_222 = arith.constant 0 : i32
          %dma_start3A_223 = arith.constant 0 : i32
          %dma_start3A_224 = tpu.memref_slice %arg11[%dma_start3A_222, %dma_start3A_223] : memref<8x128xi32, #tpu.memory_space<vmem>> -> memref<1x128xi32, #tpu.memory_space<vmem>>
          %dma_start3A_225 = tpu.memref_squeeze %dma_start3A_224 : memref<1x128xi32, #tpu.memory_space<vmem>> -> memref<128xi32, #tpu.memory_space<vmem>>
          %dma_start3A_226 = arith.constant 0 : i32
          %dma_start3A_227 = arith.constant 0 : i32
          %dma_start3A_228 = tpu.memref_slice %arg2[%dma_start3A_226, %dma_start3A_227] : memref<10000x128xf32, #tpu.memory_space<hbm>> -> memref<10000x128xf32, #tpu.memory_space<hbm>>
          tpu.enqueue_indirect_dma source(%dma_start3A_228 : memref<10000x128xf32, #tpu.memory_space<hbm>>) target(%arg13 : memref<128x128xf32, #tpu.memory_space<vmem>>) offsets(%dma_start3A_225 : memref<128xi32, #tpu.memory_space<vmem>>) semaphore(%arg15 : memref<!tpu.dma_semaphore, #tpu.memory_space<semaphore_mem>>)
        } else {
        }
        %dma_wait3A_189 = arith.constant 3 : i32
        %dma_wait3A_190 = arith.constant 0 : i32
        %dma_wait3A_191 = tpu.memref_slice %arg12[%dma_wait3A_189, %dma_wait3A_190] : memref<8x128xi32, #tpu.memory_space<vmem>> -> memref<1x128xi32, #tpu.memory_space<vmem>>
        %dma_wait3A_192 = tpu.memref_squeeze %dma_wait3A_191 : memref<1x128xi32, #tpu.memory_space<vmem>> -> memref<128xi32, #tpu.memory_space<vmem>>
        %dma_wait3A_193 = arith.constant 0 : i32
        %dma_wait3A_194 = arith.constant 0 : i32
        %dma_wait3A_195 = tpu.memref_slice %arg2[%dma_wait3A_193, %dma_wait3A_194] : memref<10000x128xf32, #tpu.memory_space<hbm>> -> memref<10000x128xf32, #tpu.memory_space<hbm>>
        tpu.wait_indirect_dma semaphore(%arg16 : memref<!tpu.dma_semaphore, #tpu.memory_space<semaphore_mem>>) src(%dma_wait3A_195 : memref<10000x128xf32, #tpu.memory_space<hbm>>) dst(%arg14 : memref<128x128xf32, #tpu.memory_space<vmem>>)
        %run_scoped3A_196 = arith.constant 7 : i32
        "tpu.region"() ({
          %run_scoped3A_212 = tpu.sem_alloc : memref<!tpu.dma_semaphore, #tpu.memory_space<semaphore_mem>>
          %dma_start3A_213 = arith.constant 0 : i32
          %dma_start3A_214 = tpu.memref_slice %arg12[%run_scoped3A_196, %dma_start3A_213] : memref<8x128xi32, #tpu.memory_space<vmem>> -> memref<1x128xi32, #tpu.memory_space<vmem>>
          %dma_start3A_215 = tpu.memref_squeeze %dma_start3A_214 : memref<1x128xi32, #tpu.memory_space<vmem>> -> memref<128xi32, #tpu.memory_space<vmem>>
          %dma_start3A_216 = arith.constant 0 : i32
          %dma_start3A_217 = arith.constant 0 : i32
          %dma_start3A_218 = tpu.memref_slice %arg8[%dma_start3A_216, %dma_start3A_217] : memref<10240x128xf32, #tpu.memory_space<vmem_shared>> -> memref<10240x128xf32, #tpu.memory_space<vmem_shared>>
          tpu.enqueue_indirect_dma source(%arg14 : memref<128x128xf32, #tpu.memory_space<vmem>>) target(%dma_start3A_218 : memref<10240x128xf32, #tpu.memory_space<vmem_shared>>) offsets(%dma_start3A_215 : memref<128xi32, #tpu.memory_space<vmem>>) semaphore(%run_scoped3A_212 : memref<!tpu.dma_semaphore, #tpu.memory_space<semaphore_mem>>) {add = true}
          %dma_wait3A_219 = arith.constant 0 : i32
          %dma_wait3A_220 = tpu.memref_slice %arg12[%run_scoped3A_196, %dma_wait3A_219] : memref<8x128xi32, #tpu.memory_space<vmem>> -> memref<1x128xi32, #tpu.memory_space<vmem>>
          %dma_wait3A_221 = tpu.memref_squeeze %dma_wait3A_220 : memref<1x128xi32, #tpu.memory_space<vmem>> -> memref<128xi32, #tpu.memory_space<vmem>>
          %dma_wait3A_222 = arith.constant 0 : i32
          %dma_wait3A_223 = arith.constant 0 : i32
          %dma_wait3A_224 = tpu.memref_slice %arg8[%dma_wait3A_222, %dma_wait3A_223] : memref<10240x128xf32, #tpu.memory_space<vmem_shared>> -> memref<10240x128xf32, #tpu.memory_space<vmem_shared>>
          tpu.wait_indirect_dma semaphore(%run_scoped3A_212 : memref<!tpu.dma_semaphore, #tpu.memory_space<semaphore_mem>>) src(%arg14 : memref<128x128xf32, #tpu.memory_space<vmem>>) dst(%dma_wait3A_224 : memref<10240x128xf32, #tpu.memory_space<vmem_shared>>)
          tpu.yield
        }) : () -> ()
        %run_scoped3A_197 = arith.constant 7 : i32
        "tpu.region"() ({
          %run_scoped3A_212 = tpu.sem_alloc : memref<!tpu.dma_semaphore, #tpu.memory_space<semaphore_mem>>
          %dma_start3A_213 = arith.constant 0 : i32
          %dma_start3A_214 = tpu.memref_slice %arg12[%run_scoped3A_197, %dma_start3A_213] : memref<8x128xi32, #tpu.memory_space<vmem>> -> memref<1x128xi32, #tpu.memory_space<vmem>>
          %dma_start3A_215 = tpu.memref_squeeze %dma_start3A_214 : memref<1x128xi32, #tpu.memory_space<vmem>> -> memref<128xi32, #tpu.memory_space<vmem>>
          %dma_start3A_216 = arith.constant 0 : i32
          %dma_start3A_217 = tpu.memref_slice %arg21[%dma_start3A_216] : memref<10240xf32, #tpu.memory_space<vmem_shared>> -> memref<10240xf32, #tpu.memory_space<vmem_shared>>
          tpu.enqueue_indirect_dma source(%arg19 : memref<128xf32, #tpu.memory_space<vmem>>) target(%dma_start3A_217 : memref<10240xf32, #tpu.memory_space<vmem_shared>>) offsets(%dma_start3A_215 : memref<128xi32, #tpu.memory_space<vmem>>) semaphore(%run_scoped3A_212 : memref<!tpu.dma_semaphore, #tpu.memory_space<semaphore_mem>>) {add = true}
          %dma_wait3A_218 = arith.constant 0 : i32
          %dma_wait3A_219 = tpu.memref_slice %arg12[%run_scoped3A_197, %dma_wait3A_218] : memref<8x128xi32, #tpu.memory_space<vmem>> -> memref<1x128xi32, #tpu.memory_space<vmem>>
          %dma_wait3A_220 = tpu.memref_squeeze %dma_wait3A_219 : memref<1x128xi32, #tpu.memory_space<vmem>> -> memref<128xi32, #tpu.memory_space<vmem>>
          %dma_wait3A_221 = arith.constant 0 : i32
          %dma_wait3A_222 = tpu.memref_slice %arg21[%dma_wait3A_221] : memref<10240xf32, #tpu.memory_space<vmem_shared>> -> memref<10240xf32, #tpu.memory_space<vmem_shared>>
          tpu.wait_indirect_dma semaphore(%run_scoped3A_212 : memref<!tpu.dma_semaphore, #tpu.memory_space<semaphore_mem>>) src(%arg19 : memref<128xf32, #tpu.memory_space<vmem>>) dst(%dma_wait3A_222 : memref<10240xf32, #tpu.memory_space<vmem_shared>>)
          tpu.yield
        }) : () -> ()
        %add3A_198 = arith.constant 1 : i32
        %add3A_199 = arith.addi %add3A_140, %add3A_198 : i32
        %lt3A_200 = arith.constant 28 : i32
        %lt3A_201 = arith.cmpi slt, %add3A_199, %lt3A_200 : i32
        %convert_element_type3A_202 = arith.extui %lt3A_201 : i1 to i32
        %cond3A_203 = arith.constant 0 : i32
        %cond3A_204 = arith.cmpi ne, %convert_element_type3A_202, %cond3A_203 : i32
        scf.if %cond3A_204 {
          %dma_start3A_212 = arith.constant 1 : i32
          %dma_start3A_213 = arith.constant 0 : i32
          %dma_start3A_214 = tpu.memref_slice %arg11[%dma_start3A_212, %dma_start3A_213] : memref<8x128xi32, #tpu.memory_space<vmem>> -> memref<1x128xi32, #tpu.memory_space<vmem>>
          %dma_start3A_215 = tpu.memref_squeeze %dma_start3A_214 : memref<1x128xi32, #tpu.memory_space<vmem>> -> memref<128xi32, #tpu.memory_space<vmem>>
          %dma_start3A_216 = arith.constant 0 : i32
          %dma_start3A_217 = arith.constant 0 : i32
          %dma_start3A_218 = tpu.memref_slice %arg2[%dma_start3A_216, %dma_start3A_217] : memref<10000x128xf32, #tpu.memory_space<hbm>> -> memref<10000x128xf32, #tpu.memory_space<hbm>>
          tpu.enqueue_indirect_dma source(%dma_start3A_218 : memref<10000x128xf32, #tpu.memory_space<hbm>>) target(%arg14 : memref<128x128xf32, #tpu.memory_space<vmem>>) offsets(%dma_start3A_215 : memref<128xi32, #tpu.memory_space<vmem>>) semaphore(%arg16 : memref<!tpu.dma_semaphore, #tpu.memory_space<semaphore_mem>>)
        } else {
        }
        %add3A_205 = arith.constant 2 : i32
        %add3A_206 = arith.addi %add3A_140, %add3A_205 : i32
        %lt3A_207 = arith.constant 28 : i32
        %lt3A_208 = arith.cmpi slt, %add3A_206, %lt3A_207 : i32
        %convert_element_type3A_209 = arith.extui %lt3A_208 : i1 to i32
        %cond3A_210 = arith.constant 0 : i32
        %cond3A_211 = arith.cmpi ne, %convert_element_type3A_209, %cond3A_210 : i32
        scf.if %cond3A_211 {
          %add3A_212 = arith.constant 2 : i32
          %add3A_213 = arith.addi %add3A_140, %add3A_212 : i32
          %dma_start3A_214 = arith.constant 0 : i32
          %dma_start3A_215 = arith.constant 0 : i32
          %dma_start3A_216 = tpu.memref_slice %arg5[%arg1, %add3A_213, %dma_start3A_214, %dma_start3A_215] : memref<16x28x8x128xi32, #tpu.memory_space<hbm>> -> memref<1x1x8x128xi32, #tpu.memory_space<hbm>>
          %dma_start3A_217 = tpu.memref_squeeze %dma_start3A_216 : memref<1x1x8x128xi32, #tpu.memory_space<hbm>> -> memref<8x128xi32, #tpu.memory_space<hbm>>
          %dma_start3A_218 = arith.constant 0 : i32
          %dma_start3A_219 = arith.constant 0 : i32
          %dma_start3A_220 = tpu.memref_slice %arg5[%arg1, %add3A_213, %dma_start3A_218, %dma_start3A_219] : memref<16x28x8x128xi32, #tpu.memory_space<hbm>> -> memref<1x1x8x128xi32, #tpu.memory_space<hbm>>
          %dma_start3A_221 = tpu.memref_squeeze %dma_start3A_220 : memref<1x1x8x128xi32, #tpu.memory_space<hbm>> -> memref<8x128xi32, #tpu.memory_space<hbm>>
          tpu.enqueue_dma source(%dma_start3A_221 : memref<8x128xi32, #tpu.memory_space<hbm>>) target(%arg12 : memref<8x128xi32, #tpu.memory_space<vmem>>) target_semaphore(%arg18 : memref<!tpu.dma_semaphore, #tpu.memory_space<semaphore_mem>>)
        } else {
        }
      }
      %scan3A_65 = arith.constant 14 : i32
    } else {
    }
    %barrier3A_30 = arith.constant 0 : index
    tpu.barrier barrier_id(%barrier3A_30)
    %mul3A_31 = arith.constant 640 : i32
    %mul3A_32 = arith.muli %arg1, %mul3A_31 : i32
    %mul3A_33 = arith.constant 640 : i32
    %mul3A_34 = arith.muli %arg1, %mul3A_33 : i32
    "tpu.region"() ({
      %run_scoped3A = tpu.sem_alloc : memref<!tpu.dma_semaphore, #tpu.memory_space<semaphore_mem>>
      %dma_start3A = arith.constant 0 : i32
      %dma_start3A_39 = tpu.memref_slice %arg6[%arg0, %mul3A_34, %dma_start3A] : memref<2x10240x128xf32, #tpu.memory_space<hbm>> -> memref<1x640x128xf32, #tpu.memory_space<hbm>>
      %dma_start3A_40 = tpu.memref_squeeze %dma_start3A_39 : memref<1x640x128xf32, #tpu.memory_space<hbm>> -> memref<640x128xf32, #tpu.memory_space<hbm>>
      %dma_start3A_41 = arith.constant 0 : i32
      %dma_start3A_42 = tpu.memref_slice %arg8[%mul3A_32, %dma_start3A_41] : memref<10240x128xf32, #tpu.memory_space<vmem_shared>> -> memref<640x128xf32, #tpu.memory_space<vmem_shared>>
      tpu.enqueue_dma source(%dma_start3A_42 : memref<640x128xf32, #tpu.memory_space<vmem_shared>>) target(%dma_start3A_40 : memref<640x128xf32, #tpu.memory_space<hbm>>) target_semaphore(%run_scoped3A : memref<!tpu.dma_semaphore, #tpu.memory_space<semaphore_mem>>)
      %dma_wait3A = arith.constant 0 : i32
      %dma_wait3A_43 = tpu.memref_slice %arg6[%arg0, %mul3A_34, %dma_wait3A] : memref<2x10240x128xf32, #tpu.memory_space<hbm>> -> memref<1x640x128xf32, #tpu.memory_space<hbm>>
      %dma_wait3A_44 = tpu.memref_squeeze %dma_wait3A_43 : memref<1x640x128xf32, #tpu.memory_space<hbm>> -> memref<640x128xf32, #tpu.memory_space<hbm>>
      %dma_wait3A_45 = arith.constant 0 : i32
      %dma_wait3A_46 = tpu.memref_slice %arg8[%mul3A_32, %dma_wait3A_45] : memref<10240x128xf32, #tpu.memory_space<vmem_shared>> -> memref<640x128xf32, #tpu.memory_space<vmem_shared>>
      tpu.wait_dma2 semaphore(%run_scoped3A : memref<!tpu.dma_semaphore, #tpu.memory_space<semaphore_mem>>) src(%dma_wait3A_46 : memref<640x128xf32, #tpu.memory_space<vmem_shared>>) dst(%dma_wait3A_44 : memref<640x128xf32, #tpu.memory_space<hbm>>)
      tpu.yield
    }) : () -> ()
    %mul3A_35 = arith.constant 640 : i32
    %mul3A_36 = arith.muli %arg1, %mul3A_35 : i32
    %mul3A_37 = arith.constant 640 : i32
    %mul3A_38 = arith.muli %arg1, %mul3A_37 : i32
    "tpu.region"() ({
      %run_scoped3A = tpu.sem_alloc : memref<!tpu.dma_semaphore, #tpu.memory_space<semaphore_mem>>
      %dma_start3A = tpu.memref_slice %arg7[%arg0, %mul3A_38] : memref<2x10240xf32, #tpu.memory_space<hbm>> -> memref<1x640xf32, #tpu.memory_space<hbm>>
      %dma_start3A_39 = tpu.memref_squeeze %dma_start3A : memref<1x640xf32, #tpu.memory_space<hbm>> -> memref<640xf32, #tpu.memory_space<hbm>>
      %dma_start3A_40 = tpu.memref_slice %arg21[%mul3A_36] : memref<10240xf32, #tpu.memory_space<vmem_shared>> -> memref<640xf32, #tpu.memory_space<vmem_shared>>
      tpu.enqueue_dma source(%dma_start3A_40 : memref<640xf32, #tpu.memory_space<vmem_shared>>) target(%dma_start3A_39 : memref<640xf32, #tpu.memory_space<hbm>>) target_semaphore(%run_scoped3A : memref<!tpu.dma_semaphore, #tpu.memory_space<semaphore_mem>>)
      %dma_wait3A = tpu.memref_slice %arg7[%arg0, %mul3A_38] : memref<2x10240xf32, #tpu.memory_space<hbm>> -> memref<1x640xf32, #tpu.memory_space<hbm>>
      %dma_wait3A_41 = tpu.memref_squeeze %dma_wait3A : memref<1x640xf32, #tpu.memory_space<hbm>> -> memref<640xf32, #tpu.memory_space<hbm>>
      %dma_wait3A_42 = tpu.memref_slice %arg21[%mul3A_36] : memref<10240xf32, #tpu.memory_space<vmem_shared>> -> memref<640xf32, #tpu.memory_space<vmem_shared>>
      tpu.wait_dma2 semaphore(%run_scoped3A : memref<!tpu.dma_semaphore, #tpu.memory_space<semaphore_mem>>) src(%dma_wait3A_42 : memref<640xf32, #tpu.memory_space<vmem_shared>>) dst(%dma_wait3A_41 : memref<640xf32, #tpu.memory_space<hbm>>)
      tpu.yield
    }) : () -> ()
    return
  }
}

module attributes {stable_mosaic.version = 14 : i64} {
  func.func @body(%arg0: i32, %arg1: memref<2x512x128xf32, #tpu.memory_space<vmem>>, %arg2: memref<2x512x1xf32, #tpu.memory_space<vmem>>, %arg3: memref<128x128xf32, #tpu.memory_space<vmem>>, %arg4: memref<1x128xf32, #tpu.memory_space<vmem>>, %arg5: memref<512x128xf32, #tpu.memory_space<vmem>>) attributes {dimension_semantics = [#tpu.dimension_semantics<arbitrary>], iteration_bounds = array<i64: 20>, scalar_prefetch = 0 : i64, scratch_operands = 0 : i64, tpu.core_type = #tpu.core_type<tc>, window_params = [{transform_indices = @transform_0, window_bounds = array<i64: 2, 512, 128>}, {transform_indices = @transform_1, window_bounds = array<i64: 2, 512, 1>}, {pipeline_mode = #tpu.pipeline_mode<synchronous>, transform_indices = @transform_2, window_bounds = array<i64: 128, 128>}, {pipeline_mode = #tpu.pipeline_mode<synchronous>, transform_indices = @transform_3, window_bounds = array<i64: 1, 128>}, {transform_indices = @transform_4, window_bounds = array<i64: 512, 128>}]} {
    %get3A = arith.constant 0 : index
    %get3A_0 = arith.constant 0 : index
    %get3A_1 = arith.constant 0 : index
    %get3A_2 = vector.load %arg1[%get3A, %get3A_0, %get3A_1] : memref<2x512x128xf32, #tpu.memory_space<vmem>>, vector<1x512x128xf32>
    %get3A_3 = vector.shape_cast %get3A_2 : vector<1x512x128xf32> to vector<512x128xf32>
    %get3A_4 = arith.constant 1 : index
    %get3A_5 = arith.constant 0 : index
    %get3A_6 = arith.constant 0 : index
    %get3A_7 = vector.load %arg1[%get3A_4, %get3A_5, %get3A_6] : memref<2x512x128xf32, #tpu.memory_space<vmem>>, vector<1x512x128xf32>
    %get3A_8 = vector.shape_cast %get3A_7 : vector<1x512x128xf32> to vector<512x128xf32>
    %add3A = arith.addf %get3A_3, %get3A_8 : vector<512x128xf32>
    %get3A_9 = arith.constant 0 : index
    %get3A_10 = arith.constant 0 : index
    %get3A_11 = arith.constant 0 : index
    %get3A_12 = vector.load %arg2[%get3A_9, %get3A_10, %get3A_11] : memref<2x512x1xf32, #tpu.memory_space<vmem>>, vector<1x512x1xf32>
    %get3A_13 = vector.shape_cast %get3A_12 : vector<1x512x1xf32> to vector<512x1xf32>
    %get3A_14 = arith.constant 1 : index
    %get3A_15 = arith.constant 0 : index
    %get3A_16 = arith.constant 0 : index
    %get3A_17 = vector.load %arg2[%get3A_14, %get3A_15, %get3A_16] : memref<2x512x1xf32, #tpu.memory_space<vmem>>, vector<1x512x1xf32>
    %get3A_18 = vector.shape_cast %get3A_17 : vector<1x512x1xf32> to vector<512x1xf32>
    %add3A_19 = arith.addf %get3A_13, %get3A_18 : vector<512x1xf32>
    %max3A = arith.constant 1.000000e+00 : f32
    %max3A_20 = vector.broadcast %max3A : f32 to vector<512x1xf32>
    %max3A_21 = arith.maximumf %add3A_19, %max3A_20 : vector<512x1xf32>
    %div3A = arith.constant 1.000000e+00 : f32
    %div3A_22 = vector.broadcast %div3A : f32 to vector<512x1xf32>
    %div3A_23 = arith.divf %div3A_22, %max3A_21 : vector<512x1xf32>
    %get3A_24 = arith.constant 0 : index
    %get3A_25 = arith.constant 0 : index
    %get3A_26 = vector.load %arg3[%get3A_24, %get3A_25] : memref<128x128xf32, #tpu.memory_space<vmem>>, vector<128x128xf32>
    %dot_general3A = arith.constant dense<0.000000e+00> : vector<512x128xf32>
    %dot_general3A_27 = tpu.matmul %add3A, %get3A_26, %dot_general3A {dimension_numbers = #tpu.dot_dimension_numbers<[1], [0], [0], [1], [0, 0, 1, 1], [], []>, transpose_lhs_hint = false} : vector<512x128xf32>, vector<128x128xf32>, vector<512x128xf32> -> vector<512x128xf32>
    %get3A_28 = arith.constant 0 : index
    %get3A_29 = arith.constant 0 : index
    %get3A_30 = vector.load %arg4[%get3A_28, %get3A_29] : memref<1x128xf32, #tpu.memory_space<vmem>>, vector<1x128xf32>
    %mul3A = vector.broadcast %add3A_19 : vector<512x1xf32> to vector<512x128xf32>
    %mul3A_31 = vector.broadcast %get3A_30 : vector<1x128xf32> to vector<512x128xf32>
    %mul3A_32 = arith.mulf %mul3A, %mul3A_31 : vector<512x128xf32>
    %add3A_33 = arith.addf %dot_general3A_27, %mul3A_32 : vector<512x128xf32>
    %mul3A_34 = vector.broadcast %div3A_23 : vector<512x1xf32> to vector<512x128xf32>
    %mul3A_35 = arith.mulf %add3A_33, %mul3A_34 : vector<512x128xf32>
    %max3A_36 = arith.constant 0.000000e+00 : f32
    %max3A_37 = vector.broadcast %max3A_36 : f32 to vector<512x128xf32>
    %max3A_38 = arith.maximumf %mul3A_35, %max3A_37 : vector<512x128xf32>
    %swap3A = arith.constant 0 : index
    %swap3A_39 = arith.constant 0 : index
    %swap3A_40 = vector.load %arg5[%swap3A, %swap3A_39] : memref<512x128xf32, #tpu.memory_space<vmem>>, vector<512x128xf32>
    tpu.vector_store %arg5[%swap3A, %swap3A_39], %max3A_38 {strides = array<i32>} : memref<512x128xf32, #tpu.memory_space<vmem>>, vector<512x128xf32>,
    return
  }
  func.func @transform_0(%arg0: i32) -> (i32, i32, i32) {
    %c0_i32 = arith.constant 0 : i32
    %c0_i32_0 = arith.constant 0 : i32
    %c0_i32_1 = arith.constant 0 : i32
    return %c0_i32, %arg0, %c0_i32_0 : i32, i32, i32
  }
  func.func @transform_1(%arg0: i32) -> (i32, i32, i32) {
    %c0_i32 = arith.constant 0 : i32
    %c0_i32_0 = arith.constant 0 : i32
    %c0_i32_1 = arith.constant 0 : i32
    return %c0_i32, %arg0, %c0_i32_0 : i32, i32, i32
  }
  func.func @transform_2(%arg0: i32) -> (i32, i32) {
    %c0_i32 = arith.constant 0 : i32
    %c0_i32_0 = arith.constant 0 : i32
    %c0_i32_1 = arith.constant 0 : i32
    return %c0_i32, %c0_i32_0 : i32, i32
  }
  func.func @transform_3(%arg0: i32) -> (i32, i32) {
    %c0_i32 = arith.constant 0 : i32
    %c0_i32_0 = arith.constant 0 : i32
    %c0_i32_1 = arith.constant 0 : i32
    return %c0_i32, %c0_i32_0 : i32, i32
  }
  func.func @transform_4(%arg0: i32) -> (i32, i32) {
    %c0_i32 = arith.constant 0 : i32
    %c0_i32_0 = arith.constant 0 : i32
    return %arg0, %c0_i32 : i32, i32
  }
}

module attributes {stable_mosaic.version = 14 : i64} {
  func.func @body(%arg0: i32, %arg1: memref<2x512x128xf32, #tpu.memory_space<vmem>>, %arg2: memref<2x512x1xf32, #tpu.memory_space<vmem>>, %arg3: memref<128x64xf32, #tpu.memory_space<vmem>>, %arg4: memref<1x64xf32, #tpu.memory_space<vmem>>, %arg5: memref<512x64xf32, #tpu.memory_space<vmem>>) attributes {dimension_semantics = [#tpu.dimension_semantics<arbitrary>], iteration_bounds = array<i64: 20>, scalar_prefetch = 0 : i64, scratch_operands = 0 : i64, tpu.core_type = #tpu.core_type<tc>, window_params = [{transform_indices = @transform_0, window_bounds = array<i64: 2, 512, 128>}, {transform_indices = @transform_1, window_bounds = array<i64: 2, 512, 1>}, {pipeline_mode = #tpu.pipeline_mode<synchronous>, transform_indices = @transform_2, window_bounds = array<i64: 128, 64>}, {pipeline_mode = #tpu.pipeline_mode<synchronous>, transform_indices = @transform_3, window_bounds = array<i64: 1, 64>}, {transform_indices = @transform_4, window_bounds = array<i64: 512, 64>}]} {
    %get3A = arith.constant 0 : index
    %get3A_0 = arith.constant 0 : index
    %get3A_1 = arith.constant 0 : index
    %get3A_2 = vector.load %arg1[%get3A, %get3A_0, %get3A_1] : memref<2x512x128xf32, #tpu.memory_space<vmem>>, vector<1x512x128xf32>
    %get3A_3 = vector.shape_cast %get3A_2 : vector<1x512x128xf32> to vector<512x128xf32>
    %get3A_4 = arith.constant 1 : index
    %get3A_5 = arith.constant 0 : index
    %get3A_6 = arith.constant 0 : index
    %get3A_7 = vector.load %arg1[%get3A_4, %get3A_5, %get3A_6] : memref<2x512x128xf32, #tpu.memory_space<vmem>>, vector<1x512x128xf32>
    %get3A_8 = vector.shape_cast %get3A_7 : vector<1x512x128xf32> to vector<512x128xf32>
    %add3A = arith.addf %get3A_3, %get3A_8 : vector<512x128xf32>
    %get3A_9 = arith.constant 0 : index
    %get3A_10 = arith.constant 0 : index
    %get3A_11 = arith.constant 0 : index
    %get3A_12 = vector.load %arg2[%get3A_9, %get3A_10, %get3A_11] : memref<2x512x1xf32, #tpu.memory_space<vmem>>, vector<1x512x1xf32>
    %get3A_13 = vector.shape_cast %get3A_12 : vector<1x512x1xf32> to vector<512x1xf32>
    %get3A_14 = arith.constant 1 : index
    %get3A_15 = arith.constant 0 : index
    %get3A_16 = arith.constant 0 : index
    %get3A_17 = vector.load %arg2[%get3A_14, %get3A_15, %get3A_16] : memref<2x512x1xf32, #tpu.memory_space<vmem>>, vector<1x512x1xf32>
    %get3A_18 = vector.shape_cast %get3A_17 : vector<1x512x1xf32> to vector<512x1xf32>
    %add3A_19 = arith.addf %get3A_13, %get3A_18 : vector<512x1xf32>
    %max3A = arith.constant 1.000000e+00 : f32
    %max3A_20 = vector.broadcast %max3A : f32 to vector<512x1xf32>
    %max3A_21 = arith.maximumf %add3A_19, %max3A_20 : vector<512x1xf32>
    %div3A = arith.constant 1.000000e+00 : f32
    %div3A_22 = vector.broadcast %div3A : f32 to vector<512x1xf32>
    %div3A_23 = arith.divf %div3A_22, %max3A_21 : vector<512x1xf32>
    %get3A_24 = arith.constant 0 : index
    %get3A_25 = arith.constant 0 : index
    %get3A_26 = vector.load %arg3[%get3A_24, %get3A_25] : memref<128x64xf32, #tpu.memory_space<vmem>>, vector<128x64xf32>
    %dot_general3A = arith.constant dense<0.000000e+00> : vector<512x64xf32>
    %dot_general3A_27 = tpu.matmul %add3A, %get3A_26, %dot_general3A {dimension_numbers = #tpu.dot_dimension_numbers<[1], [0], [0], [1], [0, 0, 1, 1], [], []>, transpose_lhs_hint = false} : vector<512x128xf32>, vector<128x64xf32>, vector<512x64xf32> -> vector<512x64xf32>
    %get3A_28 = arith.constant 0 : index
    %get3A_29 = arith.constant 0 : index
    %get3A_30 = vector.load %arg4[%get3A_28, %get3A_29] : memref<1x64xf32, #tpu.memory_space<vmem>>, vector<1x64xf32>
    %mul3A = vector.broadcast %add3A_19 : vector<512x1xf32> to vector<512x64xf32>
    %mul3A_31 = vector.broadcast %get3A_30 : vector<1x64xf32> to vector<512x64xf32>
    %mul3A_32 = arith.mulf %mul3A, %mul3A_31 : vector<512x64xf32>
    %add3A_33 = arith.addf %dot_general3A_27, %mul3A_32 : vector<512x64xf32>
    %mul3A_34 = vector.broadcast %div3A_23 : vector<512x1xf32> to vector<512x64xf32>
    %mul3A_35 = arith.mulf %add3A_33, %mul3A_34 : vector<512x64xf32>
    %reduce_max3A = arith.constant dense<0xFF800000> : vector<512xf32>
    %reduce_max3A_36 = vector.multi_reduction <maximumf>, %mul3A_35, %reduce_max3A [1] : vector<512x64xf32> to vector<512xf32>
    %broadcast_in_dim3A = vector.shape_cast %reduce_max3A_36 : vector<512xf32> to vector<512x1xf32>
    %sub3A = vector.broadcast %broadcast_in_dim3A : vector<512x1xf32> to vector<512x64xf32>
    %sub3A_37 = arith.subf %mul3A_35, %sub3A : vector<512x64xf32>
    %exp3A = math.exp %sub3A_37 : vector<512x64xf32>
    %reduce_sum3A = arith.constant dense<0.000000e+00> : vector<512xf32>
    %reduce_sum3A_38 = vector.multi_reduction <add>, %exp3A, %reduce_sum3A [1] : vector<512x64xf32> to vector<512xf32>
    %broadcast_in_dim3A_39 = vector.shape_cast %reduce_sum3A_38 : vector<512xf32> to vector<512x1xf32>
    %log3A = math.log %broadcast_in_dim3A_39 : vector<512x1xf32>
    %sub3A_40 = vector.broadcast %broadcast_in_dim3A : vector<512x1xf32> to vector<512x64xf32>
    %sub3A_41 = arith.subf %mul3A_35, %sub3A_40 : vector<512x64xf32>
    %sub3A_42 = vector.broadcast %log3A : vector<512x1xf32> to vector<512x64xf32>
    %sub3A_43 = arith.subf %sub3A_41, %sub3A_42 : vector<512x64xf32>
    %swap3A = arith.constant 0 : index
    %swap3A_44 = arith.constant 0 : index
    %swap3A_45 = vector.load %arg5[%swap3A, %swap3A_44] : memref<512x64xf32, #tpu.memory_space<vmem>>, vector<512x64xf32>
    tpu.vector_store %arg5[%swap3A, %swap3A_44], %sub3A_43 {strides = array<i32>} : memref<512x64xf32, #tpu.memory_space<vmem>>, vector<512x64xf32>,
    return
  }
  func.func @transform_0(%arg0: i32) -> (i32, i32, i32) {
    %c0_i32 = arith.constant 0 : i32
    %c0_i32_0 = arith.constant 0 : i32
    %c0_i32_1 = arith.constant 0 : i32
    return %c0_i32, %arg0, %c0_i32_0 : i32, i32, i32
  }
  func.func @transform_1(%arg0: i32) -> (i32, i32, i32) {
    %c0_i32 = arith.constant 0 : i32
    %c0_i32_0 = arith.constant 0 : i32
    %c0_i32_1 = arith.constant 0 : i32
    return %c0_i32, %arg0, %c0_i32_0 : i32, i32, i32
  }
  func.func @transform_2(%arg0: i32) -> (i32, i32) {
    %c0_i32 = arith.constant 0 : i32
    %c0_i32_0 = arith.constant 0 : i32
    %c0_i32_1 = arith.constant 0 : i32
    return %c0_i32, %c0_i32_0 : i32, i32
  }
  func.func @transform_3(%arg0: i32) -> (i32, i32) {
    %c0_i32 = arith.constant 0 : i32
    %c0_i32_0 = arith.constant 0 : i32
    %c0_i32_1 = arith.constant 0 : i32
    return %c0_i32, %c0_i32_0 : i32, i32
  }
  func.func @transform_4(%arg0: i32) -> (i32, i32) {
    %c0_i32 = arith.constant 0 : i32
    %c0_i32_0 = arith.constant 0 : i32
    return %arg0, %c0_i32 : i32, i32
  }
}

</mosaic_0001>

<sc_bundles>
// kernel: kernel.6.cloned.1.call-start
scs
__scs_entry_jumppad:
0x0: {  	(pc) =	sbr.rel $0x88, $3  }
0x1: {  	(tag) =	ssettag $0x0;
	lr =	simm.s32 $0x1  }
0x2: {  	[smem:$0x3F9B] =	sst lr;
	_ =	strace $0xD0000000  }
0x3: {  	_ = 	snop  }
0x4: {  	_ = 	snop  }
0x5: {  	_ = 	snop  }
0x6: {  	_ = 	snop  }
0x7: {  	_ = 	snop  }
__scs_overlays_trampoline_lowered:
0x8: {  	[smem:$0x3FAA] =	sst s0  }
0x9: {  	[smem:$0x3FAB] =	sst s1  }
0xa: {  	[smem:$0x3FAC] =	sst s2  }
0xb: {  	[smem:$0x3FAD] =	sst s3  }
0xc: {  	[smem:$0x3FAE] =	sst s4  }
0xd: {  	[smem:$0x3FAF] =	sst s5  }
0xe: {  	[smem:$0x3FB0] =	sst s6  }
0xf: {  	[smem:$0x3FB1] =	sst s7  }
0x10: {  	[smem:$0x3FB2] =	sst s8  }
0x11: {  	[smem:$0x3FB3] =	sst s9;
	s0 =	simm.s32 @!p0 $0x0  }
0x12: {  	s1 =	sld [smem:$0x3F99];
	s0 =	simm.s32 @p0 $0x1  }
0x13: {  	[smem:$0x3FB4] =	sst s0;
	s0 =	simm.s32 @!p1 $0x0  }
0x14: {  	s2 =	sld [smem:$0x3F98];
	s0 =	simm.s32 @p1 $0x1  }
0x15: {  	[smem:$0x3FB5] =	sst s0;
	s0 =	simm.s32 @!p2 $0x0  }
0x16: {  	s3 =	sld [smem:$0x3FDB];
	s0 =	simm.s32 @p2 $0x1  }
0x17: {  	s4 =	simm.s32 $0x1BF5;
	[smem:$0x3FB7] =	sst s0  }
0x18: {  	s0 =	sld [smem:$0x3F9A];
	_ =	swait.ge [sflag:s4], $0x0  }
0x19: {  	s7 =	sld [smem:$0x3F9B]  }
0x1a: {  	s8 =	sadd.s32 $0xFFFFE003, lr  }
0x1b: {  	s9 =	sadd.s32 $0xFFFFFEF7, lr;
	s5 =	simm.s32 $0xFFFFFFFF;
	p2 =	slt.u32 s8, $0xFFFFF086  }
0x1c: {  	p1 =	slt.u32 s9, $0xF7A;
	s5 =	simm.s32 @!p2 $0x0  }
0x1d: {  	s5 =	simm.s32 @p1 $0x1;
	p0 =	seq.s32 s7, s2  }
0x1e: {  	s7 =	smul.u32 @!p0 $0xF7A, s2;
	p2 =	seq.s32 @!p0 s5, $0x0  }
0x1f: {  	s9 =	smul.u32 $0xF7A, s1;
	s8 =	simm.s32 @!p0 $0x1BF5;
	p2 =	por !p2, p0  }
0x20: {  	[sflag:s8] =	ssyncset.s32 @!p0 $0xFFFFF086;
	s6 =	sadd.s32 @!p0 s3, s7;
	s7 =	simm.s32 @!p0 $0x108  }
0x21: {  	s3 =	sadd.s32 s3, s9;
	s6 =	sadd.s32 @!p0 $0x88, s6;
	s7 =	simm.s32 @p2 $0x1082  }
0x22: {  	[simem:s7], [sflag:s8] =	dma.local @!p0 [hbm:s6], $0xF7A  }
0x23: {  	s9 =	sor.u32 $0xD0000000, s2;
	s6 =	simm.s32 $0x108;
	_ =	swait.ge @!p0 [sflag:s8], $0x0  }
0x24: {  	s3 =	sadd.s32 $0x88, s3;
	s6 =	simm.s32 @!p1 $0x1082;
	[sflag:s4] =	ssyncset.s32 $0xFFFFF086  }
0x25: {  	[simem:s6], [sflag:s4] =	dma.local [hbm:s3], $0xF7A  }
0x26: {  	[smem:$0x3F9B] =	sst s1;
	(tag) =	ssettag s2;
	_ =	strace s9  }
0x27: {  	s1 =	sld [smem:$0x3FAB]  }
0x28: {  	s2 =	sld [smem:$0x3FAC]  }
0x29: {  	s4 =	sld [smem:$0x3FAE]  }
0x2a: {  	p0 =	seq.s32 s5, $0x0;
	s5 =	sld [smem:$0x3FAF]  }
0x2b: {  	s6 =	sld [smem:$0x3FB0]  }
0x2c: {  	s7 =	sld [smem:$0x3FB1]  }
0x2d: {  	s3 =	simm.s32 $0x108;
	s8 =	sld [smem:$0x3FB2]  }
0x2e: {  	s3 =	simm.s32 @!p0 $0x1082;
	s9 =	sld [smem:$0x3FB3]  }
0x2f: {  	lr =	sadd.s32 s0, s3;
	s0 =	sld [smem:$0x3FAA]  }
0x30: {  	s3 =	sld [smem:$0x3FAD]  }
0x31: {  	[smem:$0x3FB6] =	sst s10  }
0x32: {  	s10 =	sld [smem:$0x3FB4];
	_ =	sdelay $0x3  }
0x33: {  	p0 =	seq.s32 s10, $0x1;
	s10 =	sld [smem:$0x3FB6];
	_ =	sdelay $0x3  }
0x34: {  	[smem:$0x3FB6] =	sst s10  }
0x35: {  	s10 =	sld [smem:$0x3FB5];
	_ =	sdelay $0x3  }
0x36: {  	p1 =	seq.s32 s10, $0x1;
	s10 =	sld [smem:$0x3FB6];
	_ =	sdelay $0x3  }
0x37: {  	[smem:$0x3FB6] =	sst s10  }
0x38: {  	s10 =	sld [smem:$0x3FB7]  }
0x39: {  	_ = 	snop;
	(pc) =	sbr.ind lr, $3  }
0x3a: {  	_ = 	snop  }
0x3b: {  	_ = 	snop  }
0x3c: {  	p2 =	seq.s32 s10, $0x1;
	s10 =	sld [smem:$0x3FB6]  }
0x3d: {  	_ =	shalt  }
0x3e: {  	_ =	shalt  }
0x3f: {  	_ =	shalt  }
0x40: {  	_ =	shalt  }
0x41: {  	_ =	shalt  }
0x42: {  	_ =	shalt  }
0x43: {  	_ =	shalt  }
0x44: {  	_ =	shalt  }
0x45: {  	_ =	shalt  }
0x46: {  	_ =	shalt  }
0x47: {  	_ =	shalt  }
0x48: {  	_ =	shalt  }
0x49: {  	_ =	shalt  }
0x4a: {  	_ =	shalt  }
0x4b: {  	_ =	shalt  }
0x4c: {  	_ =	shalt  }
0x4d: {  	_ =	shalt  }
0x4e: {  	_ =	shalt  }
0x4f: {  	_ =	shalt  }
0x50: {  	_ =	shalt  }
0x51: {  	_ =	shalt  }
0x52: {  	_ =	shalt  }
0x53: {  	_ =	shalt  }
0x54: {  	_ =	shalt  }
0x55: {  	_ =	shalt  }
0x56: {  	_ =	shalt  }
0x57: {  	_ =	shalt  }
0x58: {  	_ =	shalt  }
0x59: {  	_ =	shalt  }
0x5a: {  	_ =	shalt  }
0x5b: {  	_ =	shalt  }
0x5c: {  	_ =	shalt  }
0x5d: {  	_ =	shalt  }
0x5e: {  	_ =	shalt  }
0x5f: {  	_ =	shalt  }
0x60: {  	_ =	shalt  }
0x61: {  	_ =	shalt  }
0x62: {  	_ =	shalt  }
0x63: {  	_ =	shalt  }
0x64: {  	_ =	shalt  }
0x65: {  	_ =	shalt  }
0x66: {  	_ =	shalt  }
0x67: {  	_ =	shalt  }
0x68: {  	_ =	shalt  }
0x69: {  	_ =	shalt  }
0x6a: {  	_ =	shalt  }
0x6b: {  	_ =	shalt  }
0x6c: {  	_ =	shalt  }
0x6d: {  	_ =	shalt  }
0x6e: {  	_ =	shalt  }
0x6f: {  	_ =	shalt  }
0x70: {  	_ =	shalt  }
0x71: {  	_ =	shalt  }
0x72: {  	_ =	shalt  }
0x73: {  	_ =	shalt  }
0x74: {  	_ =	shalt  }
0x75: {  	_ =	shalt  }
0x76: {  	_ =	shalt  }
0x77: {  	_ =	shalt  }
0x78: {  	_ =	shalt  }
0x79: {  	_ =	shalt  }
0x7a: {  	_ =	shalt  }
0x7b: {  	_ =	shalt  }
0x7c: {  	_ =	shalt  }
0x7d: {  	_ =	shalt  }
0x7e: {  	_ =	shalt  }
0x7f: {  	_ =	shalt  }
0x80: {  	_ =	shalt  }
0x81: {  	_ =	shalt  }
0x82: {  	_ =	shalt  }
0x83: {  	_ =	shalt  }
0x84: {  	_ =	shalt  }
0x85: {  	_ =	shalt  }
0x86: {  	_ =	shalt  }
0x87: {  	_ =	shalt  }
.Lfunc_end0:
.L_simem_size_0:
called_computation_lowered:
.L_overlay_start_0:
0x88: {  	s2 =	sld [smem:$0x3FD9]  }
0x89: {  	s3 =	sld [smem:$0x3FFE];
	_ =	sdelay $0x1  }
0x8a: {  	s1 =	srdreg.scid  }
0x8b: {  	s0 =	sand.u32 $0x1, s1  }
0x8c: {  	s17 =	sshll.u32 s0, $0xA;
	s2 =	sadd.s32 s3, s2  }
0x8d: {  	s2 =	sadd.s32 s2, s17  }
0x8e: {  	[smem:$0x3FC2] =	sst s2  }
0x8f: {  	_ = 	snop  }
0x90: {  	s2 =	sld [smem:$0x3FC9]  }
0x91: {  	s18 =	sld [smem:$0x3FD0];
	(tm) =	ssettm $0x1  }
0x92: {  	s4 =	sld [smem:$0x3FFB];
	_ =	sdelay $0x3  }
0x93: {  	_ =	strace s4  }
0x94: {  	s4 =	sld [smem:$0x3FFC];
	_ =	sdelay $0x3  }
0x95: {  	_ =	strace s4  }
0x96: {  	s4 =	sld [smem:$0x3FFD];
	_ =	sdelay $0x3  }
0x97: {  	_ =	strace s4  }
0x98: {  	_ =	strace $0x8FFFFFFF  }
0x99: {  	s19 =	sld [smem:$0x3FDB];
	_ =	sdelay $0x1  }
0x9a: {  	s5 =	simm.s32 $_scs_section_size  }
0x9b: {  	s6 =	simm.s32 $_size__tile_overlayer_lowered;
	s7 =	simm.s32 $_tile_overlayer_lowered  }
0x9c: {  	s22 =	simm.s32 $0x1BFF;
	s21 =	sshll.u32 s7, $0x1;
	s4 =	sadd.s32 s5, s19  }
0x9d: {  	s8 =	simm.s32 $0x0;
	s20 =	sshll.u32 s6, $0x1;
	s6 =	sadd.s32 s21, s4  }
0x9e: {  	[timem:s8], [sflag:s22] =	dma.local [hbm:s6], s20  }
0x9f: {  	_ =	swait.ge [sflag:s22], s20  }
0xa0: {  	s5 =	ssub.s32 $0x0, s20;
	[sflag:s22] =	ssyncset.done $0x0  }
0xa1: {  	[sflag:s22] =	ssyncadd.s32 s5;
	_ =	sdelay $0x1  }
0xa2: {  	s23 =	simm.s32 $0x1B8B  }
0xa3: {  	_ =	swait.ge [sflag:s23], $0x1  }
0xa4: {  	[sflag:s23] =	ssyncset.done $0x0  }
0xa5: {  	s25 =	simm.s32 $0x1B8E;
	s24 =	sld [smem:$0x3FFE];
	[sflag:s23] =	ssyncadd.s32 $0xFFFFFFFF  }
0xa6: {  	s26 =	simm.s32 $execute0_lowered;
	[smem:$0x3FD2] =	sst s25  }
0xa7: {  	s6 =	sshll.u32 s26, $0x1;
	_ =	strace $0x80000046;
	[dreg:$0x1] =	wrdreg $0xFFFFFFFF  }
0xa8: {  	s28 =	simm.s32 $_size_execute0_lowered;
	s4 =	sadd.s32 s4, s6;
	[dreg:$0x0] =	wrdreg $0x0  }
0xa9: {  	s6 =	sshll.u32 s28, $0x1;
	[dreg:$0x2] =	wrdreg s4  }
0xaa: {  	[dreg:$0x3] =	wrdreg s6  }
0xab: {  	[dreg:$0x4] =	wrdreg $0xC0  }
0xac: {  	_ =	task [dreg:s8], $0x5FFFF  }
0xad: {  	[dreg:$0x1] =	wrdreg $0xFFFFFFFF  }
0xae: {  	[dreg:$0x0] =	wrdreg $0x60  }
0xaf: {  	[dreg:$0x2] =	wrdreg s2  }
0xb0: {  	[dreg:$0x3] =	wrdreg s24  }
0xb1: {  	[dreg:$0x4] =	wrdreg s18  }
0xb2: {  	[dreg:$0x5] =	wrdreg $0x0  }
0xb3: {  	[dreg:$0x6] =	wrdreg $0x1FB000  }
0xb4: {  	[dreg:$0x7] =	wrdreg $0x9  }
0xb5: {  	_ =	task.clear_ibuf [dreg:s8], $0x8FFFF;
	_ =	strace $0x90000046  }
0xb6: {  	s29 =	simm.s32 $0x9;
	_ =	strace $0x80000048  }
0xb7: {  	_ =	swait.ge [sflag:s29], $0x1  }
0xb8: {  	[sflag:s29] =	ssyncadd.s32 $0xFFFFFFFF  }
0xb9: {  	_ =	strace $0x90000048  }
0xba: {  	_ =	sfence  }
0xbb: {  	s30 =	sld [smem:$0x0];
	_ =	sdelay $0x2  }
0xbc: {  	s31 =	sshll.u32 s1, $0xD;
	s1 =	sshrl.u32 s1, $0x2  }
0xbd: {  	s3 =	sand.u32 $0x4000, s31;
	s1 =	sadd.s32 s1, s30  }
0xbe: {  	s0 =	sor.u32 s3, s0;
	s1 =	sshll.u32 s1, $0x11  }
0xbf: {  	s0 =	sor.u32 s1, s0  }
0xc0: {  	s0 =	sadd.s32 $0x8F2B, s0  }
0xc1: {  	[sflag:s0] =	ssyncadd.remote.s32 $0x1  }
0xc2: {  	_ =	sfence.sel $0xFFFF  }
0xc3: {  	[dreg:$0x0] =	wrdreg $0xFFFFFFFF;
	(pc) =	sbr.abs _section_cstart, $3  }
0xc4: {  	[dreg:$0x1] =	wrdreg $0xFFFFFFFF  }
0xc5: {  	_ =	task.clear_ibuf [dreg:s8], $0x2FFFF;
	_ =	strace $0x9FFFFFFF  }
0xc6: {  	(tm) =	ssettm $0x7FFFFFFF  }
0xc7: {  	_ =	shalt  }
tec
execute0_lowered:
.L_overlay_start_1:
0x0: {  	(tag) =	ssettag $0x1  }
0x1: {  	s14 =	stileid.u32  }
0x2: {  	s1 =	rddreg [dreg:$0x0];
	s6 =	smul.u32 $0x300, s14  }
0x3: {  	s0 =	rddreg [dreg:$0x1];
	s9 =	smul.u32 $0x14000, s14  }
0x4: {  	s2 =	rddreg [dreg:$0x2];
	s10 =	smul.u32 $0x500, s14  }
0x5: {  	s4 =	srdreg.scid;
	s22 =	smul.u32 $0x50000, s14  }
0x6: {  	s3 =	rddreg [dreg:$0x3];
	s5 =	simm.s32 $0x0;
	s11 =	smul.u32 $0xA00, s14  }
0x7: {  	s7 =	sand.u32 $0x1, s4;
	s4 =	rddreg [dreg:$0x4];
	s13 =	smul.u32 $0x7000, s14  }
0x8: {  	[smem:$0x7FF] =	sst s5;
	s8 =	smul.u32 $0x140000, s7  }
0x9: {  	_ =	strace $0x80000047;
	s21 =	sshll.u32 s7, $0x7;
	s23 =	ssub.s32 $0x2, s7  }
0xa: {  	s6 =	sadd.s32 s6, s0;
	s12 =	sshrl.u32 s23, $0x1;
	s24 =	sshrl.u32 s11, $0x2  }
0xb: {  	s26 =	sshrl.u32 s13, $0x3;
	s8 =	sadd.s32 s9, s8;
	s9 =	sor.u32 s21, s10  }
0xc: {  	s10 =	sshrl.u32 s22, $0x2;
	s25 =	sadd.s32 s24, s4;
	s11 =	sadd.s32 $0x3A00, s6  }
0xd: {  	s8 =	sshrl.u32 s8, $0x3;
	s9 =	sshrl.u32 s9, $0x3;
	[dreg:$0x7] =	wrdreg s25  }
0xe: {  	[dreg:$0x9] =	wrdreg s11;
	s8 =	sadd.s32 s8, s0;
	s0 =	sadd.s32 s9, s0  }
0xf: {  	s9 =	ssub.s32 s23, s12;
	s23 =	sadd.s32 s10, s3;
	s10 =	sadd.s32 $0xA00, s6  }
0x10: {  	s12 =	sadd.s32 s2, s26;
	[dreg:$0x8] =	wrdreg s10  }
0x11: {  	[dreg:$0xa] =	wrdreg s12  }
0x12: {  	s5 =	sadd.s32 $0x80, s12;
	[dreg:$0x6] =	wrdreg s23  }
0x13: {  	s13 =	sadd.s32 $0x7400, s8;
	[dreg:$0xb] =	wrdreg s5  }
0x14: {  	s0 =	sadd.s32 $0x6A00, s0;
	[dreg:$0xc] =	wrdreg s13  }
0x15: {  	s30 =	simm.s32 $0x17400;
	s15 =	smax.u32 s9, $0x1;
	[dreg:$0xd] =	wrdreg s0  }
0x16: {  	s31 =	simm.s32 $0x80;
	s16 =	sadd.s32 $0x2000, s23;
	[dreg:$0xe] =	wrdreg s15  }
0x17: {  	s28 =	simm.s32 $0x1F800;
	s17 =	sadd.s32 $0x4000, s23;
	[dreg:$0xf] =	wrdreg s16  }
0x18: {  	s29 =	simm.s32 $0x17100;
	s18 =	sadd.s32 $0x6000, s23;
	[dreg:$0x10] =	wrdreg s17  }
0x19: {  	s20 =	smul.u32 $0xE00, s14;
	s19 =	sadd.s32 $0x8000, s23;
	[dreg:$0x11] =	wrdreg s18  }
0x1a: {  	s14 =	simm.s32 $0x4;
	s21 =	sadd.s32 $0xA000, s23;
	[dreg:$0x12] =	wrdreg s19  }
0x1b: {  	p0 =	seq.s32 s7, $0x1;
	s22 =	sadd.s32 $0xC000, s23;
	[dreg:$0x13] =	wrdreg s21  }
0x1c: {  	s11 =	simm.s32 $0x17200;
	s24 =	sadd.s32 $0xE000, s23;
	[dreg:$0x14] =	wrdreg s22  }
0x1d: {  	s25 =	sadd.s32 $0x10000, s23;
	s26 =	sadd.s32 $0x12000, s23;
	[dreg:$0x15] =	wrdreg s24  }
0x1e: {  	s8 =	simm.s32 $0x1B800;
	s9 =	simm.s32 $0x1;
	[dreg:$0x16] =	wrdreg s25  }
0x1f: {  	s10 =	simm.s32 $0x2;
	s12 =	simm.s32 $0x17180;
	[dreg:$0x17] =	wrdreg s26  }
.Ltmp0:
0x20: {  	s24 =	sadd.s32 s20, s2;
	s25 =	simm.s32 $0x17800;
	(pc) =	sbr.rel .LBB2_1-.Ltmp0, $4  }
0x21: {  	s26 =	simm.s32 $0x5;
	s0 =	simm.s32 $0x17280;
	s13 =	simm.s32 $0x17300  }
0x22: {  	s15 =	simm.s32 $0x17380;
	s16 =	simm.s32 $0x17480;
	s17 =	simm.s32 $0x17600  }
0x23: {  	s18 =	simm.s32 $0x17500;
	s19 =	simm.s32 $0x17680;
	s20 =	simm.s32 $0x17580  }
0x24: {  	v0 =	vimm.f32 $0.0e+00;
	v1 =	vimm.f32 $1.000000000e+00;
	s21 =	simm.s32 $0x17700;
	s22 =	simm.s32 $0x17780;
	s5 =	simm.s32 $0x0  }
.LBB2_6:
0x25: {  	s2 =	sadd.s32 $0x14000, s7;
	[sflag:s26] =	ssyncadd.s32 $0xFFFFFF80  }
0x26: {  	[tilespmem:s25], [sflag:$0x5] =	stream.indirect.gather [hbm4b:s1+s31], $0x80, s2, s31, $0xb8;
	[tilespmem:$0x1FD80] =	vst v63  }
0x27: {  	_ =	swait.ge [sflag:s26], $0x4000  }
0x28: {  	[sflag:s26] =	ssyncset.done $0x0  }
0x29: {  	s29 =	sadd.s32 $0x15800, s7;
	[sflag:s26] =	ssyncadd.s32 $0xFFFFC000  }
0x2a: {  	[spmem:s3] =	stream.indirect.scatter.add.f32 [tilespmem:s25], [sflag:$0x5], $0x80, s29, s31, $0xb8;
	[tilespmem:$0x1FD80] =	vst v63  }
0x2b: {  	_ =	swait.ge [sflag:s26], $0x4000  }
0x2c: {  	[sflag:s26] =	ssyncset.done $0x0  }
0x2d: {  	[sflag:s26] =	ssyncadd.s32 $0xFFFFC000  }
0x2e: {  	[spmem:s4] =	stream.indirect.scatter.add.f32 [tilespmem:s28], [sflag:$0x5], $0x1, s29, s31, $0xb8;
	[tilespmem:$0x1FD80] =	vst v63  }
0x2f: {  	_ =	swait.ge [sflag:s26], $0x80  }
0x30: {  	[sflag:s26] =	ssyncset.done $0x0  }
0x31: {  	[sflag:s26] =	ssyncadd.s32 $0xFFFFFF80  }
.LBB2_7:
0x32: {  	s2 =	stileid.u32;
	[bflag:$0x0] =	sbarrier.arrive $0xFFFF  }
0x33: {  	s2 =	sshll.u32 s2, $0x6;
	s23 =	rddreg [dreg:$0x6]  }
0x34: {  	s6 =	rddreg [dreg:$0xc];
	s2 =	sor.u32 $0x1C05, s2;
	s5 =	sshrl.u32 s23, $0x3  }
0x35: {  	[hbm:s6], [sflag:s2] =	dma.local [spmem:s5], $0x2800  }
0x36: {  	_ =	swait.ge [sflag:s26], $0x2800  }
0x37: {  	s7 =	rddreg [dreg:$0x7]  }
0x38: {  	s29 =	simm.s32 $0x10;
	[sflag:s26] =	ssyncset.done $0x0;
	s6 =	rddreg [dreg:$0xd]  }
0x39: {  	[sflag:s26] =	ssyncadd.s32 $0xFFFFD800;
	s5 =	sshrl.u32 s7, $0x3;
	s7 =	simm.s32 $0x20  }
0x3a: {  	[hbm:s6@s7], [sflag:s2] =	dma.strided [spmem:s5@s29], $0x50, s9, $0x10   }
0x3b: {  	_ =	swait.ge [sflag:s26], $0x50  }
0x3c: {  	s6 =	rddreg [dreg:$0x18]  }
0x3d: {  	s7 =	rddreg [dreg:$0xe];
	s5 =	sadd.s32 $0x1, s6  }
0x3e: {  	p1 =	sne.s32 s5, s7  }
.Ltmp1:
0x3f: {  	_ = 	snop;
	(pc) =	sbr.rel @!p1 .LBB2_8-.Ltmp1, $3  }
0x40: {  	_ =	sdelay $0x1  }
0x41: {  	[sflag:s26] =	ssyncset.done $0x0  }
0x42: {  	s29 =	simm.s32 $0x17100;
	[sflag:s26] =	ssyncadd.s32 $0xFFFFFFB0  }
.LBB2_1:
0x43: {  	[dreg:$0x18] =	wrdreg s5;
	s7 =	simm.s32 $0x0;
	s6 =	simm.s32 $0x200  }
.LBB2_2:
0x44: {  	p1 =	sne.s32 s6, $0x7E00;
	[tilespmem:s7+$0x17870] =	vst v0  }
0x45: {  	[tilespmem:s7+$0x17800] =	vst v0  }
0x46: {  	[tilespmem:s7+$0x17810] =	vst v0  }
.Ltmp2:
0x47: {  	[tilespmem:s7+$0x17820] =	vst v0;
	(pc) =	sbr.rel @p1 .LBB2_2-.Ltmp2, $4  }
0x48: {  	[tilespmem:s7+$0x17830] =	vst v0  }
0x49: {  	[tilespmem:s7+$0x17840] =	vst v0  }
0x4a: {  	[tilespmem:s7+$0x17850] =	vst v0  }
0x4b: {  	[tilespmem:s7+$0x17860] =	vst v0;
	s7 =	sshra.s32 s6, $0x2;
	s6 =	sadd.s32 $0x200, s6  }
0x4c: {  	[tilespmem:s7+$0x17870] =	vst v0  }
0x4d: {  	[tilespmem:s7+$0x17800] =	vst v0  }
0x4e: {  	[tilespmem:s7+$0x17810] =	vst v0  }
0x4f: {  	[tilespmem:s7+$0x17820] =	vst v0  }
0x50: {  	[tilespmem:s7+$0x17830] =	vst v0  }
0x51: {  	[tilespmem:s7+$0x17840] =	vst v0  }
0x52: {  	[tilespmem:s7+$0x17850] =	vst v0  }
0x53: {  	[tilespmem:s7+$0x17860] =	vst v0  }
0x54: {  	[spmem:s23] =	stream.linear.scatter [tilespmem:s25], [sflag:$0x5], $0x2000, $0x38;
	[tilespmem:$0x1FD80] =	vst v63  }
0x55: {  	_ =	swait.ge [sflag:s26], $0x2000  }
0x56: {  	[sflag:s26] =	ssyncset.done $0x0  }
0x57: {  	s2 =	rddreg [dreg:$0xf];
	[sflag:s26] =	ssyncadd.s32 $0xFFFFE000  }
0x58: {  	[spmem:s2] =	stream.linear.scatter [tilespmem:s25], [sflag:$0x5], $0x2000, $0x38;
	[tilespmem:$0x1FD80] =	vst v63  }
0x59: {  	_ =	swait.ge [sflag:s26], $0x2000  }
0x5a: {  	[sflag:s26] =	ssyncset.done $0x0  }
0x5b: {  	s23 =	rddreg [dreg:$0x10];
	[sflag:s26] =	ssyncadd.s32 $0xFFFFE000  }
0x5c: {  	[spmem:s23] =	stream.linear.scatter [tilespmem:s25], [sflag:$0x5], $0x2000, $0x38;
	[tilespmem:$0x1FD80] =	vst v63  }
0x5d: {  	_ =	swait.ge [sflag:s26], $0x2000  }
0x5e: {  	[sflag:s26] =	ssyncset.done $0x0  }
0x5f: {  	s5 =	rddreg [dreg:$0x11];
	[sflag:s26] =	ssyncadd.s32 $0xFFFFE000  }
0x60: {  	[spmem:s5] =	stream.linear.scatter [tilespmem:s25], [sflag:$0x5], $0x2000, $0x38;
	[tilespmem:$0x1FD80] =	vst v63  }
0x61: {  	_ =	swait.ge [sflag:s26], $0x2000  }
0x62: {  	[sflag:s26] =	ssyncset.done $0x0  }
0x63: {  	s6 =	rddreg [dreg:$0x12];
	[sflag:s26] =	ssyncadd.s32 $0xFFFFE000  }
0x64: {  	[spmem:s6] =	stream.linear.scatter [tilespmem:s25], [sflag:$0x5], $0x2000, $0x38;
	[tilespmem:$0x1FD80] =	vst v63  }
0x65: {  	_ =	swait.ge [sflag:s26], $0x2000  }
0x66: {  	[sflag:s26] =	ssyncset.done $0x0  }
0x67: {  	s7 =	rddreg [dreg:$0x13];
	[sflag:s26] =	ssyncadd.s32 $0xFFFFE000  }
0x68: {  	[spmem:s7] =	stream.linear.scatter [tilespmem:s25], [sflag:$0x5], $0x2000, $0x38;
	[tilespmem:$0x1FD80] =	vst v63  }
0x69: {  	_ =	swait.ge [sflag:s26], $0x2000  }
0x6a: {  	[sflag:s26] =	ssyncset.done $0x0  }
0x6b: {  	s23 =	rddreg [dreg:$0x14];
	[sflag:s26] =	ssyncadd.s32 $0xFFFFE000  }
0x6c: {  	[spmem:s23] =	stream.linear.scatter [tilespmem:s25], [sflag:$0x5], $0x2000, $0x38;
	[tilespmem:$0x1FD80] =	vst v63  }
0x6d: {  	_ =	swait.ge [sflag:s26], $0x2000  }
0x6e: {  	[sflag:s26] =	ssyncset.done $0x0  }
0x6f: {  	s5 =	rddreg [dreg:$0x15];
	[sflag:s26] =	ssyncadd.s32 $0xFFFFE000  }
0x70: {  	[spmem:s5] =	stream.linear.scatter [tilespmem:s25], [sflag:$0x5], $0x2000, $0x38;
	[tilespmem:$0x1FD80] =	vst v63  }
0x71: {  	_ =	swait.ge [sflag:s26], $0x2000  }
0x72: {  	[sflag:s26] =	ssyncset.done $0x0  }
0x73: {  	s6 =	rddreg [dreg:$0x16];
	[sflag:s26] =	ssyncadd.s32 $0xFFFFE000  }
0x74: {  	[spmem:s6] =	stream.linear.scatter [tilespmem:s25], [sflag:$0x5], $0x2000, $0x38;
	[tilespmem:$0x1FD80] =	vst v63  }
0x75: {  	_ =	swait.ge [sflag:s26], $0x2000  }
0x76: {  	[sflag:s26] =	ssyncset.done $0x0  }
0x77: {  	s7 =	rddreg [dreg:$0x17];
	[sflag:s26] =	ssyncadd.s32 $0xFFFFE000  }
0x78: {  	[spmem:s7] =	stream.linear.scatter [tilespmem:s25], [sflag:$0x5], $0x2000, $0x38;
	[tilespmem:$0x1FD80] =	vst v63  }
0x79: {  	_ =	swait.ge [sflag:s26], $0x2000  }
0x7a: {  	[sflag:s26] =	ssyncset.done $0x0  }
0x7b: {  	[sflag:s26] =	ssyncadd.s32 $0xFFFFE000  }
0x7c: {  	[tilespmem:$0x1F800] =	vst v1  }
0x7d: {  	[tilespmem:$0x1F810] =	vst v1  }
0x7e: {  	[tilespmem:$0x1F820] =	vst v1  }
0x7f: {  	[tilespmem:$0x1F830] =	vst v1  }
0x80: {  	[tilespmem:$0x1F840] =	vst v1  }
0x81: {  	[tilespmem:$0x1F850] =	vst v1  }
0x82: {  	[tilespmem:$0x1F860] =	vst v1  }
0x83: {  	[tilespmem:$0x1F870] =	vst v1  }
0x84: {  	[tilespmem:$0x1F880] =	vst v0  }
0x85: {  	[tilespmem:$0x1F890] =	vst v0  }
0x86: {  	[tilespmem:$0x1F8A0] =	vst v0  }
0x87: {  	[tilespmem:$0x1F8B0] =	vst v0  }
0x88: {  	[tilespmem:$0x1F8C0] =	vst v0  }
0x89: {  	[tilespmem:$0x1F8D0] =	vst v0  }
0x8a: {  	[tilespmem:$0x1F8E0] =	vst v0  }
0x8b: {  	[tilespmem:$0x1F8F0] =	vst v0  }
0x8c: {  	[tilespmem:$0x1F900] =	vst v0  }
0x8d: {  	[tilespmem:$0x1F910] =	vst v0  }
0x8e: {  	[tilespmem:$0x1F920] =	vst v0  }
0x8f: {  	[tilespmem:$0x1F930] =	vst v0  }
0x90: {  	[tilespmem:$0x1F940] =	vst v0  }
0x91: {  	[tilespmem:$0x1F950] =	vst v0  }
0x92: {  	[tilespmem:$0x1F960] =	vst v0  }
0x93: {  	[tilespmem:$0x1F970] =	vst v0  }
0x94: {  	[tilespmem:$0x1F980] =	vst v0  }
0x95: {  	[tilespmem:$0x1F990] =	vst v0  }
0x96: {  	[tilespmem:$0x1F9A0] =	vst v0  }
0x97: {  	[tilespmem:$0x1F9B0] =	vst v0  }
0x98: {  	[tilespmem:$0x1F9C0] =	vst v0  }
0x99: {  	[tilespmem:$0x1F9D0] =	vst v0  }
0x9a: {  	[tilespmem:$0x1F9E0] =	vst v0  }
0x9b: {  	[tilespmem:$0x1F9F0] =	vst v0  }
0x9c: {  	[tilespmem:$0x1FA00] =	vst v0  }
0x9d: {  	[tilespmem:$0x1FA10] =	vst v0  }
0x9e: {  	[tilespmem:$0x1FA20] =	vst v0  }
0x9f: {  	[tilespmem:$0x1FA30] =	vst v0  }
0xa0: {  	[tilespmem:$0x1FA40] =	vst v0  }
0xa1: {  	[tilespmem:$0x1FA50] =	vst v0  }
0xa2: {  	[tilespmem:$0x1FA60] =	vst v0  }
0xa3: {  	[tilespmem:$0x1FA70] =	vst v0  }
0xa4: {  	[tilespmem:$0x1FA80] =	vst v0  }
0xa5: {  	[tilespmem:$0x1FA90] =	vst v0  }
0xa6: {  	[tilespmem:$0x1FAA0] =	vst v0  }
0xa7: {  	[tilespmem:$0x1FAB0] =	vst v0  }
0xa8: {  	[tilespmem:$0x1FAC0] =	vst v0  }
0xa9: {  	[tilespmem:$0x1FAD0] =	vst v0  }
0xaa: {  	[tilespmem:$0x1FAE0] =	vst v0  }
0xab: {  	s5 =	simm.s32 $0x1F880;
	s23 =	rddreg [dreg:$0x7];
	[tilespmem:$0x1FAF0] =	vst v0  }
0xac: {  	[spmem:s23] =	stream.linear.scatter [tilespmem:s5], [sflag:$0x5], $0x280, $0x38;
	[tilespmem:$0x1FD80] =	vst v63  }
.Ltmp3:
0xad: {  	_ =	swait.ge [sflag:s26], $0x280;
	(pc) =	sbr.rel @!p0 .LBB2_4-.Ltmp3, $3  }
0xae: {  	[sflag:s26] =	ssyncset.done $0x0  }
0xaf: {  	[sflag:s26] =	ssyncadd.s32 $0xFFFFFD80  }
0xb0: {  	[bflag:$0x0] =	sbarrier.arrive $0xFFFF;
	_ =	sdelay $0x1  }
0xb1: {  	s2 =	simm.s32 $0x0;
	s5 =	rddreg [dreg:$0xa];
	s6 =	simm.s32 $0x17000  }
0xb2: {  	[tilespmem:s6], [sflag:$0x5] =	stream.linear.gather [hbm4b:s5+s2], $0x400, $0x38;
	[tilespmem:$0x1FD80] =	vst v63  }
0xb3: {  	_ =	swait.ge [sflag:s26], $0x400  }
0xb4: {  	[sflag:s26] =	ssyncset.done $0x0  }
0xb5: {  	s7 =	rddreg [dreg:$0xb];
	[sflag:s26] =	ssyncadd.s32 $0xFFFFFC00  }
0xb6: {  	[tilespmem:s30], [sflag:$0x4] =	stream.linear.gather [hbm4b:s7+s2], $0x400, $0x38;
	[tilespmem:$0x1FD80] =	vst v63  }
0xb7: {  	_ = 	snop  }
0xb8: {  	[tilespmem:s25], [sflag:$0x1] =	stream.indirect.gather [hbm4b:s1+s31], $0x80, s6, s31, $0xb8;
	[tilespmem:$0x1FD80] =	vst v63  }
0xb9: {  	s7 =	simm.s32 $0x17080  }
0xba: {  	[tilespmem:s8], [sflag:$0x2] =	stream.indirect.gather [hbm4b:s1+s31], $0x80, s7, s31, $0xb8;
	[tilespmem:$0x1FD80] =	vst v63  }
0xbb: {  	s23 =	simm.s32 $0x0;
	s7 =	simm.s32 $0xFFFFF300  }
.LBB2_10:
0xbc: {  	_ =	swait.ge [sflag:s9], $0x4000  }
0xbd: {  	[sflag:s9] =	ssyncset.done $0x0  }
0xbe: {  	[sflag:s9] =	ssyncadd.s32 $0xFFFFC000  }
0xbf: {  	[spmem:s3] =	stream.indirect.scatter.add.f32 [tilespmem:s25], [sflag:$0x5], $0x80, s11, s31, $0xb8;
	[tilespmem:$0x1FD80] =	vst v63  }
0xc0: {  	_ =	swait.ge [sflag:s26], $0x4000  }
0xc1: {  	[sflag:s26] =	ssyncset.done $0x0  }
0xc2: {  	[sflag:s26] =	ssyncadd.s32 $0xFFFFC000  }
0xc3: {  	[spmem:s4] =	stream.indirect.scatter.add.f32 [tilespmem:s28], [sflag:$0x5], $0x1, s11, s31, $0xb8;
	[tilespmem:$0x1FD80] =	vst v63  }
0xc4: {  	_ =	swait.ge [sflag:s26], $0x80  }
0xc5: {  	[sflag:s26] =	ssyncset.done $0x0  }
0xc6: {  	[sflag:s26] =	ssyncadd.s32 $0xFFFFFF80  }
0xc7: {  	[tilespmem:s25], [sflag:$0x1] =	stream.indirect.gather [hbm4b:s1+s31], $0x80, s29, s31, $0xb8;
	[tilespmem:$0x1FD80] =	vst v63  }
0xc8: {  	_ =	swait.ge [sflag:s10], $0x4000  }
0xc9: {  	[sflag:s10] =	ssyncset.done $0x0  }
0xca: {  	[sflag:s10] =	ssyncadd.s32 $0xFFFFC000  }
0xcb: {  	[spmem:s3] =	stream.indirect.scatter.add.f32 [tilespmem:s8], [sflag:$0x5], $0x80, s0, s31, $0xb8;
	[tilespmem:$0x1FD80] =	vst v63  }
0xcc: {  	_ =	swait.ge [sflag:s26], $0x4000  }
0xcd: {  	[sflag:s26] =	ssyncset.done $0x0  }
0xce: {  	[sflag:s26] =	ssyncadd.s32 $0xFFFFC000  }
0xcf: {  	[spmem:s4] =	stream.indirect.scatter.add.f32 [tilespmem:s28], [sflag:$0x5], $0x1, s0, s31, $0xb8;
	[tilespmem:$0x1FD80] =	vst v63  }
0xd0: {  	_ =	swait.ge [sflag:s26], $0x80  }
0xd1: {  	[sflag:s26] =	ssyncset.done $0x0  }
0xd2: {  	[sflag:s26] =	ssyncadd.s32 $0xFFFFFF80  }
0xd3: {  	[tilespmem:s8], [sflag:$0x2] =	stream.indirect.gather [hbm4b:s1+s31], $0x80, s12, s31, $0xb8;
	[tilespmem:$0x1FD80] =	vst v63  }
0xd4: {  	_ =	swait.ge [sflag:s9], $0x4000  }
0xd5: {  	[sflag:s9] =	ssyncset.done $0x0  }
0xd6: {  	[sflag:s9] =	ssyncadd.s32 $0xFFFFC000  }
0xd7: {  	[spmem:s3] =	stream.indirect.scatter.add.f32 [tilespmem:s25], [sflag:$0x5], $0x80, s13, s31, $0xb8;
	[tilespmem:$0x1FD80] =	vst v63  }
0xd8: {  	_ =	swait.ge [sflag:s26], $0x4000  }
0xd9: {  	[sflag:s26] =	ssyncset.done $0x0  }
0xda: {  	[sflag:s26] =	ssyncadd.s32 $0xFFFFC000  }
0xdb: {  	[spmem:s4] =	stream.indirect.scatter.add.f32 [tilespmem:s28], [sflag:$0x5], $0x1, s13, s31, $0xb8;
	[tilespmem:$0x1FD80] =	vst v63  }
0xdc: {  	_ =	swait.ge [sflag:s26], $0x80  }
0xdd: {  	[sflag:s26] =	ssyncset.done $0x0  }
0xde: {  	[sflag:s26] =	ssyncadd.s32 $0xFFFFFF80  }
0xdf: {  	_ =	swait.ge [sflag:s14], $0x400  }
0xe0: {  	[sflag:s14] =	ssyncset.done $0x0  }
0xe1: {  	[sflag:s14] =	ssyncadd.s32 $0xFFFFFC00  }
0xe2: {  	[tilespmem:s25], [sflag:$0x1] =	stream.indirect.gather [hbm4b:s1+s31], $0x80, s30, s31, $0xb8;
	[tilespmem:$0x1FD80] =	vst v63  }
0xe3: {  	_ =	swait.ge [sflag:s10], $0x4000  }
0xe4: {  	[sflag:s10] =	ssyncset.done $0x0  }
0xe5: {  	[sflag:s10] =	ssyncadd.s32 $0xFFFFC000  }
0xe6: {  	[spmem:s3] =	stream.indirect.scatter.add.f32 [tilespmem:s8], [sflag:$0x5], $0x80, s15, s31, $0xb8;
	[tilespmem:$0x1FD80] =	vst v63  }
0xe7: {  	_ =	swait.ge [sflag:s26], $0x4000  }
0xe8: {  	[sflag:s26] =	ssyncset.done $0x0  }
0xe9: {  	[sflag:s26] =	ssyncadd.s32 $0xFFFFC000  }
0xea: {  	[spmem:s4] =	stream.indirect.scatter.add.f32 [tilespmem:s28], [sflag:$0x5], $0x1, s15, s31, $0xb8;
	[tilespmem:$0x1FD80] =	vst v63  }
0xeb: {  	_ =	swait.ge [sflag:s26], $0x80  }
0xec: {  	p1 =	seq.s32 s7, $0x0;
	[sflag:s26] =	ssyncset.done $0x0  }
0xed: {  	s2 =	sadd.s32 @!p1 s7, s24;
	[sflag:s26] =	ssyncadd.s32 $0xFFFFFF80  }
0xee: {  	[tilespmem:s8], [sflag:$0x2] =	stream.indirect.gather [hbm4b:s1+s31], $0x80, s16, s31, $0xb8;
	[tilespmem:$0x1FD80] =	vst v63  }
0xef: {  	s5 =	simm.s32 @!p1 $0x0;
	s6 =	simm.s32 @!p1 $0x17000;
	s2 =	sadd.s32 @!p1 $0xE00, s2  }
0xf0: {  	[tilespmem:s6], [sflag:$0x3] =	stream.linear.gather @!p1 [hbm4b:s2+s5], $0x400, $0x38;
	[tilespmem:$0x1FD80] =	vst v63  }
0xf1: {  	_ =	swait.ge [sflag:s9], $0x4000  }
0xf2: {  	[sflag:s9] =	ssyncset.done $0x0  }
0xf3: {  	[sflag:s9] =	ssyncadd.s32 $0xFFFFC000  }
0xf4: {  	[spmem:s3] =	stream.indirect.scatter.add.f32 [tilespmem:s25], [sflag:$0x5], $0x80, s17, s31, $0xb8;
	[tilespmem:$0x1FD80] =	vst v63  }
0xf5: {  	_ =	swait.ge [sflag:s26], $0x4000  }
0xf6: {  	[sflag:s26] =	ssyncset.done $0x0  }
0xf7: {  	[sflag:s26] =	ssyncadd.s32 $0xFFFFC000  }
0xf8: {  	[spmem:s4] =	stream.indirect.scatter.add.f32 [tilespmem:s28], [sflag:$0x5], $0x1, s17, s31, $0xb8;
	[tilespmem:$0x1FD80] =	vst v63  }
0xf9: {  	_ =	swait.ge [sflag:s26], $0x80  }
0xfa: {  	[sflag:s26] =	ssyncset.done $0x0  }
0xfb: {  	[sflag:s26] =	ssyncadd.s32 $0xFFFFFF80  }
0xfc: {  	[tilespmem:s25], [sflag:$0x1] =	stream.indirect.gather [hbm4b:s1+s31], $0x80, s18, s31, $0xb8;
	[tilespmem:$0x1FD80] =	vst v63  }
0xfd: {  	_ =	swait.ge [sflag:s10], $0x4000  }
0xfe: {  	[sflag:s10] =	ssyncset.done $0x0  }
0xff: {  	[sflag:s10] =	ssyncadd.s32 $0xFFFFC000  }
0x100: {  	[spmem:s3] =	stream.indirect.scatter.add.f32 [tilespmem:s8], [sflag:$0x5], $0x80, s19, s31, $0xb8;
	[tilespmem:$0x1FD80] =	vst v63  }
0x101: {  	_ =	swait.ge [sflag:s26], $0x4000  }
0x102: {  	[sflag:s26] =	ssyncset.done $0x0  }
0x103: {  	[sflag:s26] =	ssyncadd.s32 $0xFFFFC000  }
0x104: {  	[spmem:s4] =	stream.indirect.scatter.add.f32 [tilespmem:s28], [sflag:$0x5], $0x1, s19, s31, $0xb8;
	[tilespmem:$0x1FD80] =	vst v63  }
0x105: {  	_ =	swait.ge [sflag:s26], $0x80  }
0x106: {  	[sflag:s26] =	ssyncset.done $0x0  }
0x107: {  	[sflag:s26] =	ssyncadd.s32 $0xFFFFFF80  }
0x108: {  	[tilespmem:s8], [sflag:$0x2] =	stream.indirect.gather [hbm4b:s1+s31], $0x80, s20, s31, $0xb8;
	[tilespmem:$0x1FD80] =	vst v63  }
0x109: {  	_ =	swait.ge [sflag:s9], $0x4000  }
0x10a: {  	[sflag:s9] =	ssyncset.done $0x0  }
0x10b: {  	[sflag:s9] =	ssyncadd.s32 $0xFFFFC000  }
0x10c: {  	[spmem:s3] =	stream.indirect.scatter.add.f32 [tilespmem:s25], [sflag:$0x5], $0x80, s21, s31, $0xb8;
	[tilespmem:$0x1FD80] =	vst v63  }
0x10d: {  	_ =	swait.ge [sflag:s26], $0x4000  }
0x10e: {  	[sflag:s26] =	ssyncset.done $0x0  }
0x10f: {  	[sflag:s26] =	ssyncadd.s32 $0xFFFFC000  }
0x110: {  	[spmem:s4] =	stream.indirect.scatter.add.f32 [tilespmem:s28], [sflag:$0x5], $0x1, s21, s31, $0xb8;
	[tilespmem:$0x1FD80] =	vst v63  }
0x111: {  	_ =	swait.ge [sflag:s26], $0x80  }
0x112: {  	[sflag:s26] =	ssyncset.done $0x0  }
0x113: {  	s2 =	simm.s32 @!p1 $0x3;
	[sflag:s26] =	ssyncadd.s32 $0xFFFFFF80  }
0x114: {  	_ =	swait.ge @!p1 [sflag:s2], $0x400  }
0x115: {  	[sflag:s2] =	ssyncset.done @!p1 $0x0  }
0x116: {  	s5 =	simm.s32 @!p1 $0x17800;
	[sflag:s2] =	ssyncadd.s32 @!p1 $0xFFFFFC00;
	s2 =	simm.s32 @!p1 $0x80  }
0x117: {  	[tilespmem:s5], [sflag:$0x1] =	stream.indirect.gather @!p1 [hbm4b:s1+s2], $0x80, s6, s2, $0xb8;
	[tilespmem:$0x1FD80] =	vst v63  }
0x118: {  	_ =	swait.ge [sflag:s10], $0x4000  }
0x119: {  	[sflag:s10] =	ssyncset.done $0x0  }
0x11a: {  	[sflag:s10] =	ssyncadd.s32 $0xFFFFC000  }
0x11b: {  	[spmem:s3] =	stream.indirect.scatter.add.f32 [tilespmem:s8], [sflag:$0x5], $0x80, s22, s31, $0xb8;
	[tilespmem:$0x1FD80] =	vst v63  }
0x11c: {  	_ =	swait.ge [sflag:s26], $0x4000  }
0x11d: {  	[sflag:s26] =	ssyncset.done $0x0  }
.Ltmp4:
0x11e: {  	[sflag:s26] =	ssyncadd.s32 $0xFFFFC000;
	(pc) =	sbr.rel @p1 .LBB2_7-.Ltmp4, $4  }
0x11f: {  	[spmem:s4] =	stream.indirect.scatter.add.f32 [tilespmem:s28], [sflag:$0x5], $0x1, s22, s31, $0xb8;
	[tilespmem:$0x1FD80] =	vst v63  }
0x120: {  	_ =	swait.ge [sflag:s26], $0x80  }
0x121: {  	[sflag:s26] =	ssyncset.done $0x0  }
0x122: {  	[sflag:s26] =	ssyncadd.s32 $0xFFFFFF80  }
.Ltmp5:
0x123: {  	(pc) =	sbr.rel .LBB2_10-.Ltmp5, $4  }
0x124: {  	s2 =	simm.s32 $0x17080;
	s6 =	sadd.s32 s7, s24  }
0x125: {  	[tilespmem:s8], [sflag:$0x2] =	stream.indirect.gather [hbm4b:s1+s31], $0x80, s2, s31, $0xb8;
	[tilespmem:$0x1FD80] =	vst v63  }
0x126: {  	s7 =	sadd.s32 $0x100, s7;
	s2 =	sadd.s32 $0xE80, s6  }
0x127: {  	[tilespmem:s30], [sflag:$0x4] =	stream.linear.gather [hbm4b:s2+s23], $0x400, $0x38;
	[tilespmem:$0x1FD80] =	vst v63  }
.LBB2_4:
0x128: {  	s6 =	simm.s32 $0x0;
	s2 =	rddreg [dreg:$0x8];
	s5 =	simm.s32 $0x14000  }
0x129: {  	[tilespmem:s5], [sflag:$0x5] =	stream.linear.gather [hbm4b:s2+s6], $0x1700, $0x38;
	[tilespmem:$0x1FD80] =	vst v63  }
0x12a: {  	_ =	swait.ge [sflag:s26], $0x1700  }
0x12b: {  	[sflag:s26] =	ssyncset.done $0x0  }
0x12c: {  	s7 =	simm.s32 $0x15800;
	s5 =	rddreg [dreg:$0x9];
	[sflag:s26] =	ssyncadd.s32 $0xFFFFE900  }
0x12d: {  	[tilespmem:s7], [sflag:$0x5] =	stream.linear.gather [hbm4b:s5+s6], $0x1700, $0x38;
	[tilespmem:$0x1FD80] =	vst v63  }
0x12e: {  	_ =	swait.ge [sflag:s26], $0x1700  }
0x12f: {  	[sflag:s26] =	ssyncset.done $0x0  }
0x130: {  	s23 =	simm.s32 $0x14000;
	[sflag:s26] =	ssyncadd.s32 $0xFFFFE900  }
0x131: {  	[tilespmem:s25], [sflag:$0x5] =	stream.indirect.gather [hbm4b:s1+s31], $0x80, s23, s31, $0xb8;
	[tilespmem:$0x1FD80] =	vst v63  }
0x132: {  	_ =	swait.ge [sflag:s26], $0x4000  }
0x133: {  	[sflag:s26] =	ssyncset.done $0x0  }
0x134: {  	s29 =	simm.s32 $0x15800;
	[sflag:s26] =	ssyncadd.s32 $0xFFFFC000  }
0x135: {  	[spmem:s3] =	stream.indirect.scatter.add.f32 [tilespmem:s25], [sflag:$0x5], $0x80, s29, s31, $0xb8;
	[tilespmem:$0x1FD80] =	vst v63  }
0x136: {  	_ =	swait.ge [sflag:s26], $0x4000  }
0x137: {  	[sflag:s26] =	ssyncset.done $0x0  }
0x138: {  	[sflag:s26] =	ssyncadd.s32 $0xFFFFC000  }
0x139: {  	[spmem:s4] =	stream.indirect.scatter.add.f32 [tilespmem:s28], [sflag:$0x5], $0x1, s29, s31, $0xb8;
	[tilespmem:$0x1FD80] =	vst v63  }
0x13a: {  	_ =	swait.ge [sflag:s26], $0x80  }
0x13b: {  	s6 =	simm.s32 $0x400;
	s7 =	simm.s32 $0x80;
	[sflag:s26] =	ssyncset.done $0x0  }
.LBB2_5:
0x13c: {  	s5 =	sadd.s32 $0x14000, s7  }
0x13d: {  	[sflag:s26] =	ssyncadd.s32 $0xFFFFFF80;
	s23 =	smov.u32 s6;
	s2 =	sadd.s32 $0x200, s6  }
0x13e: {  	[tilespmem:s25], [sflag:$0x5] =	stream.indirect.gather [hbm4b:s1+s31], $0x80, s5, s31, $0xb8;
	[tilespmem:$0x1FD80] =	vst v63  }
0x13f: {  	p1 =	seq.s32 s6, $0x5A00;
	_ =	swait.ge [sflag:s26], $0x4000  }
0x140: {  	[sflag:s26] =	ssyncset.done $0x0  }
0x141: {  	s5 =	sadd.s32 $0x15800, s7;
	[sflag:s26] =	ssyncadd.s32 $0xFFFFC000  }
0x142: {  	[spmem:s3] =	stream.indirect.scatter.add.f32 [tilespmem:s25], [sflag:$0x5], $0x80, s5, s31, $0xb8;
	[tilespmem:$0x1FD80] =	vst v63  }
0x143: {  	_ =	swait.ge [sflag:s26], $0x4000  }
.Ltmp6:
0x144: {  	[sflag:s26] =	ssyncset.done $0x0;
	(pc) =	sbr.rel @!p1 .LBB2_5-.Ltmp6, $4  }
0x145: {  	[sflag:s26] =	ssyncadd.s32 $0xFFFFC000  }
0x146: {  	[spmem:s4] =	stream.indirect.scatter.add.f32 [tilespmem:s28], [sflag:$0x5], $0x1, s5, s31, $0xb8;
	[tilespmem:$0x1FD80] =	vst v63  }
0x147: {  	_ =	swait.ge [sflag:s26], $0x80  }
0x148: {  	s7 =	sshra.s32 s23, $0x2;
	s6 =	smov.u32 s2;
	[sflag:s26] =	ssyncset.done $0x0  }
.Ltmp7:
0x149: {  	_ = 	snop;
	(pc) =	sbr.rel .LBB2_6-.Ltmp7, $1  }
0x14a: {  	_ =	sdelay $0x3  }
.LBB2_8:
0x14b: {  	_ =	sfence.sel $0x180000  }
0x14c: {  	[bflag:$0x0] =	sbarrier.arrive $0xFFFF  }
0x14d: {  	_ =	strace $0x90000047  }
0x14e: {  	s0 =	stileid.u32;
	[bflag:$0x2] =	sbarrier.arrive $0xFFFF  }
0x14f: {  	p0 =	sne.s32 s0, $0x0;
	s0 =	rddreg [dreg:$0x5]  }
0x150: {  	s0 =	sadd.s32 @!p0 $0x100000, s0  }
0x151: {  	[sflag:s0] =	ssyncadd.tile.s32 @!p0 $0x1;
	_ =	shalt  }
.Lfunc_end2:
_tile_overlayer_lowered:
.L_overlay_start_2:
0x152: {  	(tag) =	ssettag $0x2  }
0x153: {  	s0 =	rddreg [dreg:$0x0];
	s2 =	stileid.u32  }
0x154: {  	s1 =	rddreg [dreg:$0x1];
	p0 =	sne.s32 s2, $0x0  }
0x155: {  	s3 =	rddreg [dreg:$0x2];
	[bflag:$0x3] =	sbarrier.arrive $0xFFFF;
	s2 =	simm.s32 @!p0 $0x1C05  }
0x156: {  	[timem:s3], [sflag:s2] =	dma.local @!p0 [hbm:s0], s1  }
0x157: {  	s0 =	simm.s32 @!p0 $0x5  }
0x158: {  	_ =	swait.ge @!p0 [sflag:s0], s1  }
0x159: {  	s1 =	ssub.s32 @!p0 $0x0, s1;
	[sflag:s0] =	ssyncset.done @!p0 $0x0  }
0x15a: {  	[sflag:s0] =	ssyncadd.s32 @!p0 s1  }
0x15b: {  	[bflag:$0x3] =	sbarrier.arrive $0xFFFF  }
0x15c: {  	_ =	shalt  }

// kernel: kernel.9.cloned.1.call-start
scs
__scs_entry_jumppad:
0x0: {  	(pc) =	sbr.rel $0x88, $3  }
0x1: {  	(tag) =	ssettag $0x0;
	lr =	simm.s32 $0x1  }
0x2: {  	[smem:$0x3F9B] =	sst lr;
	_ =	strace $0xD0000000  }
0x3: {  	_ = 	snop  }
0x4: {  	_ = 	snop  }
0x5: {  	_ = 	snop  }
0x6: {  	_ = 	snop  }
0x7: {  	_ = 	snop  }
__scs_overlays_trampoline_lowered:
0x8: {  	[smem:$0x3FAA] =	sst s0  }
0x9: {  	[smem:$0x3FAB] =	sst s1  }
0xa: {  	[smem:$0x3FAC] =	sst s2  }
0xb: {  	[smem:$0x3FAD] =	sst s3  }
0xc: {  	[smem:$0x3FAE] =	sst s4  }
0xd: {  	[smem:$0x3FAF] =	sst s5  }
0xe: {  	[smem:$0x3FB0] =	sst s6  }
0xf: {  	[smem:$0x3FB1] =	sst s7  }
0x10: {  	[smem:$0x3FB2] =	sst s8  }
0x11: {  	[smem:$0x3FB3] =	sst s9;
	s0 =	simm.s32 @!p0 $0x0  }
0x12: {  	s1 =	sld [smem:$0x3F99];
	s0 =	simm.s32 @p0 $0x1  }
0x13: {  	[smem:$0x3FB4] =	sst s0;
	s0 =	simm.s32 @!p1 $0x0  }
0x14: {  	s2 =	sld [smem:$0x3F98];
	s0 =	simm.s32 @p1 $0x1  }
0x15: {  	[smem:$0x3FB5] =	sst s0;
	s0 =	simm.s32 @!p2 $0x0  }
0x16: {  	s3 =	sld [smem:$0x3FDB];
	s0 =	simm.s32 @p2 $0x1  }
0x17: {  	s4 =	simm.s32 $0x1BF5;
	[smem:$0x3FB7] =	sst s0  }
0x18: {  	s0 =	sld [smem:$0x3F9A];
	_ =	swait.ge [sflag:s4], $0x0  }
0x19: {  	s7 =	sld [smem:$0x3F9B]  }
0x1a: {  	s8 =	sadd.s32 $0xFFFFE003, lr  }
0x1b: {  	s9 =	sadd.s32 $0xFFFFFEF7, lr;
	s5 =	simm.s32 $0xFFFFFFFF;
	p2 =	slt.u32 s8, $0xFFFFF086  }
0x1c: {  	p1 =	slt.u32 s9, $0xF7A;
	s5 =	simm.s32 @!p2 $0x0  }
0x1d: {  	s5 =	simm.s32 @p1 $0x1;
	p0 =	seq.s32 s7, s2  }
0x1e: {  	s7 =	smul.u32 @!p0 $0xF7A, s2;
	p2 =	seq.s32 @!p0 s5, $0x0  }
0x1f: {  	s9 =	smul.u32 $0xF7A, s1;
	s8 =	simm.s32 @!p0 $0x1BF5;
	p2 =	por !p2, p0  }
0x20: {  	[sflag:s8] =	ssyncset.s32 @!p0 $0xFFFFF086;
	s6 =	sadd.s32 @!p0 s3, s7;
	s7 =	simm.s32 @!p0 $0x108  }
0x21: {  	s3 =	sadd.s32 s3, s9;
	s6 =	sadd.s32 @!p0 $0x88, s6;
	s7 =	simm.s32 @p2 $0x1082  }
0x22: {  	[simem:s7], [sflag:s8] =	dma.local @!p0 [hbm:s6], $0xF7A  }
0x23: {  	s9 =	sor.u32 $0xD0000000, s2;
	s6 =	simm.s32 $0x108;
	_ =	swait.ge @!p0 [sflag:s8], $0x0  }
0x24: {  	s3 =	sadd.s32 $0x88, s3;
	s6 =	simm.s32 @!p1 $0x1082;
	[sflag:s4] =	ssyncset.s32 $0xFFFFF086  }
0x25: {  	[simem:s6], [sflag:s4] =	dma.local [hbm:s3], $0xF7A  }
0x26: {  	[smem:$0x3F9B] =	sst s1;
	(tag) =	ssettag s2;
	_ =	strace s9  }
0x27: {  	s1 =	sld [smem:$0x3FAB]  }
0x28: {  	s2 =	sld [smem:$0x3FAC]  }
0x29: {  	s4 =	sld [smem:$0x3FAE]  }
0x2a: {  	p0 =	seq.s32 s5, $0x0;
	s5 =	sld [smem:$0x3FAF]  }
0x2b: {  	s6 =	sld [smem:$0x3FB0]  }
0x2c: {  	s7 =	sld [smem:$0x3FB1]  }
0x2d: {  	s3 =	simm.s32 $0x108;
	s8 =	sld [smem:$0x3FB2]  }
0x2e: {  	s3 =	simm.s32 @!p0 $0x1082;
	s9 =	sld [smem:$0x3FB3]  }
0x2f: {  	lr =	sadd.s32 s0, s3;
	s0 =	sld [smem:$0x3FAA]  }
0x30: {  	s3 =	sld [smem:$0x3FAD]  }
0x31: {  	[smem:$0x3FB6] =	sst s10  }
0x32: {  	s10 =	sld [smem:$0x3FB4];
	_ =	sdelay $0x3  }
0x33: {  	p0 =	seq.s32 s10, $0x1;
	s10 =	sld [smem:$0x3FB6];
	_ =	sdelay $0x3  }
0x34: {  	[smem:$0x3FB6] =	sst s10  }
0x35: {  	s10 =	sld [smem:$0x3FB5];
	_ =	sdelay $0x3  }
0x36: {  	p1 =	seq.s32 s10, $0x1;
	s10 =	sld [smem:$0x3FB6];
	_ =	sdelay $0x3  }
0x37: {  	[smem:$0x3FB6] =	sst s10  }
0x38: {  	s10 =	sld [smem:$0x3FB7]  }
0x39: {  	_ = 	snop;
	(pc) =	sbr.ind lr, $3  }
0x3a: {  	_ = 	snop  }
0x3b: {  	_ = 	snop  }
0x3c: {  	p2 =	seq.s32 s10, $0x1;
	s10 =	sld [smem:$0x3FB6]  }
0x3d: {  	_ =	shalt  }
0x3e: {  	_ =	shalt  }
0x3f: {  	_ =	shalt  }
0x40: {  	_ =	shalt  }
0x41: {  	_ =	shalt  }
0x42: {  	_ =	shalt  }
0x43: {  	_ =	shalt  }
0x44: {  	_ =	shalt  }
0x45: {  	_ =	shalt  }
0x46: {  	_ =	shalt  }
0x47: {  	_ =	shalt  }
0x48: {  	_ =	shalt  }
0x49: {  	_ =	shalt  }
0x4a: {  	_ =	shalt  }
0x4b: {  	_ =	shalt  }
0x4c: {  	_ =	shalt  }
0x4d: {  	_ =	shalt  }
0x4e: {  	_ =	shalt  }
0x4f: {  	_ =	shalt  }
0x50: {  	_ =	shalt  }
0x51: {  	_ =	shalt  }
0x52: {  	_ =	shalt  }
0x53: {  	_ =	shalt  }
0x54: {  	_ =	shalt  }
0x55: {  	_ =	shalt  }
0x56: {  	_ =	shalt  }
0x57: {  	_ =	shalt  }
0x58: {  	_ =	shalt  }
0x59: {  	_ =	shalt  }
0x5a: {  	_ =	shalt  }
0x5b: {  	_ =	shalt  }
0x5c: {  	_ =	shalt  }
0x5d: {  	_ =	shalt  }
0x5e: {  	_ =	shalt  }
0x5f: {  	_ =	shalt  }
0x60: {  	_ =	shalt  }
0x61: {  	_ =	shalt  }
0x62: {  	_ =	shalt  }
0x63: {  	_ =	shalt  }
0x64: {  	_ =	shalt  }
0x65: {  	_ =	shalt  }
0x66: {  	_ =	shalt  }
0x67: {  	_ =	shalt  }
0x68: {  	_ =	shalt  }
0x69: {  	_ =	shalt  }
0x6a: {  	_ =	shalt  }
0x6b: {  	_ =	shalt  }
0x6c: {  	_ =	shalt  }
0x6d: {  	_ =	shalt  }
0x6e: {  	_ =	shalt  }
0x6f: {  	_ =	shalt  }
0x70: {  	_ =	shalt  }
0x71: {  	_ =	shalt  }
0x72: {  	_ =	shalt  }
0x73: {  	_ =	shalt  }
0x74: {  	_ =	shalt  }
0x75: {  	_ =	shalt  }
0x76: {  	_ =	shalt  }
0x77: {  	_ =	shalt  }
0x78: {  	_ =	shalt  }
0x79: {  	_ =	shalt  }
0x7a: {  	_ =	shalt  }
0x7b: {  	_ =	shalt  }
0x7c: {  	_ =	shalt  }
0x7d: {  	_ =	shalt  }
0x7e: {  	_ =	shalt  }
0x7f: {  	_ =	shalt  }
0x80: {  	_ =	shalt  }
0x81: {  	_ =	shalt  }
0x82: {  	_ =	shalt  }
0x83: {  	_ =	shalt  }
0x84: {  	_ =	shalt  }
0x85: {  	_ =	shalt  }
0x86: {  	_ =	shalt  }
0x87: {  	_ =	shalt  }
.Lfunc_end0:
.L_simem_size_0:
called_computation.1_lowered:
.L_overlay_start_0:
0x88: {  	s2 =	sld [smem:$0x3FD9]  }
0x89: {  	s3 =	sld [smem:$0x3FFE];
	_ =	sdelay $0x1  }
0x8a: {  	s1 =	srdreg.scid  }
0x8b: {  	s0 =	sand.u32 $0x1, s1  }
0x8c: {  	s17 =	sshll.u32 s0, $0xA;
	s2 =	sadd.s32 s3, s2  }
0x8d: {  	s2 =	sadd.s32 s2, s17  }
0x8e: {  	[smem:$0x3FC2] =	sst s2  }
0x8f: {  	_ = 	snop  }
0x90: {  	s2 =	sld [smem:$0x3FD0];
	(tm) =	ssettm $0x1  }
0x91: {  	s18 =	sld [smem:$0x3FFB];
	_ =	sdelay $0x3  }
0x92: {  	_ =	strace s18  }
0x93: {  	s3 =	sld [smem:$0x3FFC];
	_ =	sdelay $0x3  }
0x94: {  	_ =	strace s3  }
0x95: {  	s3 =	sld [smem:$0x3FFD];
	_ =	sdelay $0x3  }
0x96: {  	_ =	strace s3  }
0x97: {  	_ =	strace $0x8FFFFFFF  }
0x98: {  	s19 =	sld [smem:$0x3FDB];
	_ =	sdelay $0x1  }
0x99: {  	s4 =	simm.s32 $_scs_section_size  }
0x9a: {  	s5 =	simm.s32 $_size__tile_overlayer_lowered;
	s6 =	simm.s32 $_tile_overlayer_lowered  }
0x9b: {  	s22 =	simm.s32 $0x1BFF;
	s21 =	sshll.u32 s6, $0x1;
	s3 =	sadd.s32 s4, s19  }
0x9c: {  	s7 =	simm.s32 $0x0;
	s20 =	sshll.u32 s5, $0x1;
	s5 =	sadd.s32 s21, s3  }
0x9d: {  	[timem:s7], [sflag:s22] =	dma.local [hbm:s5], s20  }
0x9e: {  	_ =	swait.ge [sflag:s22], s20  }
0x9f: {  	s4 =	ssub.s32 $0x0, s20;
	[sflag:s22] =	ssyncset.done $0x0  }
0xa0: {  	[sflag:s22] =	ssyncadd.s32 s4;
	_ =	sdelay $0x1  }
0xa1: {  	s23 =	simm.s32 $0x1B8B  }
0xa2: {  	_ =	swait.ge [sflag:s23], $0x1  }
0xa3: {  	[sflag:s23] =	ssyncset.done $0x0  }
0xa4: {  	s25 =	simm.s32 $0x1B8E;
	s24 =	sld [smem:$0x3FFE];
	[sflag:s23] =	ssyncadd.s32 $0xFFFFFFFF  }
0xa5: {  	s26 =	simm.s32 $execute0_lowered;
	[smem:$0x3FD2] =	sst s25  }
0xa6: {  	s5 =	sshll.u32 s26, $0x1;
	_ =	strace $0x80000049;
	[dreg:$0x1] =	wrdreg $0xFFFFFFFF  }
0xa7: {  	s28 =	simm.s32 $_size_execute0_lowered;
	s3 =	sadd.s32 s3, s5;
	[dreg:$0x0] =	wrdreg $0x0  }
0xa8: {  	s5 =	sshll.u32 s28, $0x1;
	[dreg:$0x2] =	wrdreg s3  }
0xa9: {  	[dreg:$0x3] =	wrdreg s5  }
0xaa: {  	[dreg:$0x4] =	wrdreg $0xC0  }
0xab: {  	_ =	task [dreg:s7], $0x5FFFF  }
0xac: {  	[dreg:$0x1] =	wrdreg $0xFFFFFFFF  }
0xad: {  	[dreg:$0x0] =	wrdreg $0x60  }
0xae: {  	[dreg:$0x2] =	wrdreg s24  }
0xaf: {  	[dreg:$0x3] =	wrdreg s2  }
0xb0: {  	[dreg:$0x4] =	wrdreg $0x0  }
0xb1: {  	[dreg:$0x5] =	wrdreg $0x9  }
0xb2: {  	_ =	task.clear_ibuf [dreg:s7], $0x6FFFF;
	_ =	strace $0x90000049  }
0xb3: {  	s29 =	simm.s32 $0x9;
	_ =	strace $0x8000004B  }
0xb4: {  	_ =	swait.ge [sflag:s29], $0x1  }
0xb5: {  	[sflag:s29] =	ssyncadd.s32 $0xFFFFFFFF  }
0xb6: {  	_ =	strace $0x9000004B  }
0xb7: {  	_ =	sfence  }
0xb8: {  	s30 =	sld [smem:$0x0];
	_ =	sdelay $0x2  }
0xb9: {  	s31 =	sshll.u32 s1, $0xD;
	s1 =	sshrl.u32 s1, $0x2  }
0xba: {  	s3 =	sand.u32 $0x4000, s31;
	s1 =	sadd.s32 s1, s30  }
0xbb: {  	s0 =	sor.u32 s3, s0;
	s1 =	sshll.u32 s1, $0x11  }
0xbc: {  	s0 =	sor.u32 s1, s0  }
0xbd: {  	s0 =	sadd.s32 $0x8F2B, s0  }
0xbe: {  	[sflag:s0] =	ssyncadd.remote.s32 $0x1  }
0xbf: {  	_ =	sfence.sel $0xFFFF  }
0xc0: {  	[dreg:$0x0] =	wrdreg $0xFFFFFFFF;
	(pc) =	sbr.abs _section_cstart, $3  }
0xc1: {  	[dreg:$0x1] =	wrdreg $0xFFFFFFFF  }
0xc2: {  	_ =	task.clear_ibuf [dreg:s7], $0x2FFFF;
	_ =	strace $0x9FFFFFFF  }
0xc3: {  	(tm) =	ssettm $0x7FFFFFFF  }
tec
execute0_lowered:
.L_overlay_start_1:
0x0: {  	(tag) =	ssettag $0x1  }
0x1: {  	s0 =	rddreg [dreg:$0x0]  }
0x2: {  	s1 =	rddreg [dreg:$0x1];
	s11 =	stileid.u32  }
0x3: {  	s3 =	srdreg.scid;
	s5 =	smul.u32 $0x300, s11  }
0x4: {  	s2 =	rddreg [dreg:$0x2];
	s28 =	simm.s32 $0x0;
	s8 =	smul.u32 $0x14000, s11  }
0x5: {  	s29 =	simm.s32 $0x1B800;
	s6 =	sand.u32 $0x1, s3;
	s3 =	smul.u32 $0x50000, s11  }
0x6: {  	s30 =	simm.s32 $0x1;
	s31 =	simm.s32 $0x0;
	s10 =	smul.u32 $0x7000, s11  }
0x7: {  	[smem:$0x7FF] =	sst s28;
	s4 =	sadd.s32 $0x6A00, s0;
	s22 =	smul.u32 $0xE00, s11  }
0x8: {  	s11 =	simm.s32 $0x17480;
	s7 =	smul.u32 $0x140000, s6;
	_ =	strace $0x8000004A  }
0x9: {  	s9 =	ssub.s32 $0x2, s6;
	p0 =	seq.s32 s6, $0x1;
	s5 =	sadd.s32 s5, s0  }
0xa: {  	s6 =	simm.s32 $0x2;
	s12 =	sshrl.u32 s9, $0x1;
	s14 =	sadd.s32 $0xA00, s5  }
0xb: {  	s13 =	sshrl.u32 s10, $0x3;
	s5 =	sadd.s32 $0x3A00, s5;
	[dreg:$0x5] =	wrdreg s14  }
0xc: {  	s7 =	sadd.s32 s8, s7;
	s15 =	sadd.s32 s1, s13;
	[dreg:$0x7] =	wrdreg s5  }
0xd: {  	s8 =	sshrl.u32 s3, $0x2;
	[dreg:$0x6] =	wrdreg s15;
	s3 =	sadd.s32 $0x80, s15  }
0xe: {  	s10 =	simm.s32 $0x17380;
	s19 =	sadd.s32 s8, s2;
	[dreg:$0x8] =	wrdreg s3  }
0xf: {  	s13 =	simm.s32 $0x17500;
	s17 =	sadd.s32 $0x2000, s19;
	[dreg:$0x4] =	wrdreg s19  }
0x10: {  	s7 =	sshrl.u32 s7, $0x3;
	s18 =	sadd.s32 $0x4000, s19;
	[dreg:$0xb] =	wrdreg s17  }
0x11: {  	s8 =	simm.s32 $0x17280;
	s20 =	sadd.s32 $0x6000, s19;
	[dreg:$0xc] =	wrdreg s18  }
0x12: {  	s14 =	simm.s32 $0x17680;
	s21 =	sadd.s32 $0x8000, s19;
	[dreg:$0xd] =	wrdreg s20  }
0x13: {  	s15 =	simm.s32 $0x17580;
	s23 =	sadd.s32 $0xA000, s19;
	[dreg:$0xe] =	wrdreg s21  }
0x14: {  	s0 =	sadd.s32 s7, s0;
	s24 =	sadd.s32 $0xC000, s19;
	[dreg:$0xf] =	wrdreg s23  }
0x15: {  	s7 =	ssub.s32 s9, s12;
	s25 =	sadd.s32 $0xE000, s19;
	[dreg:$0x10] =	wrdreg s24  }
0x16: {  	s26 =	sadd.s32 $0x10000, s19;
	s28 =	sadd.s32 $0x12000, s19;
	[dreg:$0x11] =	wrdreg s25  }
0x17: {  	s9 =	simm.s32 $0x17180;
	s12 =	simm.s32 $0x17600;
	[dreg:$0x12] =	wrdreg s26  }
0x18: {  	s0 =	sadd.s32 $0xA7400, s0;
	s16 =	smax.u32 s7, $0x1;
	[dreg:$0x13] =	wrdreg s28  }
.Ltmp0:
0x19: {  	s21 =	sadd.s32 s22, s1;
	s22 =	simm.s32 $0x17800;
	(pc) =	sbr.rel .LBB2_1-.Ltmp0, $4  }
0x1a: {  	s23 =	simm.s32 $0x5;
	s24 =	simm.s32 $0x17000;
	s25 =	simm.s32 $0x17400  }
0x1b: {  	s26 =	simm.s32 $0x80;
	s1 =	simm.s32 $0x17100;
	s7 =	simm.s32 $0x4  }
0x1c: {  	s17 =	simm.s32 $0x17780;
	s18 =	simm.s32 $0x3;
	[dreg:$0x9] =	wrdreg s0  }
0x1d: {  	v0 =	vimm.f32 $0.0e+00;
	[dreg:$0xa] =	wrdreg s16;
	s0 =	simm.s32 $0x17300;
	s16 =	simm.s32 $0x17700  }
.LBB2_10:
0x1e: {  	_ =	swait.ge [sflag:s6], $0x4000  }
0x1f: {  	[sflag:s6] =	ssyncset.done $0x0  }
0x20: {  	[sflag:s6] =	ssyncadd.s32 $0xFFFFC000  }
0x21: {  	[spmem:s2] =	stream.indirect.scatter.add.f32 [tilespmem:s29], [sflag:$0x5], $0x80, s17, s26, $0xb8;
	[tilespmem:$0x1F800] =	vst v63  }
0x22: {  	_ =	swait.ge [sflag:s23], $0x4000  }
0x23: {  	[sflag:s23] =	ssyncset.done $0x0;
	s19 =	rddreg [dreg:$0x4]  }
0x24: {  	s28 =	stileid.u32;
	s31 =	rddreg [dreg:$0x14];
	[sflag:s23] =	ssyncadd.s32 $0xFFFFC000  }
.LBB2_11:
0x25: {  	s3 =	sshll.u32 s28, $0x6;
	[bflag:$0x0] =	sbarrier.arrive $0xFFFF  }
0x26: {  	s5 =	sshrl.u32 s19, $0x3;
	s3 =	sor.u32 $0x1C05, s3;
	s20 =	rddreg [dreg:$0x9]  }
0x27: {  	[hbm:s20], [sflag:s3] =	dma.local [spmem:s5], $0x2800  }
0x28: {  	_ =	swait.ge [sflag:s23], $0x2800  }
0x29: {  	s31 =	sadd.s32 $0x1, s31;
	s20 =	rddreg [dreg:$0xa]  }
0x2a: {  	p1 =	sne.s32 s31, s20  }
.Ltmp1:
0x2b: {  	_ = 	snop;
	(pc) =	sbr.rel @!p1 .LBB2_12-.Ltmp1, $3  }
0x2c: {  	_ =	sdelay $0x1  }
0x2d: {  	[sflag:s23] =	ssyncset.done $0x0  }
0x2e: {  	[sflag:s23] =	ssyncadd.s32 $0xFFFFD800  }
.LBB2_1:
0x2f: {  	[dreg:$0x14] =	wrdreg s31;
	s20 =	simm.s32 $0x0;
	s5 =	simm.s32 $0x200  }
.LBB2_2:
0x30: {  	p1 =	sne.s32 s5, $0x7E00;
	[tilespmem:s20+$0x17870] =	vst v0  }
0x31: {  	[tilespmem:s20+$0x17800] =	vst v0  }
0x32: {  	[tilespmem:s20+$0x17810] =	vst v0  }
.Ltmp2:
0x33: {  	[tilespmem:s20+$0x17820] =	vst v0;
	(pc) =	sbr.rel @p1 .LBB2_2-.Ltmp2, $4  }
0x34: {  	[tilespmem:s20+$0x17830] =	vst v0  }
0x35: {  	[tilespmem:s20+$0x17840] =	vst v0  }
0x36: {  	[tilespmem:s20+$0x17850] =	vst v0  }
0x37: {  	[tilespmem:s20+$0x17860] =	vst v0;
	s20 =	sshra.s32 s5, $0x2;
	s5 =	sadd.s32 $0x200, s5  }
0x38: {  	[tilespmem:s20+$0x17870] =	vst v0  }
0x39: {  	[tilespmem:s20+$0x17800] =	vst v0  }
0x3a: {  	[tilespmem:s20+$0x17810] =	vst v0  }
0x3b: {  	[tilespmem:s20+$0x17820] =	vst v0  }
0x3c: {  	[tilespmem:s20+$0x17830] =	vst v0  }
0x3d: {  	[tilespmem:s20+$0x17840] =	vst v0  }
0x3e: {  	[tilespmem:s20+$0x17850] =	vst v0  }
0x3f: {  	[tilespmem:s20+$0x17860] =	vst v0  }
0x40: {  	[spmem:s19] =	stream.linear.scatter [tilespmem:s22], [sflag:$0x5], $0x2000, $0x38;
	[tilespmem:$0x1F800] =	vst v63  }
0x41: {  	_ =	swait.ge [sflag:s23], $0x2000  }
0x42: {  	[sflag:s23] =	ssyncset.done $0x0  }
0x43: {  	s3 =	rddreg [dreg:$0xb];
	[sflag:s23] =	ssyncadd.s32 $0xFFFFE000  }
0x44: {  	[spmem:s3] =	stream.linear.scatter [tilespmem:s22], [sflag:$0x5], $0x2000, $0x38;
	[tilespmem:$0x1F800] =	vst v63  }
0x45: {  	_ =	swait.ge [sflag:s23], $0x2000  }
0x46: {  	[sflag:s23] =	ssyncset.done $0x0  }
0x47: {  	s5 =	rddreg [dreg:$0xc];
	[sflag:s23] =	ssyncadd.s32 $0xFFFFE000  }
0x48: {  	[spmem:s5] =	stream.linear.scatter [tilespmem:s22], [sflag:$0x5], $0x2000, $0x38;
	[tilespmem:$0x1F800] =	vst v63  }
0x49: {  	_ =	swait.ge [sflag:s23], $0x2000  }
0x4a: {  	[sflag:s23] =	ssyncset.done $0x0  }
0x4b: {  	s19 =	rddreg [dreg:$0xd];
	[sflag:s23] =	ssyncadd.s32 $0xFFFFE000  }
0x4c: {  	[spmem:s19] =	stream.linear.scatter [tilespmem:s22], [sflag:$0x5], $0x2000, $0x38;
	[tilespmem:$0x1F800] =	vst v63  }
0x4d: {  	_ =	swait.ge [sflag:s23], $0x2000  }
0x4e: {  	[sflag:s23] =	ssyncset.done $0x0  }
0x4f: {  	s20 =	rddreg [dreg:$0xe];
	[sflag:s23] =	ssyncadd.s32 $0xFFFFE000  }
0x50: {  	[spmem:s20] =	stream.linear.scatter [tilespmem:s22], [sflag:$0x5], $0x2000, $0x38;
	[tilespmem:$0x1F800] =	vst v63  }
0x51: {  	_ =	swait.ge [sflag:s23], $0x2000  }
0x52: {  	[sflag:s23] =	ssyncset.done $0x0  }
0x53: {  	s28 =	rddreg [dreg:$0xf];
	[sflag:s23] =	ssyncadd.s32 $0xFFFFE000  }
0x54: {  	[spmem:s28] =	stream.linear.scatter [tilespmem:s22], [sflag:$0x5], $0x2000, $0x38;
	[tilespmem:$0x1F800] =	vst v63  }
0x55: {  	_ =	swait.ge [sflag:s23], $0x2000  }
0x56: {  	[sflag:s23] =	ssyncset.done $0x0  }
0x57: {  	s5 =	rddreg [dreg:$0x10];
	[sflag:s23] =	ssyncadd.s32 $0xFFFFE000  }
0x58: {  	[spmem:s5] =	stream.linear.scatter [tilespmem:s22], [sflag:$0x5], $0x2000, $0x38;
	[tilespmem:$0x1F800] =	vst v63  }
0x59: {  	_ =	swait.ge [sflag:s23], $0x2000  }
0x5a: {  	[sflag:s23] =	ssyncset.done $0x0  }
0x5b: {  	s19 =	rddreg [dreg:$0x11];
	[sflag:s23] =	ssyncadd.s32 $0xFFFFE000  }
0x5c: {  	[spmem:s19] =	stream.linear.scatter [tilespmem:s22], [sflag:$0x5], $0x2000, $0x38;
	[tilespmem:$0x1F800] =	vst v63  }
0x5d: {  	_ =	swait.ge [sflag:s23], $0x2000  }
0x5e: {  	[sflag:s23] =	ssyncset.done $0x0  }
0x5f: {  	s20 =	rddreg [dreg:$0x12];
	[sflag:s23] =	ssyncadd.s32 $0xFFFFE000  }
0x60: {  	[spmem:s20] =	stream.linear.scatter [tilespmem:s22], [sflag:$0x5], $0x2000, $0x38;
	[tilespmem:$0x1F800] =	vst v63  }
0x61: {  	_ =	swait.ge [sflag:s23], $0x2000  }
0x62: {  	[sflag:s23] =	ssyncset.done $0x0  }
0x63: {  	s28 =	rddreg [dreg:$0x13];
	[sflag:s23] =	ssyncadd.s32 $0xFFFFE000  }
0x64: {  	[spmem:s28] =	stream.linear.scatter [tilespmem:s22], [sflag:$0x5], $0x2000, $0x38;
	[tilespmem:$0x1F800] =	vst v63  }
.Ltmp3:
0x65: {  	_ =	swait.ge [sflag:s23], $0x2000;
	(pc) =	sbr.rel @!p0 .LBB2_4-.Ltmp3, $4  }
0x66: {  	[sflag:s23] =	ssyncset.done $0x0  }
0x67: {  	[sflag:s23] =	ssyncadd.s32 $0xFFFFE000  }
0x68: {  	[bflag:$0x0] =	sbarrier.arrive $0xFFFF  }
0x69: {  	s31 =	simm.s32 $0x17200  }
0x6a: {  	s3 =	simm.s32 $0x0;
	s5 =	rddreg [dreg:$0x6]  }
0x6b: {  	[tilespmem:s24], [sflag:$0x5] =	stream.linear.gather [hbm4b:s5+s3], $0x400, $0x38;
	[tilespmem:$0x1F800] =	vst v63  }
0x6c: {  	_ =	swait.ge [sflag:s23], $0x400  }
0x6d: {  	[sflag:s23] =	ssyncset.done $0x0  }
0x6e: {  	s19 =	rddreg [dreg:$0x8];
	[sflag:s23] =	ssyncadd.s32 $0xFFFFFC00  }
0x6f: {  	[tilespmem:s25], [sflag:$0x4] =	stream.linear.gather [hbm4b:s19+s3], $0x400, $0x38;
	[tilespmem:$0x1F800] =	vst v63  }
0x70: {  	_ = 	snop  }
0x71: {  	[tilespmem:s22], [sflag:$0x1] =	stream.indirect.gather [hbm4b:s4+s26], $0x80, s24, s26, $0xb8;
	[tilespmem:$0x1F800] =	vst v63  }
0x72: {  	s20 =	simm.s32 $0x17080  }
0x73: {  	[tilespmem:s29], [sflag:$0x2] =	stream.indirect.gather [hbm4b:s4+s26], $0x80, s20, s26, $0xb8;
	[tilespmem:$0x1F800] =	vst v63  }
0x74: {  	s28 =	simm.s32 $0x0;
	s20 =	simm.s32 $0xFFFFF300  }
.LBB2_8:
0x75: {  	_ =	swait.ge [sflag:s30], $0x4000  }
0x76: {  	[sflag:s30] =	ssyncset.done $0x0  }
0x77: {  	[sflag:s30] =	ssyncadd.s32 $0xFFFFC000  }
0x78: {  	[spmem:s2] =	stream.indirect.scatter.add.f32 [tilespmem:s22], [sflag:$0x5], $0x80, s31, s26, $0xb8;
	[tilespmem:$0x1F800] =	vst v63  }
0x79: {  	_ =	swait.ge [sflag:s23], $0x4000  }
0x7a: {  	[sflag:s23] =	ssyncset.done $0x0  }
0x7b: {  	[sflag:s23] =	ssyncadd.s32 $0xFFFFC000  }
0x7c: {  	[tilespmem:s22], [sflag:$0x1] =	stream.indirect.gather [hbm4b:s4+s26], $0x80, s1, s26, $0xb8;
	[tilespmem:$0x1F800] =	vst v63  }
0x7d: {  	_ =	swait.ge [sflag:s6], $0x4000  }
0x7e: {  	[sflag:s6] =	ssyncset.done $0x0  }
0x7f: {  	[sflag:s6] =	ssyncadd.s32 $0xFFFFC000  }
0x80: {  	[spmem:s2] =	stream.indirect.scatter.add.f32 [tilespmem:s29], [sflag:$0x5], $0x80, s8, s26, $0xb8;
	[tilespmem:$0x1F800] =	vst v63  }
0x81: {  	_ =	swait.ge [sflag:s23], $0x4000  }
0x82: {  	[sflag:s23] =	ssyncset.done $0x0  }
0x83: {  	[sflag:s23] =	ssyncadd.s32 $0xFFFFC000  }
0x84: {  	[tilespmem:s29], [sflag:$0x2] =	stream.indirect.gather [hbm4b:s4+s26], $0x80, s9, s26, $0xb8;
	[tilespmem:$0x1F800] =	vst v63  }
0x85: {  	_ =	swait.ge [sflag:s30], $0x4000  }
0x86: {  	[sflag:s30] =	ssyncset.done $0x0  }
0x87: {  	[sflag:s30] =	ssyncadd.s32 $0xFFFFC000  }
0x88: {  	[spmem:s2] =	stream.indirect.scatter.add.f32 [tilespmem:s22], [sflag:$0x5], $0x80, s0, s26, $0xb8;
	[tilespmem:$0x1F800] =	vst v63  }
0x89: {  	_ =	swait.ge [sflag:s23], $0x4000  }
0x8a: {  	[sflag:s23] =	ssyncset.done $0x0  }
0x8b: {  	[sflag:s23] =	ssyncadd.s32 $0xFFFFC000  }
0x8c: {  	_ =	swait.ge [sflag:s7], $0x400  }
0x8d: {  	[sflag:s7] =	ssyncset.done $0x0  }
0x8e: {  	[sflag:s7] =	ssyncadd.s32 $0xFFFFFC00  }
0x8f: {  	[tilespmem:s22], [sflag:$0x1] =	stream.indirect.gather [hbm4b:s4+s26], $0x80, s25, s26, $0xb8;
	[tilespmem:$0x1F800] =	vst v63  }
0x90: {  	_ =	swait.ge [sflag:s6], $0x4000  }
0x91: {  	[sflag:s6] =	ssyncset.done $0x0  }
0x92: {  	[sflag:s6] =	ssyncadd.s32 $0xFFFFC000  }
0x93: {  	[spmem:s2] =	stream.indirect.scatter.add.f32 [tilespmem:s29], [sflag:$0x5], $0x80, s10, s26, $0xb8;
	[tilespmem:$0x1F800] =	vst v63  }
0x94: {  	_ =	swait.ge [sflag:s23], $0x4000  }
0x95: {  	p1 =	seq.s32 s20, $0x0;
	[sflag:s23] =	ssyncset.done $0x0  }
0x96: {  	s3 =	sadd.s32 @!p1 s20, s21;
	[sflag:s23] =	ssyncadd.s32 $0xFFFFC000  }
0x97: {  	[tilespmem:s29], [sflag:$0x2] =	stream.indirect.gather [hbm4b:s4+s26], $0x80, s11, s26, $0xb8;
	[tilespmem:$0x1F800] =	vst v63  }
0x98: {  	s5 =	simm.s32 @!p1 $0x0;
	s19 =	simm.s32 @!p1 $0x17000;
	s3 =	sadd.s32 @!p1 $0xE00, s3  }
0x99: {  	[tilespmem:s19], [sflag:$0x3] =	stream.linear.gather @!p1 [hbm4b:s3+s5], $0x400, $0x38;
	[tilespmem:$0x1F800] =	vst v63  }
0x9a: {  	_ =	swait.ge [sflag:s30], $0x4000  }
0x9b: {  	[sflag:s30] =	ssyncset.done $0x0  }
0x9c: {  	[sflag:s30] =	ssyncadd.s32 $0xFFFFC000  }
0x9d: {  	[spmem:s2] =	stream.indirect.scatter.add.f32 [tilespmem:s22], [sflag:$0x5], $0x80, s12, s26, $0xb8;
	[tilespmem:$0x1F800] =	vst v63  }
0x9e: {  	_ =	swait.ge [sflag:s23], $0x4000  }
0x9f: {  	[sflag:s23] =	ssyncset.done $0x0  }
0xa0: {  	[sflag:s23] =	ssyncadd.s32 $0xFFFFC000  }
0xa1: {  	[tilespmem:s22], [sflag:$0x1] =	stream.indirect.gather [hbm4b:s4+s26], $0x80, s13, s26, $0xb8;
	[tilespmem:$0x1F800] =	vst v63  }
0xa2: {  	_ =	swait.ge [sflag:s6], $0x4000  }
0xa3: {  	[sflag:s6] =	ssyncset.done $0x0  }
0xa4: {  	[sflag:s6] =	ssyncadd.s32 $0xFFFFC000  }
0xa5: {  	[spmem:s2] =	stream.indirect.scatter.add.f32 [tilespmem:s29], [sflag:$0x5], $0x80, s14, s26, $0xb8;
	[tilespmem:$0x1F800] =	vst v63  }
0xa6: {  	_ =	swait.ge [sflag:s23], $0x4000  }
0xa7: {  	[sflag:s23] =	ssyncset.done $0x0  }
0xa8: {  	[sflag:s23] =	ssyncadd.s32 $0xFFFFC000  }
0xa9: {  	[tilespmem:s29], [sflag:$0x2] =	stream.indirect.gather [hbm4b:s4+s26], $0x80, s15, s26, $0xb8;
	[tilespmem:$0x1F800] =	vst v63  }
0xaa: {  	_ =	swait.ge [sflag:s30], $0x4000  }
0xab: {  	[sflag:s30] =	ssyncset.done $0x0  }
.Ltmp4:
0xac: {  	[sflag:s30] =	ssyncadd.s32 $0xFFFFC000;
	(pc) =	sbr.rel @p1 .LBB2_10-.Ltmp4, $4  }
0xad: {  	[spmem:s2] =	stream.indirect.scatter.add.f32 [tilespmem:s22], [sflag:$0x5], $0x80, s16, s26, $0xb8;
	[tilespmem:$0x1F800] =	vst v63  }
0xae: {  	_ =	swait.ge [sflag:s23], $0x4000  }
0xaf: {  	[sflag:s23] =	ssyncset.done $0x0  }
0xb0: {  	[sflag:s23] =	ssyncadd.s32 $0xFFFFC000  }
0xb1: {  	_ =	swait.ge [sflag:s18], $0x400  }
0xb2: {  	[sflag:s18] =	ssyncset.done $0x0  }
0xb3: {  	[sflag:s18] =	ssyncadd.s32 $0xFFFFFC00  }
0xb4: {  	[tilespmem:s22], [sflag:$0x1] =	stream.indirect.gather [hbm4b:s4+s26], $0x80, s24, s26, $0xb8;
	[tilespmem:$0x1F800] =	vst v63  }
0xb5: {  	_ =	swait.ge [sflag:s6], $0x4000  }
0xb6: {  	[sflag:s6] =	ssyncset.done $0x0  }
0xb7: {  	[sflag:s6] =	ssyncadd.s32 $0xFFFFC000  }
0xb8: {  	[spmem:s2] =	stream.indirect.scatter.add.f32 [tilespmem:s29], [sflag:$0x5], $0x80, s17, s26, $0xb8;
	[tilespmem:$0x1F800] =	vst v63  }
0xb9: {  	_ =	swait.ge [sflag:s23], $0x4000  }
.Ltmp5:
0xba: {  	[sflag:s23] =	ssyncset.done $0x0;
	(pc) =	sbr.rel .LBB2_8-.Ltmp5, $4  }
0xbb: {  	s3 =	simm.s32 $0x17080;
	s19 =	sadd.s32 s20, s21;
	[sflag:s23] =	ssyncadd.s32 $0xFFFFC000  }
0xbc: {  	[tilespmem:s29], [sflag:$0x2] =	stream.indirect.gather [hbm4b:s4+s26], $0x80, s3, s26, $0xb8;
	[tilespmem:$0x1F800] =	vst v63  }
0xbd: {  	s20 =	sadd.s32 $0x100, s20;
	s3 =	sadd.s32 $0xE80, s19  }
0xbe: {  	[tilespmem:s25], [sflag:$0x4] =	stream.linear.gather [hbm4b:s3+s28], $0x400, $0x38;
	[tilespmem:$0x1F800] =	vst v63  }
.LBB2_4:
0xbf: {  	s5 =	simm.s32 $0x0;
	s3 =	rddreg [dreg:$0x5];
	s19 =	simm.s32 $0x14000  }
0xc0: {  	[tilespmem:s19], [sflag:$0x5] =	stream.linear.gather [hbm4b:s3+s5], $0x1700, $0x38;
	[tilespmem:$0x1F800] =	vst v63  }
0xc1: {  	_ =	swait.ge [sflag:s23], $0x1700  }
0xc2: {  	[sflag:s23] =	ssyncset.done $0x0  }
0xc3: {  	s20 =	simm.s32 $0x15800;
	s19 =	rddreg [dreg:$0x7];
	[sflag:s23] =	ssyncadd.s32 $0xFFFFE900  }
0xc4: {  	[tilespmem:s20], [sflag:$0x5] =	stream.linear.gather [hbm4b:s19+s5], $0x1700, $0x38;
	[tilespmem:$0x1F800] =	vst v63  }
0xc5: {  	_ =	swait.ge [sflag:s23], $0x1700  }
0xc6: {  	[sflag:s23] =	ssyncset.done $0x0  }
0xc7: {  	s28 =	simm.s32 $0x14000;
	[sflag:s23] =	ssyncadd.s32 $0xFFFFE900  }
0xc8: {  	[tilespmem:s22], [sflag:$0x5] =	stream.indirect.gather [hbm4b:s4+s26], $0x80, s28, s26, $0xb8;
	[tilespmem:$0x1F800] =	vst v63  }
0xc9: {  	_ =	swait.ge [sflag:s23], $0x4000  }
0xca: {  	[sflag:s23] =	ssyncset.done $0x0  }
0xcb: {  	s31 =	simm.s32 $0x15800;
	[sflag:s23] =	ssyncadd.s32 $0xFFFFC000  }
0xcc: {  	[spmem:s2] =	stream.indirect.scatter.add.f32 [tilespmem:s22], [sflag:$0x5], $0x80, s31, s26, $0xb8;
	[tilespmem:$0x1F800] =	vst v63  }
0xcd: {  	_ =	swait.ge [sflag:s23], $0x4000  }
0xce: {  	s5 =	simm.s32 $0x400;
	s20 =	simm.s32 $0x80;
	[sflag:s23] =	ssyncset.done $0x0  }
.LBB2_5:
0xcf: {  	s3 =	sadd.s32 $0x14000, s20  }
0xd0: {  	[sflag:s23] =	ssyncadd.s32 $0xFFFFC000;
	s19 =	smov.u32 s5;
	s28 =	sadd.s32 $0x200, s5  }
0xd1: {  	[tilespmem:s22], [sflag:$0x5] =	stream.indirect.gather [hbm4b:s4+s26], $0x80, s3, s26, $0xb8;
	[tilespmem:$0x1F800] =	vst v63  }
0xd2: {  	p1 =	seq.s32 s5, $0x5A00;
	_ =	swait.ge [sflag:s23], $0x4000  }
.Ltmp6:
0xd3: {  	[sflag:s23] =	ssyncset.done $0x0;
	(pc) =	sbr.rel @!p1 .LBB2_5-.Ltmp6, $4  }
0xd4: {  	s3 =	sadd.s32 $0x15800, s20;
	[sflag:s23] =	ssyncadd.s32 $0xFFFFC000  }
0xd5: {  	[spmem:s2] =	stream.indirect.scatter.add.f32 [tilespmem:s22], [sflag:$0x5], $0x80, s3, s26, $0xb8;
	[tilespmem:$0x1F800] =	vst v63  }
0xd6: {  	_ =	swait.ge [sflag:s23], $0x4000  }
0xd7: {  	s20 =	sshra.s32 s19, $0x2;
	s5 =	smov.u32 s28;
	[sflag:s23] =	ssyncset.done $0x0  }
0xd8: {  	s3 =	sadd.s32 $0x14000, s20;
	[sflag:s23] =	ssyncadd.s32 $0xFFFFC000  }
0xd9: {  	[tilespmem:s22], [sflag:$0x5] =	stream.indirect.gather [hbm4b:s4+s26], $0x80, s3, s26, $0xb8;
	[tilespmem:$0x1F800] =	vst v63  }
0xda: {  	_ =	swait.ge [sflag:s23], $0x4000  }
0xdb: {  	[sflag:s23] =	ssyncset.done $0x0  }
.Ltmp7:
0xdc: {  	s20 =	sadd.s32 $0x15800, s20;
	[sflag:s23] =	ssyncadd.s32 $0xFFFFC000;
	(pc) =	sbr.rel .LBB2_11-.Ltmp7, $4  }
0xdd: {  	[spmem:s2] =	stream.indirect.scatter.add.f32 [tilespmem:s22], [sflag:$0x5], $0x80, s20, s26, $0xb8;
	[tilespmem:$0x1F800] =	vst v63  }
0xde: {  	_ =	swait.ge [sflag:s23], $0x4000  }
0xdf: {  	[sflag:s23] =	ssyncset.done $0x0;
	s19 =	rddreg [dreg:$0x4]  }
0xe0: {  	s28 =	stileid.u32;
	s31 =	rddreg [dreg:$0x14];
	[sflag:s23] =	ssyncadd.s32 $0xFFFFC000  }
.LBB2_12:
0xe1: {  	_ =	sfence.sel $0x180000  }
0xe2: {  	[bflag:$0x0] =	sbarrier.arrive $0xFFFF  }
0xe3: {  	_ =	strace $0x9000004A  }
0xe4: {  	[bflag:$0x2] =	sbarrier.arrive $0xFFFF  }
0xe5: {  	p0 =	sne.s32 s28, $0x0;
	s0 =	rddreg [dreg:$0x3]  }
0xe6: {  	s0 =	sadd.s32 @!p0 $0x100000, s0  }
0xe7: {  	[sflag:s0] =	ssyncadd.tile.s32 @!p0 $0x1;
	_ =	shalt  }
.Lfunc_end2:
_tile_overlayer_lowered:
.L_overlay_start_2:
0xe8: {  	(tag) =	ssettag $0x2  }
0xe9: {  	s0 =	rddreg [dreg:$0x0];
	s2 =	stileid.u32  }
0xea: {  	s1 =	rddreg [dreg:$0x1];
	p0 =	sne.s32 s2, $0x0  }
0xeb: {  	s3 =	rddreg [dreg:$0x2];
	[bflag:$0x3] =	sbarrier.arrive $0xFFFF;
	s2 =	simm.s32 @!p0 $0x1C05  }
0xec: {  	[timem:s3], [sflag:s2] =	dma.local @!p0 [hbm:s0], s1  }
0xed: {  	s0 =	simm.s32 @!p0 $0x5  }
0xee: {  	_ =	swait.ge @!p0 [sflag:s0], s1  }
0xef: {  	s1 =	ssub.s32 @!p0 $0x0, s1;
	[sflag:s0] =	ssyncset.done @!p0 $0x0  }
0xf0: {  	[sflag:s0] =	ssyncadd.s32 @!p0 s1  }
0xf1: {  	[bflag:$0x3] =	sbarrier.arrive $0xFFFF  }
0xf2: {  	_ =	shalt  }

</sc_bundles>
